<compile_context>
chip_gen: v7x
topology: tpu7x:2x2x1
jax: 0.10.2.dev20260603
libtpu: 0.0.44.dev20260713+nightly
codegen_flags: <defaults>
</compile_context>

<pallas_src>
import functools

import jax
import jax.numpy as jnp
from jax import lax
from jax.experimental import pallas as pl
from jax.experimental.pallas import tpu as pltpu
from jax.experimental.pallas import tpu_sc as plsc

N = 10000
E = 320000
D = 128
DH = D // 2

NC = 2
NS = 16
L = 16

SUPER = 128
NSUP_T = 160
NPH = 2
SPP = NSUP_T // NPH
NBUF = 10
EPT = SUPER * NSUP_T
E_PAD = EPT * NS
NROW2D = E_PAD // SUPER
N_PAD = 10240
ROWS_PT = N_PAD // NS
DUMMY_ROW = 10100
RB = 64
ADT = jnp.bfloat16
AL = 32


def _mm_body(x_ref, wn_ref, h_ref):
    dn = (((1,), (1,)), ((), ()))
    h_ref[0] = lax.dot_general(
        x_ref[...], wn_ref[0], dn,
        preferred_element_type=jnp.float32).astype(ADT)


def _matmul_h(x, wn2):
    blk = 1000
    return pl.pallas_call(
        _mm_body,
        grid=(NC, N // blk),
        in_specs=[
            pl.BlockSpec((blk, D), lambda g, i: (i, 0)),
            pl.BlockSpec((1, DH, D), lambda g, i: (g, 0, 0)),
        ],
        out_specs=pl.BlockSpec((1, blk, DH), lambda g, i: (g, i, 0)),
        out_shape=jax.ShapeDtypeStruct((NC, N, DH), ADT),
    )(x, wn2)


def _sc_body(h_hbm, src_hbm, dst_hbm, ps_hbm, pc_hbm,
             slab_s, slab_d,
             r0, r1, r2, r3, r4, r5, r6, r7, r8, r9, hist, zt, acc,
             gs0, gs1, gs2, gs3, gs4, gs5, gs6, gs7, gs8, gs9,
             ss0, ss1, ss2, ss3, ss4, ss5, ss6, ss7, ss8, ss9):
    c = lax.axis_index("c")
    s = lax.axis_index("s")
    rows = (r0, r1, r2, r3, r4, r5, r6, r7, r8, r9)
    gsem = (gs0, gs1, gs2, gs3, gs4, gs5, gs6, gs7, gs8, gs9)
    ssem = (ss0, ss1, ss2, ss3, ss4, ss5, ss6, ss7, ss8, ss9)
    row0_2d = s * NSUP_T
    arow0 = s * ROWS_PT

    def zt_row(r, carry):
        for j in range(DH // AL):
            zt[r, pl.ds(j * AL, AL)] = jnp.zeros((AL,), ADT)
        return carry

    lax.fori_loop(0, RB, zt_row, 0)

    def hist_blk(i, carry):
        hist[pl.ds(i * L, L)] = jnp.zeros((L,), jnp.float32)
        return carry

    lax.fori_loop(0, N_PAD // L, hist_blk, 0)

    def zero_blk(j, carry):
        pltpu.sync_copy(zt, acc.at[pl.ds(arow0 + j * RB, RB), :])
        return carry

    lax.fori_loop(0, ROWS_PT // RB, zero_blk, 0)
    plsc.subcore_barrier()

    ones16 = jnp.ones((L,), jnp.float32)

    def run_phase(ph):
        base = ph * SPP
        pltpu.sync_copy(src_hbm.at[pl.ds(row0_2d + base, SPP), :], slab_s)
        pltpu.sync_copy(dst_hbm.at[c, pl.ds(row0_2d + base, SPP), :], slab_d)

        @pl.when(c == 0)
        def _hist():
            def hrow(r, carry):
                for j in range(SUPER // L):
                    idx16 = slab_s[r, pl.ds(j * L, L)]
                    plsc.addupdate_scatter(hist, [idx16], ones16)
                return carry

            lax.fori_loop(0, SPP, hrow, 0)

        def g_issue(i, b):
            pltpu.async_copy(h_hbm.at[slab_d.at[i]], rows[b], gsem[b])

        def g_wait(i, b):
            pltpu.make_async_copy(
                h_hbm.at[slab_d.at[i]], rows[b], gsem[b]).wait()

        def s_issue(i, b):
            pltpu.async_copy(rows[b], acc.at[slab_s.at[i]], ssem[b], add=True)

        def s_wait(i, b):
            pltpu.make_async_copy(
                rows[b], acc.at[slab_s.at[i]], ssem[b]).wait()

        half = NBUF // 2
        for i in range(half):
            g_issue(i, i)
        for i in range(half, NBUF):
            g_issue(i, i)
            g_wait(i - half, i - half)
            s_issue(i - half, i - half)

        def main(k, carry):
            for off in range(NBUF):
                i = NBUF * k + off
                s_wait(i - NBUF, off)
                g_issue(i, off)
                j = i - half
                bj = (off + half) % NBUF
                g_wait(j, bj)
                s_issue(j, bj)
            return carry

        lax.fori_loop(1, SPP // NBUF, main, 0)

        for j in range(SPP - half, SPP):
            g_wait(j, j % NBUF)
            s_issue(j, j % NBUF)
        for j in range(SPP - NBUF, SPP):
            s_wait(j, j % NBUF)

    for ph in range(NPH):
        run_phase(ph)
    plsc.subcore_barrier()

    def out_blk(j, carry):
        r = arow0 + j * RB
        pltpu.sync_copy(acc.at[pl.ds(r, RB), :], zt)
        pltpu.sync_copy(zt, ps_hbm.at[c, pl.ds(r, RB), :])
        return carry

    lax.fori_loop(0, ROWS_PT // RB, out_blk, 0)

    @pl.when(c == 0)
    def _hist_out():
        pltpu.sync_copy(hist, pc_hbm.at[s])


_sc_call = functools.partial(
    pl.kernel,
    out_type=[
        jax.ShapeDtypeStruct((NC, N_PAD, DH), ADT),
        jax.ShapeDtypeStruct((NS, N_PAD), jnp.float32),
    ],
    mesh=plsc.VectorSubcoreMesh(core_axis_name="c", subcore_axis_name="s"),
    compiler_params=pltpu.CompilerParams(use_tc_tiling_on_sc=False,
                                        needs_layout_passes=False),
    scratch_types=[
        pltpu.VMEM((SPP, SUPER), jnp.int32),
        pltpu.VMEM((SPP, SUPER), jnp.int32),
        pltpu.VMEM((SUPER, DH), ADT),
        pltpu.VMEM((SUPER, DH), ADT),
        pltpu.VMEM((SUPER, DH), ADT),
        pltpu.VMEM((SUPER, DH), ADT),
        pltpu.VMEM((SUPER, DH), ADT),
        pltpu.VMEM((SUPER, DH), ADT),
        pltpu.VMEM((SUPER, DH), ADT),
        pltpu.VMEM((SUPER, DH), ADT),
        pltpu.VMEM((SUPER, DH), ADT),
        pltpu.VMEM((SUPER, DH), ADT),
        pltpu.VMEM((N_PAD,), jnp.float32),
        pltpu.VMEM((RB, DH), ADT),
        pltpu.VMEM_SHARED((N_PAD, DH), ADT),
        pltpu.SemaphoreType.DMA,
        pltpu.SemaphoreType.DMA,
        pltpu.SemaphoreType.DMA,
        pltpu.SemaphoreType.DMA,
        pltpu.SemaphoreType.DMA,
        pltpu.SemaphoreType.DMA,
        pltpu.SemaphoreType.DMA,
        pltpu.SemaphoreType.DMA,
        pltpu.SemaphoreType.DMA,
        pltpu.SemaphoreType.DMA,
        pltpu.SemaphoreType.DMA,
        pltpu.SemaphoreType.DMA,
        pltpu.SemaphoreType.DMA,
        pltpu.SemaphoreType.DMA,
        pltpu.SemaphoreType.DMA,
        pltpu.SemaphoreType.DMA,
        pltpu.SemaphoreType.DMA,
        pltpu.SemaphoreType.DMA,
        pltpu.SemaphoreType.DMA,
        pltpu.SemaphoreType.DMA,
    ],
)(_sc_body)


def _cnt_body(pc_ref, o_ref):
    o_ref[...] = jnp.sum(pc_ref[...], axis=0)[:, None]


def _cnt_reduce(pc):
    return pl.pallas_call(
        _cnt_body,
        out_shape=jax.ShapeDtypeStruct((N_PAD, 1), jnp.float32),
    )(pc)


def _fin_body(x_ref, ws_ref, ps_ref, pc_ref, o_ref):
    dn = (((1,), (1,)), ((), ()))
    sf = lax.dot_general(x_ref[...], ws_ref[...], dn,
                         preferred_element_type=jnp.float32)
    sums = jnp.concatenate(
        [ps_ref[0], ps_ref[1]], axis=1).astype(jnp.float32)
    cnts = pc_ref[...]
    agg = sums / jnp.maximum(cnts, 1.0)
    neigh = jnp.where(agg >= 0, agg, 0.2 * agg)
    out = sf + neigh
    out = jnp.where(out >= 0, out, 0.2 * out)
    nrm = jnp.sqrt(jnp.sum(out * out, axis=1, keepdims=True))
    o_ref[...] = out / jnp.maximum(nrm, 1e-12)


def _finalize(x, ws, ps, pc):
    blk = 1000
    grid = N // blk
    return pl.pallas_call(
        _fin_body,
        grid=(grid,),
        in_specs=[
            pl.BlockSpec((blk, D), lambda i: (i, 0)),
            pl.BlockSpec((D, D), lambda i: (0, 0)),
            pl.BlockSpec((NC, blk, DH), lambda i: (0, i, 0)),
            pl.BlockSpec((blk, 1), lambda i: (i, 0)),
        ],
        out_specs=pl.BlockSpec((blk, D), lambda i: (i, 0)),
        out_shape=jax.ShapeDtypeStruct((N, D), jnp.float32),
    )(x, ws, ps, pc)


@jax.jit
def kernel(node_fts, edges, edge_fts, W_self, W_neigh):
    del edge_fts
    h = _matmul_h(node_fts, W_neigh.reshape(NC, DH, D))
    h_flat = h.reshape(NC * N, DH)
    pad = E_PAD - E
    src_p = jnp.concatenate(
        [edges[0], jnp.full((pad,), DUMMY_ROW, jnp.int32)])
    dst_p = jnp.concatenate([edges[1], jnp.zeros((pad,), jnp.int32)])
    src2d = src_p.reshape(NROW2D, SUPER)
    dst3d = jnp.stack([dst_p, dst_p + N]).reshape(NC, NROW2D, SUPER)
    ps, pc = _sc_call(h_flat, src2d, dst3d)
    cnt1 = _cnt_reduce(pc)
    return _finalize(node_fts, W_self, ps, cnt1)

# --- scband reference (transcript-rebuilt; emitter-appended) ---
"""Pipeline reference for scband-graph-convolution-28578712388014 (READ-ONLY COPY).

The authoritative reference and input builder live on the scoring server;
editing this copy changes nothing except your own understanding.
"""

import jax, jax.numpy as jnp
import numpy as np

N_NODES = 10000
N_EDGES = 320000
D_IN = 128
D_OUT = 128
D_EDGE = 16


def _xavier(key, out_f, in_f, gain=1.414):
    limit = gain * np.sqrt(6.0 / (in_f + out_f))
    return jax.random.uniform(key, (out_f, in_f), minval=-limit, maxval=limit, dtype=jnp.float32)


def setup_inputs(seed: int = 0) -> dict:
    key = jax.random.key(seed)
    k1, k2, k3, k4, k5 = jax.random.split(key, 5)
    node_fts = jax.random.normal(k1, (N_NODES, D_IN), dtype=jnp.float32)
    edges = jax.random.randint(k2, (2, N_EDGES), 0, N_NODES, dtype=jnp.int32)
    edge_fts = jax.random.normal(k3, (N_EDGES, D_EDGE), dtype=jnp.float32)
    W_self = _xavier(k4, D_OUT, D_IN)
    W_neigh = _xavier(k5, D_OUT, D_IN)
    return {"node_fts": node_fts, "edges": edges, "edge_fts": edge_fts, "W_self": W_self, "W_neigh": W_neigh}


def _leaky(x):
    return jnp.where(x >= 0, x, 0.2 * x)


def reference(node_fts, edges, edge_fts, W_self, W_neigh):
    n = node_fts.shape[0]
    # lin_self(node_fts)
    src_node_fts = node_fts @ W_self.T
    # gather source features along edges
    dst_node_fts = node_fts[edges[1]]
    # scatter mean over edges[0]
    sums = jax.ops.segment_sum(dst_node_fts, edges[0], num_segments=n)
    counts = jax.ops.segment_sum(jnp.ones((edges.shape[1], 1), dtype=jnp.float32), edges[0], num_segments=n)
    agg = sums / jnp.clip(counts, 1.0)
    # lin_neigh + LeakyReLU(0.2)
    neigh = _leaky(agg @ W_neigh.T)
    # update_mode == 'sum'
    out = _leaky(src_node_fts + neigh)
    # F.normalize(p=2, dim=1) with eps 1e-12
    norm = jnp.linalg.norm(out, axis=1, keepdims=True)
    out = out / jnp.clip(norm, 1e-12)
    return out

if __name__ == "__main__":
    import jax
    _d = setup_inputs()
    print(jax.jit(kernel)(*tuple(_d.values())))

</pallas_src>

<mosaic_0001>
#map = affine_map<(d0, d1) -> (0, 0)>
#map1 = affine_map<(d0, d1) -> (0, 0, 0)>
module attributes {stable_mosaic.version = 14 : i64} {
  func.func @_sc_body(%arg0: i32, %arg1: i32, %arg2: memref<20000x64xbf16, #tpu.memory_space<hbm>>, %arg3: memref<2560x128xi32, #tpu.memory_space<hbm>>, %arg4: memref<2x2560x128xi32, #tpu.memory_space<hbm>>, %arg5: memref<2x10240x64xbf16, #tpu.memory_space<hbm>>, %arg6: memref<16x10240xf32, #tpu.memory_space<hbm>>, %arg7: memref<80x128xi32, #tpu.memory_space<vmem>>, %arg8: memref<80x128xi32, #tpu.memory_space<vmem>>, %arg9: memref<128x64xbf16, #tpu.memory_space<vmem>>, %arg10: memref<128x64xbf16, #tpu.memory_space<vmem>>, %arg11: memref<128x64xbf16, #tpu.memory_space<vmem>>, %arg12: memref<128x64xbf16, #tpu.memory_space<vmem>>, %arg13: memref<128x64xbf16, #tpu.memory_space<vmem>>, %arg14: memref<128x64xbf16, #tpu.memory_space<vmem>>, %arg15: memref<128x64xbf16, #tpu.memory_space<vmem>>, %arg16: memref<128x64xbf16, #tpu.memory_space<vmem>>, %arg17: memref<128x64xbf16, #tpu.memory_space<vmem>>, %arg18: memref<128x64xbf16, #tpu.memory_space<vmem>>, %arg19: memref<10240xf32, #tpu.memory_space<vmem>>, %arg20: memref<64x64xbf16, #tpu.memory_space<vmem>>, %arg21: memref<10240x64xbf16, #tpu.memory_space<vmem_shared>>, %arg22: memref<!tpu.dma_semaphore, #tpu.memory_space<semaphore_mem>>, %arg23: memref<!tpu.dma_semaphore, #tpu.memory_space<semaphore_mem>>, %arg24: memref<!tpu.dma_semaphore, #tpu.memory_space<semaphore_mem>>, %arg25: memref<!tpu.dma_semaphore, #tpu.memory_space<semaphore_mem>>, %arg26: memref<!tpu.dma_semaphore, #tpu.memory_space<semaphore_mem>>, %arg27: memref<!tpu.dma_semaphore, #tpu.memory_space<semaphore_mem>>, %arg28: memref<!tpu.dma_semaphore, #tpu.memory_space<semaphore_mem>>, %arg29: memref<!tpu.dma_semaphore, #tpu.memory_space<semaphore_mem>>, %arg30: memref<!tpu.dma_semaphore, #tpu.memory_space<semaphore_mem>>, %arg31: memref<!tpu.dma_semaphore, #tpu.memory_space<semaphore_mem>>, %arg32: memref<!tpu.dma_semaphore, #tpu.memory_space<semaphore_mem>>, %arg33: memref<!tpu.dma_semaphore, #tpu.memory_space<semaphore_mem>>, %arg34: memref<!tpu.dma_semaphore, #tpu.memory_space<semaphore_mem>>, %arg35: memref<!tpu.dma_semaphore, #tpu.memory_space<semaphore_mem>>, %arg36: memref<!tpu.dma_semaphore, #tpu.memory_space<semaphore_mem>>, %arg37: memref<!tpu.dma_semaphore, #tpu.memory_space<semaphore_mem>>, %arg38: memref<!tpu.dma_semaphore, #tpu.memory_space<semaphore_mem>>, %arg39: memref<!tpu.dma_semaphore, #tpu.memory_space<semaphore_mem>>, %arg40: memref<!tpu.dma_semaphore, #tpu.memory_space<semaphore_mem>>, %arg41: memref<!tpu.dma_semaphore, #tpu.memory_space<semaphore_mem>>) attributes {dimension_semantics = [#tpu.dimension_semantics<core_parallel>, #tpu.dimension_semantics<subcore_parallel>], iteration_bounds = array<i64: 2, 16>, scalar_prefetch = 0 : i64, scratch_operands = 35 : i64, tpu.core_type = #tpu.core_type<sc_vector_subcore>, window_params = [{transform_indices = #map}, {transform_indices = #map}, {transform_indices = #map1}, {transform_indices = #map1}, {transform_indices = #map}]} {
    %mul3A = arith.constant 160 : i32
    %mul3A_0 = arith.muli %arg1, %mul3A : i32
    %mul3A_1 = arith.constant 640 : i32
    %mul3A_2 = arith.muli %arg1, %mul3A_1 : i32
    %scan3A = arith.constant 0 : i32
    %scan3A_3 = arith.constant 0 : i32
    %scan3A_4 = arith.constant 64 : i32
    %scan3A_5 = arith.addi %scan3A_3, %scan3A_4 : i32
    %scan3A_6 = arith.constant 1 : i32
    scf.for %scan3A_617 = %scan3A_3 to %scan3A_5 step %scan3A_6  : i32 {
      %broadcast_in_dim3A_618 = arith.constant 0.000000e+00 : bf16
      %broadcast_in_dim3A_619 = vector.broadcast %broadcast_in_dim3A_618 : bf16 to vector<32xbf16>
      %swap3A = arith.index_cast %scan3A_617 : i32 to index
      %swap3A_620 = arith.constant 0 : index
      %swap3A_621 = tpu.vector_load %arg20[%swap3A, %swap3A_620] {strides = array<i32>} : memref<64x64xbf16, #tpu.memory_space<vmem>>, vector<32xbf16>,
      tpu.vector_store %arg20[%swap3A, %swap3A_620], %broadcast_in_dim3A_619 {strides = array<i32>} : memref<64x64xbf16, #tpu.memory_space<vmem>>, vector<32xbf16>,
      %broadcast_in_dim3A_622 = arith.constant 0.000000e+00 : bf16
      %broadcast_in_dim3A_623 = vector.broadcast %broadcast_in_dim3A_622 : bf16 to vector<32xbf16>
      %swap3A_624 = arith.index_cast %scan3A_617 : i32 to index
      %swap3A_625 = arith.constant 32 : index
      %swap3A_626 = tpu.vector_load %arg20[%swap3A_624, %swap3A_625] {strides = array<i32>} : memref<64x64xbf16, #tpu.memory_space<vmem>>, vector<32xbf16>,
      tpu.vector_store %arg20[%swap3A_624, %swap3A_625], %broadcast_in_dim3A_623 {strides = array<i32>} : memref<64x64xbf16, #tpu.memory_space<vmem>>, vector<32xbf16>,
    }
    %scan3A_7 = arith.constant 64 : i32
    %scan3A_8 = arith.constant 0 : i32
    %scan3A_9 = arith.constant 0 : i32
    %scan3A_10 = arith.constant 640 : i32
    %scan3A_11 = arith.addi %scan3A_9, %scan3A_10 : i32
    %scan3A_12 = arith.constant 1 : i32
    scf.for %scan3A_617 = %scan3A_9 to %scan3A_11 step %scan3A_12  : i32 {
      %broadcast_in_dim3A_618 = arith.constant 0.000000e+00 : f32
      %broadcast_in_dim3A_619 = vector.broadcast %broadcast_in_dim3A_618 : f32 to vector<16xf32>
      %mul3A_620 = arith.constant 16 : i32
      %mul3A_621 = arith.muli %scan3A_617, %mul3A_620 : i32
      %swap3A = arith.index_cast %mul3A_621 : i32 to index
      %swap3A_622 = tpu.vector_load %arg19[%swap3A] {strides = array<i32>} : memref<10240xf32, #tpu.memory_space<vmem>>, vector<16xf32>,
      tpu.vector_store %arg19[%swap3A], %broadcast_in_dim3A_619 {strides = array<i32>} : memref<10240xf32, #tpu.memory_space<vmem>>, vector<16xf32>,
    }
    %scan3A_13 = arith.constant 640 : i32
    %scan3A_14 = arith.constant 0 : i32
    %scan3A_15 = arith.constant 0 : i32
    %scan3A_16 = arith.constant 10 : i32
    %scan3A_17 = arith.addi %scan3A_15, %scan3A_16 : i32
    %scan3A_18 = arith.constant 1 : i32
    scf.for %scan3A_617 = %scan3A_15 to %scan3A_17 step %scan3A_18  : i32 {
      %mul3A_618 = arith.constant 64 : i32
      %mul3A_619 = arith.muli %scan3A_617, %mul3A_618 : i32
      %add3A_620 = arith.addi %mul3A_2, %mul3A_619 : i32
      "tpu.region"() ({
        %run_scoped3A = tpu.sem_alloc : memref<!tpu.dma_semaphore, #tpu.memory_space<semaphore_mem>>
        %dma_start3A_621 = arith.constant 0 : i32
        %dma_start3A_622 = tpu.memref_slice %arg21[%add3A_620, %dma_start3A_621] : memref<10240x64xbf16, #tpu.memory_space<vmem_shared>> -> memref<64x64xbf16, #tpu.memory_space<vmem_shared>>
        %dma_start3A_623 = arith.constant 0 : i32
        %dma_start3A_624 = tpu.memref_slice %arg21[%add3A_620, %dma_start3A_623] : memref<10240x64xbf16, #tpu.memory_space<vmem_shared>> -> memref<64x64xbf16, #tpu.memory_space<vmem_shared>>
        tpu.enqueue_dma source(%arg20 : memref<64x64xbf16, #tpu.memory_space<vmem>>) target(%dma_start3A_624 : memref<64x64xbf16, #tpu.memory_space<vmem_shared>>) target_semaphore(%run_scoped3A : memref<!tpu.dma_semaphore, #tpu.memory_space<semaphore_mem>>)
        %dma_wait3A_625 = arith.constant 0 : i32
        %dma_wait3A_626 = tpu.memref_slice %arg21[%add3A_620, %dma_wait3A_625] : memref<10240x64xbf16, #tpu.memory_space<vmem_shared>> -> memref<64x64xbf16, #tpu.memory_space<vmem_shared>>
        %dma_wait3A_627 = arith.constant 0 : i32
        %dma_wait3A_628 = tpu.memref_slice %arg21[%add3A_620, %dma_wait3A_627] : memref<10240x64xbf16, #tpu.memory_space<vmem_shared>> -> memref<64x64xbf16, #tpu.memory_space<vmem_shared>>
        tpu.wait_dma2 semaphore(%run_scoped3A : memref<!tpu.dma_semaphore, #tpu.memory_space<semaphore_mem>>) src(%arg20 : memref<64x64xbf16, #tpu.memory_space<vmem>>) dst(%dma_wait3A_628 : memref<64x64xbf16, #tpu.memory_space<vmem_shared>>)
        tpu.yield
      }) : () -> ()
    }
    %scan3A_19 = arith.constant 10 : i32
    %barrier3A = arith.constant 0 : index
    tpu.barrier barrier_id(%barrier3A)
    %broadcast_in_dim3A = arith.constant 1.000000e+00 : f32
    %broadcast_in_dim3A_20 = vector.broadcast %broadcast_in_dim3A : f32 to vector<16xf32>
    %add3A = arith.constant 0 : i32
    %add3A_21 = arith.addi %mul3A_0, %add3A : i32
    "tpu.region"() ({
      %run_scoped3A = tpu.sem_alloc : memref<!tpu.dma_semaphore, #tpu.memory_space<semaphore_mem>>
      %dma_start3A_617 = arith.constant 0 : i32
      %dma_start3A_618 = tpu.memref_slice %arg3[%add3A_21, %dma_start3A_617] : memref<2560x128xi32, #tpu.memory_space<hbm>> -> memref<80x128xi32, #tpu.memory_space<hbm>>
      %dma_start3A_619 = arith.constant 0 : i32
      %dma_start3A_620 = tpu.memref_slice %arg3[%add3A_21, %dma_start3A_619] : memref<2560x128xi32, #tpu.memory_space<hbm>> -> memref<80x128xi32, #tpu.memory_space<hbm>>
      tpu.enqueue_dma source(%dma_start3A_620 : memref<80x128xi32, #tpu.memory_space<hbm>>) target(%arg7 : memref<80x128xi32, #tpu.memory_space<vmem>>) target_semaphore(%run_scoped3A : memref<!tpu.dma_semaphore, #tpu.memory_space<semaphore_mem>>)
      %dma_wait3A_621 = arith.constant 0 : i32
      %dma_wait3A_622 = tpu.memref_slice %arg3[%add3A_21, %dma_wait3A_621] : memref<2560x128xi32, #tpu.memory_space<hbm>> -> memref<80x128xi32, #tpu.memory_space<hbm>>
      %dma_wait3A_623 = arith.constant 0 : i32
      %dma_wait3A_624 = tpu.memref_slice %arg3[%add3A_21, %dma_wait3A_623] : memref<2560x128xi32, #tpu.memory_space<hbm>> -> memref<80x128xi32, #tpu.memory_space<hbm>>
      tpu.wait_dma2 semaphore(%run_scoped3A : memref<!tpu.dma_semaphore, #tpu.memory_space<semaphore_mem>>) src(%dma_wait3A_624 : memref<80x128xi32, #tpu.memory_space<hbm>>) dst(%arg7 : memref<80x128xi32, #tpu.memory_space<vmem>>)
      tpu.yield
    }) : () -> ()
    %add3A_22 = arith.constant 0 : i32
    %add3A_23 = arith.addi %mul3A_0, %add3A_22 : i32
    "tpu.region"() ({
      %run_scoped3A = tpu.sem_alloc : memref<!tpu.dma_semaphore, #tpu.memory_space<semaphore_mem>>
      %dma_start3A_617 = arith.constant 0 : i32
      %dma_start3A_618 = tpu.memref_slice %arg4[%arg0, %add3A_23, %dma_start3A_617] : memref<2x2560x128xi32, #tpu.memory_space<hbm>> -> memref<1x80x128xi32, #tpu.memory_space<hbm>>
      %dma_start3A_619 = tpu.memref_squeeze %dma_start3A_618 : memref<1x80x128xi32, #tpu.memory_space<hbm>> -> memref<80x128xi32, #tpu.memory_space<hbm>>
      %dma_start3A_620 = arith.constant 0 : i32
      %dma_start3A_621 = tpu.memref_slice %arg4[%arg0, %add3A_23, %dma_start3A_620] : memref<2x2560x128xi32, #tpu.memory_space<hbm>> -> memref<1x80x128xi32, #tpu.memory_space<hbm>>
      %dma_start3A_622 = tpu.memref_squeeze %dma_start3A_621 : memref<1x80x128xi32, #tpu.memory_space<hbm>> -> memref<80x128xi32, #tpu.memory_space<hbm>>
      tpu.enqueue_dma source(%dma_start3A_622 : memref<80x128xi32, #tpu.memory_space<hbm>>) target(%arg8 : memref<80x128xi32, #tpu.memory_space<vmem>>) target_semaphore(%run_scoped3A : memref<!tpu.dma_semaphore, #tpu.memory_space<semaphore_mem>>)
      %dma_wait3A_623 = arith.constant 0 : i32
      %dma_wait3A_624 = tpu.memref_slice %arg4[%arg0, %add3A_23, %dma_wait3A_623] : memref<2x2560x128xi32, #tpu.memory_space<hbm>> -> memref<1x80x128xi32, #tpu.memory_space<hbm>>
      %dma_wait3A_625 = tpu.memref_squeeze %dma_wait3A_624 : memref<1x80x128xi32, #tpu.memory_space<hbm>> -> memref<80x128xi32, #tpu.memory_space<hbm>>
      %dma_wait3A_626 = arith.constant 0 : i32
      %dma_wait3A_627 = tpu.memref_slice %arg4[%arg0, %add3A_23, %dma_wait3A_626] : memref<2x2560x128xi32, #tpu.memory_space<hbm>> -> memref<1x80x128xi32, #tpu.memory_space<hbm>>
      %dma_wait3A_628 = tpu.memref_squeeze %dma_wait3A_627 : memref<1x80x128xi32, #tpu.memory_space<hbm>> -> memref<80x128xi32, #tpu.memory_space<hbm>>
      tpu.wait_dma2 semaphore(%run_scoped3A : memref<!tpu.dma_semaphore, #tpu.memory_space<semaphore_mem>>) src(%dma_wait3A_628 : memref<80x128xi32, #tpu.memory_space<hbm>>) dst(%arg8 : memref<80x128xi32, #tpu.memory_space<vmem>>)
      tpu.yield
    }) : () -> ()
    %eq3A = arith.constant 0 : i32
    %eq3A_24 = arith.cmpi eq, %arg0, %eq3A : i32
    %convert_element_type3A = arith.extui %eq3A_24 : i1 to i32
    %cond3A = arith.constant 0 : i32
    %cond3A_25 = arith.cmpi ne, %convert_element_type3A, %cond3A : i32
    scf.if %cond3A_25 {
      %scan3A_617 = arith.constant 0 : i32
      %scan3A_618 = arith.constant 0 : i32
      %scan3A_619 = arith.constant 80 : i32
      %scan3A_620 = arith.addi %scan3A_618, %scan3A_619 : i32
      %scan3A_621 = arith.constant 1 : i32
      scf.for %scan3A_623 = %scan3A_618 to %scan3A_620 step %scan3A_621  : i32 {
        %get3A = arith.index_cast %scan3A_623 : i32 to index
        %get3A_624 = arith.constant 0 : index
        %get3A_625 = tpu.vector_load %arg7[%get3A, %get3A_624] {strides = array<i32>} : memref<80x128xi32, #tpu.memory_space<vmem>>, vector<16xi32>,
        tpu.vector_store_idx %arg19[%get3A_625], %broadcast_in_dim3A_20 {add = true} : memref<10240xf32, #tpu.memory_space<vmem>>[vector<16xi32>], vector<16xf32>,
        %get3A_626 = arith.index_cast %scan3A_623 : i32 to index
        %get3A_627 = arith.constant 16 : index
        %get3A_628 = tpu.vector_load %arg7[%get3A_626, %get3A_627] {strides = array<i32>} : memref<80x128xi32, #tpu.memory_space<vmem>>, vector<16xi32>,
        tpu.vector_store_idx %arg19[%get3A_628], %broadcast_in_dim3A_20 {add = true} : memref<10240xf32, #tpu.memory_space<vmem>>[vector<16xi32>], vector<16xf32>,
        %get3A_629 = arith.index_cast %scan3A_623 : i32 to index
        %get3A_630 = arith.constant 32 : index
        %get3A_631 = tpu.vector_load %arg7[%get3A_629, %get3A_630] {strides = array<i32>} : memref<80x128xi32, #tpu.memory_space<vmem>>, vector<16xi32>,
        tpu.vector_store_idx %arg19[%get3A_631], %broadcast_in_dim3A_20 {add = true} : memref<10240xf32, #tpu.memory_space<vmem>>[vector<16xi32>], vector<16xf32>,
        %get3A_632 = arith.index_cast %scan3A_623 : i32 to index
        %get3A_633 = arith.constant 48 : index
        %get3A_634 = tpu.vector_load %arg7[%get3A_632, %get3A_633] {strides = array<i32>} : memref<80x128xi32, #tpu.memory_space<vmem>>, vector<16xi32>,
        tpu.vector_store_idx %arg19[%get3A_634], %broadcast_in_dim3A_20 {add = true} : memref<10240xf32, #tpu.memory_space<vmem>>[vector<16xi32>], vector<16xf32>,
        %get3A_635 = arith.index_cast %scan3A_623 : i32 to index
        %get3A_636 = arith.constant 64 : index
        %get3A_637 = tpu.vector_load %arg7[%get3A_635, %get3A_636] {strides = array<i32>} : memref<80x128xi32, #tpu.memory_space<vmem>>, vector<16xi32>,
        tpu.vector_store_idx %arg19[%get3A_637], %broadcast_in_dim3A_20 {add = true} : memref<10240xf32, #tpu.memory_space<vmem>>[vector<16xi32>], vector<16xf32>,
        %get3A_638 = arith.index_cast %scan3A_623 : i32 to index
        %get3A_639 = arith.constant 80 : index
        %get3A_640 = tpu.vector_load %arg7[%get3A_638, %get3A_639] {strides = array<i32>} : memref<80x128xi32, #tpu.memory_space<vmem>>, vector<16xi32>,
        tpu.vector_store_idx %arg19[%get3A_640], %broadcast_in_dim3A_20 {add = true} : memref<10240xf32, #tpu.memory_space<vmem>>[vector<16xi32>], vector<16xf32>,
        %get3A_641 = arith.index_cast %scan3A_623 : i32 to index
        %get3A_642 = arith.constant 96 : index
        %get3A_643 = tpu.vector_load %arg7[%get3A_641, %get3A_642] {strides = array<i32>} : memref<80x128xi32, #tpu.memory_space<vmem>>, vector<16xi32>,
        tpu.vector_store_idx %arg19[%get3A_643], %broadcast_in_dim3A_20 {add = true} : memref<10240xf32, #tpu.memory_space<vmem>>[vector<16xi32>], vector<16xf32>,
        %get3A_644 = arith.index_cast %scan3A_623 : i32 to index
        %get3A_645 = arith.constant 112 : index
        %get3A_646 = tpu.vector_load %arg7[%get3A_644, %get3A_645] {strides = array<i32>} : memref<80x128xi32, #tpu.memory_space<vmem>>, vector<16xi32>,
        tpu.vector_store_idx %arg19[%get3A_646], %broadcast_in_dim3A_20 {add = true} : memref<10240xf32, #tpu.memory_space<vmem>>[vector<16xi32>], vector<16xf32>,
      }
      %scan3A_622 = arith.constant 80 : i32
    } else {
    }
    %dma_start3A = arith.constant 0 : i32
    %dma_start3A_26 = arith.constant 0 : i32
    %dma_start3A_27 = tpu.memref_slice %arg8[%dma_start3A, %dma_start3A_26] : memref<80x128xi32, #tpu.memory_space<vmem>> -> memref<1x128xi32, #tpu.memory_space<vmem>>
    %dma_start3A_28 = tpu.memref_squeeze %dma_start3A_27 : memref<1x128xi32, #tpu.memory_space<vmem>> -> memref<128xi32, #tpu.memory_space<vmem>>
    %dma_start3A_29 = arith.constant 0 : i32
    %dma_start3A_30 = arith.constant 0 : i32
    %dma_start3A_31 = tpu.memref_slice %arg2[%dma_start3A_29, %dma_start3A_30] : memref<20000x64xbf16, #tpu.memory_space<hbm>> -> memref<20000x64xbf16, #tpu.memory_space<hbm>>
    tpu.enqueue_indirect_dma source(%dma_start3A_31 : memref<20000x64xbf16, #tpu.memory_space<hbm>>) target(%arg9 : memref<128x64xbf16, #tpu.memory_space<vmem>>) offsets(%dma_start3A_28 : memref<128xi32, #tpu.memory_space<vmem>>) semaphore(%arg22 : memref<!tpu.dma_semaphore, #tpu.memory_space<semaphore_mem>>)
    %dma_start3A_32 = arith.constant 1 : i32
    %dma_start3A_33 = arith.constant 0 : i32
    %dma_start3A_34 = tpu.memref_slice %arg8[%dma_start3A_32, %dma_start3A_33] : memref<80x128xi32, #tpu.memory_space<vmem>> -> memref<1x128xi32, #tpu.memory_space<vmem>>
    %dma_start3A_35 = tpu.memref_squeeze %dma_start3A_34 : memref<1x128xi32, #tpu.memory_space<vmem>> -> memref<128xi32, #tpu.memory_space<vmem>>
    %dma_start3A_36 = arith.constant 0 : i32
    %dma_start3A_37 = arith.constant 0 : i32
    %dma_start3A_38 = tpu.memref_slice %arg2[%dma_start3A_36, %dma_start3A_37] : memref<20000x64xbf16, #tpu.memory_space<hbm>> -> memref<20000x64xbf16, #tpu.memory_space<hbm>>
    tpu.enqueue_indirect_dma source(%dma_start3A_38 : memref<20000x64xbf16, #tpu.memory_space<hbm>>) target(%arg10 : memref<128x64xbf16, #tpu.memory_space<vmem>>) offsets(%dma_start3A_35 : memref<128xi32, #tpu.memory_space<vmem>>) semaphore(%arg23 : memref<!tpu.dma_semaphore, #tpu.memory_space<semaphore_mem>>)
    %dma_start3A_39 = arith.constant 2 : i32
    %dma_start3A_40 = arith.constant 0 : i32
    %dma_start3A_41 = tpu.memref_slice %arg8[%dma_start3A_39, %dma_start3A_40] : memref<80x128xi32, #tpu.memory_space<vmem>> -> memref<1x128xi32, #tpu.memory_space<vmem>>
    %dma_start3A_42 = tpu.memref_squeeze %dma_start3A_41 : memref<1x128xi32, #tpu.memory_space<vmem>> -> memref<128xi32, #tpu.memory_space<vmem>>
    %dma_start3A_43 = arith.constant 0 : i32
    %dma_start3A_44 = arith.constant 0 : i32
    %dma_start3A_45 = tpu.memref_slice %arg2[%dma_start3A_43, %dma_start3A_44] : memref<20000x64xbf16, #tpu.memory_space<hbm>> -> memref<20000x64xbf16, #tpu.memory_space<hbm>>
    tpu.enqueue_indirect_dma source(%dma_start3A_45 : memref<20000x64xbf16, #tpu.memory_space<hbm>>) target(%arg11 : memref<128x64xbf16, #tpu.memory_space<vmem>>) offsets(%dma_start3A_42 : memref<128xi32, #tpu.memory_space<vmem>>) semaphore(%arg24 : memref<!tpu.dma_semaphore, #tpu.memory_space<semaphore_mem>>)
    %dma_start3A_46 = arith.constant 3 : i32
    %dma_start3A_47 = arith.constant 0 : i32
    %dma_start3A_48 = tpu.memref_slice %arg8[%dma_start3A_46, %dma_start3A_47] : memref<80x128xi32, #tpu.memory_space<vmem>> -> memref<1x128xi32, #tpu.memory_space<vmem>>
    %dma_start3A_49 = tpu.memref_squeeze %dma_start3A_48 : memref<1x128xi32, #tpu.memory_space<vmem>> -> memref<128xi32, #tpu.memory_space<vmem>>
    %dma_start3A_50 = arith.constant 0 : i32
    %dma_start3A_51 = arith.constant 0 : i32
    %dma_start3A_52 = tpu.memref_slice %arg2[%dma_start3A_50, %dma_start3A_51] : memref<20000x64xbf16, #tpu.memory_space<hbm>> -> memref<20000x64xbf16, #tpu.memory_space<hbm>>
    tpu.enqueue_indirect_dma source(%dma_start3A_52 : memref<20000x64xbf16, #tpu.memory_space<hbm>>) target(%arg12 : memref<128x64xbf16, #tpu.memory_space<vmem>>) offsets(%dma_start3A_49 : memref<128xi32, #tpu.memory_space<vmem>>) semaphore(%arg25 : memref<!tpu.dma_semaphore, #tpu.memory_space<semaphore_mem>>)
    %dma_start3A_53 = arith.constant 4 : i32
    %dma_start3A_54 = arith.constant 0 : i32
    %dma_start3A_55 = tpu.memref_slice %arg8[%dma_start3A_53, %dma_start3A_54] : memref<80x128xi32, #tpu.memory_space<vmem>> -> memref<1x128xi32, #tpu.memory_space<vmem>>
    %dma_start3A_56 = tpu.memref_squeeze %dma_start3A_55 : memref<1x128xi32, #tpu.memory_space<vmem>> -> memref<128xi32, #tpu.memory_space<vmem>>
    %dma_start3A_57 = arith.constant 0 : i32
    %dma_start3A_58 = arith.constant 0 : i32
    %dma_start3A_59 = tpu.memref_slice %arg2[%dma_start3A_57, %dma_start3A_58] : memref<20000x64xbf16, #tpu.memory_space<hbm>> -> memref<20000x64xbf16, #tpu.memory_space<hbm>>
    tpu.enqueue_indirect_dma source(%dma_start3A_59 : memref<20000x64xbf16, #tpu.memory_space<hbm>>) target(%arg13 : memref<128x64xbf16, #tpu.memory_space<vmem>>) offsets(%dma_start3A_56 : memref<128xi32, #tpu.memory_space<vmem>>) semaphore(%arg26 : memref<!tpu.dma_semaphore, #tpu.memory_space<semaphore_mem>>)
    %dma_start3A_60 = arith.constant 5 : i32
    %dma_start3A_61 = arith.constant 0 : i32
    %dma_start3A_62 = tpu.memref_slice %arg8[%dma_start3A_60, %dma_start3A_61] : memref<80x128xi32, #tpu.memory_space<vmem>> -> memref<1x128xi32, #tpu.memory_space<vmem>>
    %dma_start3A_63 = tpu.memref_squeeze %dma_start3A_62 : memref<1x128xi32, #tpu.memory_space<vmem>> -> memref<128xi32, #tpu.memory_space<vmem>>
    %dma_start3A_64 = arith.constant 0 : i32
    %dma_start3A_65 = arith.constant 0 : i32
    %dma_start3A_66 = tpu.memref_slice %arg2[%dma_start3A_64, %dma_start3A_65] : memref<20000x64xbf16, #tpu.memory_space<hbm>> -> memref<20000x64xbf16, #tpu.memory_space<hbm>>
    tpu.enqueue_indirect_dma source(%dma_start3A_66 : memref<20000x64xbf16, #tpu.memory_space<hbm>>) target(%arg14 : memref<128x64xbf16, #tpu.memory_space<vmem>>) offsets(%dma_start3A_63 : memref<128xi32, #tpu.memory_space<vmem>>) semaphore(%arg27 : memref<!tpu.dma_semaphore, #tpu.memory_space<semaphore_mem>>)
    %dma_wait3A = arith.constant 0 : i32
    %dma_wait3A_67 = arith.constant 0 : i32
    %dma_wait3A_68 = tpu.memref_slice %arg8[%dma_wait3A, %dma_wait3A_67] : memref<80x128xi32, #tpu.memory_space<vmem>> -> memref<1x128xi32, #tpu.memory_space<vmem>>
    %dma_wait3A_69 = tpu.memref_squeeze %dma_wait3A_68 : memref<1x128xi32, #tpu.memory_space<vmem>> -> memref<128xi32, #tpu.memory_space<vmem>>
    %dma_wait3A_70 = arith.constant 0 : i32
    %dma_wait3A_71 = arith.constant 0 : i32
    %dma_wait3A_72 = tpu.memref_slice %arg2[%dma_wait3A_70, %dma_wait3A_71] : memref<20000x64xbf16, #tpu.memory_space<hbm>> -> memref<20000x64xbf16, #tpu.memory_space<hbm>>
    tpu.wait_indirect_dma semaphore(%arg22 : memref<!tpu.dma_semaphore, #tpu.memory_space<semaphore_mem>>) src(%dma_wait3A_72 : memref<20000x64xbf16, #tpu.memory_space<hbm>>) dst(%arg9 : memref<128x64xbf16, #tpu.memory_space<vmem>>)
    %dma_start3A_73 = arith.constant 0 : i32
    %dma_start3A_74 = arith.constant 0 : i32
    %dma_start3A_75 = tpu.memref_slice %arg7[%dma_start3A_73, %dma_start3A_74] : memref<80x128xi32, #tpu.memory_space<vmem>> -> memref<1x128xi32, #tpu.memory_space<vmem>>
    %dma_start3A_76 = tpu.memref_squeeze %dma_start3A_75 : memref<1x128xi32, #tpu.memory_space<vmem>> -> memref<128xi32, #tpu.memory_space<vmem>>
    %dma_start3A_77 = arith.constant 0 : i32
    %dma_start3A_78 = arith.constant 0 : i32
    %dma_start3A_79 = tpu.memref_slice %arg21[%dma_start3A_77, %dma_start3A_78] : memref<10240x64xbf16, #tpu.memory_space<vmem_shared>> -> memref<10240x64xbf16, #tpu.memory_space<vmem_shared>>
    tpu.enqueue_indirect_dma source(%arg9 : memref<128x64xbf16, #tpu.memory_space<vmem>>) target(%dma_start3A_79 : memref<10240x64xbf16, #tpu.memory_space<vmem_shared>>) offsets(%dma_start3A_76 : memref<128xi32, #tpu.memory_space<vmem>>) semaphore(%arg32 : memref<!tpu.dma_semaphore, #tpu.memory_space<semaphore_mem>>) {add = true}
    %dma_start3A_80 = arith.constant 6 : i32
    %dma_start3A_81 = arith.constant 0 : i32
    %dma_start3A_82 = tpu.memref_slice %arg8[%dma_start3A_80, %dma_start3A_81] : memref<80x128xi32, #tpu.memory_space<vmem>> -> memref<1x128xi32, #tpu.memory_space<vmem>>
    %dma_start3A_83 = tpu.memref_squeeze %dma_start3A_82 : memref<1x128xi32, #tpu.memory_space<vmem>> -> memref<128xi32, #tpu.memory_space<vmem>>
    %dma_start3A_84 = arith.constant 0 : i32
    %dma_start3A_85 = arith.constant 0 : i32
    %dma_start3A_86 = tpu.memref_slice %arg2[%dma_start3A_84, %dma_start3A_85] : memref<20000x64xbf16, #tpu.memory_space<hbm>> -> memref<20000x64xbf16, #tpu.memory_space<hbm>>
    tpu.enqueue_indirect_dma source(%dma_start3A_86 : memref<20000x64xbf16, #tpu.memory_space<hbm>>) target(%arg15 : memref<128x64xbf16, #tpu.memory_space<vmem>>) offsets(%dma_start3A_83 : memref<128xi32, #tpu.memory_space<vmem>>) semaphore(%arg28 : memref<!tpu.dma_semaphore, #tpu.memory_space<semaphore_mem>>)
    %dma_wait3A_87 = arith.constant 1 : i32
    %dma_wait3A_88 = arith.constant 0 : i32
    %dma_wait3A_89 = tpu.memref_slice %arg8[%dma_wait3A_87, %dma_wait3A_88] : memref<80x128xi32, #tpu.memory_space<vmem>> -> memref<1x128xi32, #tpu.memory_space<vmem>>
    %dma_wait3A_90 = tpu.memref_squeeze %dma_wait3A_89 : memref<1x128xi32, #tpu.memory_space<vmem>> -> memref<128xi32, #tpu.memory_space<vmem>>
    %dma_wait3A_91 = arith.constant 0 : i32
    %dma_wait3A_92 = arith.constant 0 : i32
    %dma_wait3A_93 = tpu.memref_slice %arg2[%dma_wait3A_91, %dma_wait3A_92] : memref<20000x64xbf16, #tpu.memory_space<hbm>> -> memref<20000x64xbf16, #tpu.memory_space<hbm>>
    tpu.wait_indirect_dma semaphore(%arg23 : memref<!tpu.dma_semaphore, #tpu.memory_space<semaphore_mem>>) src(%dma_wait3A_93 : memref<20000x64xbf16, #tpu.memory_space<hbm>>) dst(%arg10 : memref<128x64xbf16, #tpu.memory_space<vmem>>)
    %dma_start3A_94 = arith.constant 1 : i32
    %dma_start3A_95 = arith.constant 0 : i32
    %dma_start3A_96 = tpu.memref_slice %arg7[%dma_start3A_94, %dma_start3A_95] : memref<80x128xi32, #tpu.memory_space<vmem>> -> memref<1x128xi32, #tpu.memory_space<vmem>>
    %dma_start3A_97 = tpu.memref_squeeze %dma_start3A_96 : memref<1x128xi32, #tpu.memory_space<vmem>> -> memref<128xi32, #tpu.memory_space<vmem>>
    %dma_start3A_98 = arith.constant 0 : i32
    %dma_start3A_99 = arith.constant 0 : i32
    %dma_start3A_100 = tpu.memref_slice %arg21[%dma_start3A_98, %dma_start3A_99] : memref<10240x64xbf16, #tpu.memory_space<vmem_shared>> -> memref<10240x64xbf16, #tpu.memory_space<vmem_shared>>
    tpu.enqueue_indirect_dma source(%arg10 : memref<128x64xbf16, #tpu.memory_space<vmem>>) target(%dma_start3A_100 : memref<10240x64xbf16, #tpu.memory_space<vmem_shared>>) offsets(%dma_start3A_97 : memref<128xi32, #tpu.memory_space<vmem>>) semaphore(%arg33 : memref<!tpu.dma_semaphore, #tpu.memory_space<semaphore_mem>>) {add = true}
    %dma_start3A_101 = arith.constant 7 : i32
    %dma_start3A_102 = arith.constant 0 : i32
    %dma_start3A_103 = tpu.memref_slice %arg8[%dma_start3A_101, %dma_start3A_102] : memref<80x128xi32, #tpu.memory_space<vmem>> -> memref<1x128xi32, #tpu.memory_space<vmem>>
    %dma_start3A_104 = tpu.memref_squeeze %dma_start3A_103 : memref<1x128xi32, #tpu.memory_space<vmem>> -> memref<128xi32, #tpu.memory_space<vmem>>
    %dma_start3A_105 = arith.constant 0 : i32
    %dma_start3A_106 = arith.constant 0 : i32
    %dma_start3A_107 = tpu.memref_slice %arg2[%dma_start3A_105, %dma_start3A_106] : memref<20000x64xbf16, #tpu.memory_space<hbm>> -> memref<20000x64xbf16, #tpu.memory_space<hbm>>
    tpu.enqueue_indirect_dma source(%dma_start3A_107 : memref<20000x64xbf16, #tpu.memory_space<hbm>>) target(%arg16 : memref<128x64xbf16, #tpu.memory_space<vmem>>) offsets(%dma_start3A_104 : memref<128xi32, #tpu.memory_space<vmem>>) semaphore(%arg29 : memref<!tpu.dma_semaphore, #tpu.memory_space<semaphore_mem>>)
    %dma_wait3A_108 = arith.constant 2 : i32
    %dma_wait3A_109 = arith.constant 0 : i32
    %dma_wait3A_110 = tpu.memref_slice %arg8[%dma_wait3A_108, %dma_wait3A_109] : memref<80x128xi32, #tpu.memory_space<vmem>> -> memref<1x128xi32, #tpu.memory_space<vmem>>
    %dma_wait3A_111 = tpu.memref_squeeze %dma_wait3A_110 : memref<1x128xi32, #tpu.memory_space<vmem>> -> memref<128xi32, #tpu.memory_space<vmem>>
    %dma_wait3A_112 = arith.constant 0 : i32
    %dma_wait3A_113 = arith.constant 0 : i32
    %dma_wait3A_114 = tpu.memref_slice %arg2[%dma_wait3A_112, %dma_wait3A_113] : memref<20000x64xbf16, #tpu.memory_space<hbm>> -> memref<20000x64xbf16, #tpu.memory_space<hbm>>
    tpu.wait_indirect_dma semaphore(%arg24 : memref<!tpu.dma_semaphore, #tpu.memory_space<semaphore_mem>>) src(%dma_wait3A_114 : memref<20000x64xbf16, #tpu.memory_space<hbm>>) dst(%arg11 : memref<128x64xbf16, #tpu.memory_space<vmem>>)
    %dma_start3A_115 = arith.constant 2 : i32
    %dma_start3A_116 = arith.constant 0 : i32
    %dma_start3A_117 = tpu.memref_slice %arg7[%dma_start3A_115, %dma_start3A_116] : memref<80x128xi32, #tpu.memory_space<vmem>> -> memref<1x128xi32, #tpu.memory_space<vmem>>
    %dma_start3A_118 = tpu.memref_squeeze %dma_start3A_117 : memref<1x128xi32, #tpu.memory_space<vmem>> -> memref<128xi32, #tpu.memory_space<vmem>>
    %dma_start3A_119 = arith.constant 0 : i32
    %dma_start3A_120 = arith.constant 0 : i32
    %dma_start3A_121 = tpu.memref_slice %arg21[%dma_start3A_119, %dma_start3A_120] : memref<10240x64xbf16, #tpu.memory_space<vmem_shared>> -> memref<10240x64xbf16, #tpu.memory_space<vmem_shared>>
    tpu.enqueue_indirect_dma source(%arg11 : memref<128x64xbf16, #tpu.memory_space<vmem>>) target(%dma_start3A_121 : memref<10240x64xbf16, #tpu.memory_space<vmem_shared>>) offsets(%dma_start3A_118 : memref<128xi32, #tpu.memory_space<vmem>>) semaphore(%arg34 : memref<!tpu.dma_semaphore, #tpu.memory_space<semaphore_mem>>) {add = true}
    %dma_start3A_122 = arith.constant 8 : i32
    %dma_start3A_123 = arith.constant 0 : i32
    %dma_start3A_124 = tpu.memref_slice %arg8[%dma_start3A_122, %dma_start3A_123] : memref<80x128xi32, #tpu.memory_space<vmem>> -> memref<1x128xi32, #tpu.memory_space<vmem>>
    %dma_start3A_125 = tpu.memref_squeeze %dma_start3A_124 : memref<1x128xi32, #tpu.memory_space<vmem>> -> memref<128xi32, #tpu.memory_space<vmem>>
    %dma_start3A_126 = arith.constant 0 : i32
    %dma_start3A_127 = arith.constant 0 : i32
    %dma_start3A_128 = tpu.memref_slice %arg2[%dma_start3A_126, %dma_start3A_127] : memref<20000x64xbf16, #tpu.memory_space<hbm>> -> memref<20000x64xbf16, #tpu.memory_space<hbm>>
    tpu.enqueue_indirect_dma source(%dma_start3A_128 : memref<20000x64xbf16, #tpu.memory_space<hbm>>) target(%arg17 : memref<128x64xbf16, #tpu.memory_space<vmem>>) offsets(%dma_start3A_125 : memref<128xi32, #tpu.memory_space<vmem>>) semaphore(%arg30 : memref<!tpu.dma_semaphore, #tpu.memory_space<semaphore_mem>>)
    %dma_wait3A_129 = arith.constant 3 : i32
    %dma_wait3A_130 = arith.constant 0 : i32
    %dma_wait3A_131 = tpu.memref_slice %arg8[%dma_wait3A_129, %dma_wait3A_130] : memref<80x128xi32, #tpu.memory_space<vmem>> -> memref<1x128xi32, #tpu.memory_space<vmem>>
    %dma_wait3A_132 = tpu.memref_squeeze %dma_wait3A_131 : memref<1x128xi32, #tpu.memory_space<vmem>> -> memref<128xi32, #tpu.memory_space<vmem>>
    %dma_wait3A_133 = arith.constant 0 : i32
    %dma_wait3A_134 = arith.constant 0 : i32
    %dma_wait3A_135 = tpu.memref_slice %arg2[%dma_wait3A_133, %dma_wait3A_134] : memref<20000x64xbf16, #tpu.memory_space<hbm>> -> memref<20000x64xbf16, #tpu.memory_space<hbm>>
    tpu.wait_indirect_dma semaphore(%arg25 : memref<!tpu.dma_semaphore, #tpu.memory_space<semaphore_mem>>) src(%dma_wait3A_135 : memref<20000x64xbf16, #tpu.memory_space<hbm>>) dst(%arg12 : memref<128x64xbf16, #tpu.memory_space<vmem>>)
    %dma_start3A_136 = arith.constant 3 : i32
    %dma_start3A_137 = arith.constant 0 : i32
    %dma_start3A_138 = tpu.memref_slice %arg7[%dma_start3A_136, %dma_start3A_137] : memref<80x128xi32, #tpu.memory_space<vmem>> -> memref<1x128xi32, #tpu.memory_space<vmem>>
    %dma_start3A_139 = tpu.memref_squeeze %dma_start3A_138 : memref<1x128xi32, #tpu.memory_space<vmem>> -> memref<128xi32, #tpu.memory_space<vmem>>
    %dma_start3A_140 = arith.constant 0 : i32
    %dma_start3A_141 = arith.constant 0 : i32
    %dma_start3A_142 = tpu.memref_slice %arg21[%dma_start3A_140, %dma_start3A_141] : memref<10240x64xbf16, #tpu.memory_space<vmem_shared>> -> memref<10240x64xbf16, #tpu.memory_space<vmem_shared>>
    tpu.enqueue_indirect_dma source(%arg12 : memref<128x64xbf16, #tpu.memory_space<vmem>>) target(%dma_start3A_142 : memref<10240x64xbf16, #tpu.memory_space<vmem_shared>>) offsets(%dma_start3A_139 : memref<128xi32, #tpu.memory_space<vmem>>) semaphore(%arg35 : memref<!tpu.dma_semaphore, #tpu.memory_space<semaphore_mem>>) {add = true}
    %dma_start3A_143 = arith.constant 9 : i32
    %dma_start3A_144 = arith.constant 0 : i32
    %dma_start3A_145 = tpu.memref_slice %arg8[%dma_start3A_143, %dma_start3A_144] : memref<80x128xi32, #tpu.memory_space<vmem>> -> memref<1x128xi32, #tpu.memory_space<vmem>>
    %dma_start3A_146 = tpu.memref_squeeze %dma_start3A_145 : memref<1x128xi32, #tpu.memory_space<vmem>> -> memref<128xi32, #tpu.memory_space<vmem>>
    %dma_start3A_147 = arith.constant 0 : i32
    %dma_start3A_148 = arith.constant 0 : i32
    %dma_start3A_149 = tpu.memref_slice %arg2[%dma_start3A_147, %dma_start3A_148] : memref<20000x64xbf16, #tpu.memory_space<hbm>> -> memref<20000x64xbf16, #tpu.memory_space<hbm>>
    tpu.enqueue_indirect_dma source(%dma_start3A_149 : memref<20000x64xbf16, #tpu.memory_space<hbm>>) target(%arg18 : memref<128x64xbf16, #tpu.memory_space<vmem>>) offsets(%dma_start3A_146 : memref<128xi32, #tpu.memory_space<vmem>>) semaphore(%arg31 : memref<!tpu.dma_semaphore, #tpu.memory_space<semaphore_mem>>)
    %dma_wait3A_150 = arith.constant 4 : i32
    %dma_wait3A_151 = arith.constant 0 : i32
    %dma_wait3A_152 = tpu.memref_slice %arg8[%dma_wait3A_150, %dma_wait3A_151] : memref<80x128xi32, #tpu.memory_space<vmem>> -> memref<1x128xi32, #tpu.memory_space<vmem>>
    %dma_wait3A_153 = tpu.memref_squeeze %dma_wait3A_152 : memref<1x128xi32, #tpu.memory_space<vmem>> -> memref<128xi32, #tpu.memory_space<vmem>>
    %dma_wait3A_154 = arith.constant 0 : i32
    %dma_wait3A_155 = arith.constant 0 : i32
    %dma_wait3A_156 = tpu.memref_slice %arg2[%dma_wait3A_154, %dma_wait3A_155] : memref<20000x64xbf16, #tpu.memory_space<hbm>> -> memref<20000x64xbf16, #tpu.memory_space<hbm>>
    tpu.wait_indirect_dma semaphore(%arg26 : memref<!tpu.dma_semaphore, #tpu.memory_space<semaphore_mem>>) src(%dma_wait3A_156 : memref<20000x64xbf16, #tpu.memory_space<hbm>>) dst(%arg13 : memref<128x64xbf16, #tpu.memory_space<vmem>>)
    %dma_start3A_157 = arith.constant 4 : i32
    %dma_start3A_158 = arith.constant 0 : i32
    %dma_start3A_159 = tpu.memref_slice %arg7[%dma_start3A_157, %dma_start3A_158] : memref<80x128xi32, #tpu.memory_space<vmem>> -> memref<1x128xi32, #tpu.memory_space<vmem>>
    %dma_start3A_160 = tpu.memref_squeeze %dma_start3A_159 : memref<1x128xi32, #tpu.memory_space<vmem>> -> memref<128xi32, #tpu.memory_space<vmem>>
    %dma_start3A_161 = arith.constant 0 : i32
    %dma_start3A_162 = arith.constant 0 : i32
    %dma_start3A_163 = tpu.memref_slice %arg21[%dma_start3A_161, %dma_start3A_162] : memref<10240x64xbf16, #tpu.memory_space<vmem_shared>> -> memref<10240x64xbf16, #tpu.memory_space<vmem_shared>>
    tpu.enqueue_indirect_dma source(%arg13 : memref<128x64xbf16, #tpu.memory_space<vmem>>) target(%dma_start3A_163 : memref<10240x64xbf16, #tpu.memory_space<vmem_shared>>) offsets(%dma_start3A_160 : memref<128xi32, #tpu.memory_space<vmem>>) semaphore(%arg36 : memref<!tpu.dma_semaphore, #tpu.memory_space<semaphore_mem>>) {add = true}
    %scan3A_164 = arith.constant 0 : i32
    %scan3A_165 = arith.constant 1 : i32
    %scan3A_166 = arith.constant 7 : i32
    %scan3A_167 = arith.addi %scan3A_165, %scan3A_166 : i32
    %scan3A_168 = arith.constant 1 : i32
    scf.for %scan3A_617 = %scan3A_165 to %scan3A_167 step %scan3A_168  : i32 {
      %mul3A_618 = arith.constant 10 : i32
      %mul3A_619 = arith.muli %mul3A_618, %scan3A_617 : i32
      %add3A_620 = arith.constant 0 : i32
      %add3A_621 = arith.addi %mul3A_619, %add3A_620 : i32
      %sub3A = arith.constant 10 : i32
      %sub3A_622 = arith.subi %add3A_621, %sub3A : i32
      %dma_wait3A_623 = arith.constant 0 : i32
      %dma_wait3A_624 = tpu.memref_slice %arg7[%sub3A_622, %dma_wait3A_623] : memref<80x128xi32, #tpu.memory_space<vmem>> -> memref<1x128xi32, #tpu.memory_space<vmem>>
      %dma_wait3A_625 = tpu.memref_squeeze %dma_wait3A_624 : memref<1x128xi32, #tpu.memory_space<vmem>> -> memref<128xi32, #tpu.memory_space<vmem>>
      %dma_wait3A_626 = arith.constant 0 : i32
      %dma_wait3A_627 = arith.constant 0 : i32
      %dma_wait3A_628 = tpu.memref_slice %arg21[%dma_wait3A_626, %dma_wait3A_627] : memref<10240x64xbf16, #tpu.memory_space<vmem_shared>> -> memref<10240x64xbf16, #tpu.memory_space<vmem_shared>>
      tpu.wait_indirect_dma semaphore(%arg32 : memref<!tpu.dma_semaphore, #tpu.memory_space<semaphore_mem>>) src(%arg9 : memref<128x64xbf16, #tpu.memory_space<vmem>>) dst(%dma_wait3A_628 : memref<10240x64xbf16, #tpu.memory_space<vmem_shared>>)
      %dma_start3A_629 = arith.constant 0 : i32
      %dma_start3A_630 = tpu.memref_slice %arg8[%add3A_621, %dma_start3A_629] : memref<80x128xi32, #tpu.memory_space<vmem>> -> memref<1x128xi32, #tpu.memory_space<vmem>>
      %dma_start3A_631 = tpu.memref_squeeze %dma_start3A_630 : memref<1x128xi32, #tpu.memory_space<vmem>> -> memref<128xi32, #tpu.memory_space<vmem>>
      %dma_start3A_632 = arith.constant 0 : i32
      %dma_start3A_633 = arith.constant 0 : i32
      %dma_start3A_634 = tpu.memref_slice %arg2[%dma_start3A_632, %dma_start3A_633] : memref<20000x64xbf16, #tpu.memory_space<hbm>> -> memref<20000x64xbf16, #tpu.memory_space<hbm>>
      tpu.enqueue_indirect_dma source(%dma_start3A_634 : memref<20000x64xbf16, #tpu.memory_space<hbm>>) target(%arg9 : memref<128x64xbf16, #tpu.memory_space<vmem>>) offsets(%dma_start3A_631 : memref<128xi32, #tpu.memory_space<vmem>>) semaphore(%arg22 : memref<!tpu.dma_semaphore, #tpu.memory_space<semaphore_mem>>)
      %sub3A_635 = arith.constant 5 : i32
      %sub3A_636 = arith.subi %add3A_621, %sub3A_635 : i32
      %dma_wait3A_637 = arith.constant 0 : i32
      %dma_wait3A_638 = tpu.memref_slice %arg8[%sub3A_636, %dma_wait3A_637] : memref<80x128xi32, #tpu.memory_space<vmem>> -> memref<1x128xi32, #tpu.memory_space<vmem>>
      %dma_wait3A_639 = tpu.memref_squeeze %dma_wait3A_638 : memref<1x128xi32, #tpu.memory_space<vmem>> -> memref<128xi32, #tpu.memory_space<vmem>>
      %dma_wait3A_640 = arith.constant 0 : i32
      %dma_wait3A_641 = arith.constant 0 : i32
      %dma_wait3A_642 = tpu.memref_slice %arg2[%dma_wait3A_640, %dma_wait3A_641] : memref<20000x64xbf16, #tpu.memory_space<hbm>> -> memref<20000x64xbf16, #tpu.memory_space<hbm>>
      tpu.wait_indirect_dma semaphore(%arg27 : memref<!tpu.dma_semaphore, #tpu.memory_space<semaphore_mem>>) src(%dma_wait3A_642 : memref<20000x64xbf16, #tpu.memory_space<hbm>>) dst(%arg14 : memref<128x64xbf16, #tpu.memory_space<vmem>>)
      %dma_start3A_643 = arith.constant 0 : i32
      %dma_start3A_644 = tpu.memref_slice %arg7[%sub3A_636, %dma_start3A_643] : memref<80x128xi32, #tpu.memory_space<vmem>> -> memref<1x128xi32, #tpu.memory_space<vmem>>
      %dma_start3A_645 = tpu.memref_squeeze %dma_start3A_644 : memref<1x128xi32, #tpu.memory_space<vmem>> -> memref<128xi32, #tpu.memory_space<vmem>>
      %dma_start3A_646 = arith.constant 0 : i32
      %dma_start3A_647 = arith.constant 0 : i32
      %dma_start3A_648 = tpu.memref_slice %arg21[%dma_start3A_646, %dma_start3A_647] : memref<10240x64xbf16, #tpu.memory_space<vmem_shared>> -> memref<10240x64xbf16, #tpu.memory_space<vmem_shared>>
      tpu.enqueue_indirect_dma source(%arg14 : memref<128x64xbf16, #tpu.memory_space<vmem>>) target(%dma_start3A_648 : memref<10240x64xbf16, #tpu.memory_space<vmem_shared>>) offsets(%dma_start3A_645 : memref<128xi32, #tpu.memory_space<vmem>>) semaphore(%arg37 : memref<!tpu.dma_semaphore, #tpu.memory_space<semaphore_mem>>) {add = true}
      %mul3A_649 = arith.constant 10 : i32
      %mul3A_650 = arith.muli %mul3A_649, %scan3A_617 : i32
      %add3A_651 = arith.constant 1 : i32
      %add3A_652 = arith.addi %mul3A_650, %add3A_651 : i32
      %sub3A_653 = arith.constant 10 : i32
      %sub3A_654 = arith.subi %add3A_652, %sub3A_653 : i32
      %dma_wait3A_655 = arith.constant 0 : i32
      %dma_wait3A_656 = tpu.memref_slice %arg7[%sub3A_654, %dma_wait3A_655] : memref<80x128xi32, #tpu.memory_space<vmem>> -> memref<1x128xi32, #tpu.memory_space<vmem>>
      %dma_wait3A_657 = tpu.memref_squeeze %dma_wait3A_656 : memref<1x128xi32, #tpu.memory_space<vmem>> -> memref<128xi32, #tpu.memory_space<vmem>>
      %dma_wait3A_658 = arith.constant 0 : i32
      %dma_wait3A_659 = arith.constant 0 : i32
      %dma_wait3A_660 = tpu.memref_slice %arg21[%dma_wait3A_658, %dma_wait3A_659] : memref<10240x64xbf16, #tpu.memory_space<vmem_shared>> -> memref<10240x64xbf16, #tpu.memory_space<vmem_shared>>
      tpu.wait_indirect_dma semaphore(%arg33 : memref<!tpu.dma_semaphore, #tpu.memory_space<semaphore_mem>>) src(%arg10 : memref<128x64xbf16, #tpu.memory_space<vmem>>) dst(%dma_wait3A_660 : memref<10240x64xbf16, #tpu.memory_space<vmem_shared>>)
      %dma_start3A_661 = arith.constant 0 : i32
      %dma_start3A_662 = tpu.memref_slice %arg8[%add3A_652, %dma_start3A_661] : memref<80x128xi32, #tpu.memory_space<vmem>> -> memref<1x128xi32, #tpu.memory_space<vmem>>
      %dma_start3A_663 = tpu.memref_squeeze %dma_start3A_662 : memref<1x128xi32, #tpu.memory_space<vmem>> -> memref<128xi32, #tpu.memory_space<vmem>>
      %dma_start3A_664 = arith.constant 0 : i32
      %dma_start3A_665 = arith.constant 0 : i32
      %dma_start3A_666 = tpu.memref_slice %arg2[%dma_start3A_664, %dma_start3A_665] : memref<20000x64xbf16, #tpu.memory_space<hbm>> -> memref<20000x64xbf16, #tpu.memory_space<hbm>>
      tpu.enqueue_indirect_dma source(%dma_start3A_666 : memref<20000x64xbf16, #tpu.memory_space<hbm>>) target(%arg10 : memref<128x64xbf16, #tpu.memory_space<vmem>>) offsets(%dma_start3A_663 : memref<128xi32, #tpu.memory_space<vmem>>) semaphore(%arg23 : memref<!tpu.dma_semaphore, #tpu.memory_space<semaphore_mem>>)
      %sub3A_667 = arith.constant 5 : i32
      %sub3A_668 = arith.subi %add3A_652, %sub3A_667 : i32
      %dma_wait3A_669 = arith.constant 0 : i32
      %dma_wait3A_670 = tpu.memref_slice %arg8[%sub3A_668, %dma_wait3A_669] : memref<80x128xi32, #tpu.memory_space<vmem>> -> memref<1x128xi32, #tpu.memory_space<vmem>>
      %dma_wait3A_671 = tpu.memref_squeeze %dma_wait3A_670 : memref<1x128xi32, #tpu.memory_space<vmem>> -> memref<128xi32, #tpu.memory_space<vmem>>
      %dma_wait3A_672 = arith.constant 0 : i32
      %dma_wait3A_673 = arith.constant 0 : i32
      %dma_wait3A_674 = tpu.memref_slice %arg2[%dma_wait3A_672, %dma_wait3A_673] : memref<20000x64xbf16, #tpu.memory_space<hbm>> -> memref<20000x64xbf16, #tpu.memory_space<hbm>>
      tpu.wait_indirect_dma semaphore(%arg28 : memref<!tpu.dma_semaphore, #tpu.memory_space<semaphore_mem>>) src(%dma_wait3A_674 : memref<20000x64xbf16, #tpu.memory_space<hbm>>) dst(%arg15 : memref<128x64xbf16, #tpu.memory_space<vmem>>)
      %dma_start3A_675 = arith.constant 0 : i32
      %dma_start3A_676 = tpu.memref_slice %arg7[%sub3A_668, %dma_start3A_675] : memref<80x128xi32, #tpu.memory_space<vmem>> -> memref<1x128xi32, #tpu.memory_space<vmem>>
      %dma_start3A_677 = tpu.memref_squeeze %dma_start3A_676 : memref<1x128xi32, #tpu.memory_space<vmem>> -> memref<128xi32, #tpu.memory_space<vmem>>
      %dma_start3A_678 = arith.constant 0 : i32
      %dma_start3A_679 = arith.constant 0 : i32
      %dma_start3A_680 = tpu.memref_slice %arg21[%dma_start3A_678, %dma_start3A_679] : memref<10240x64xbf16, #tpu.memory_space<vmem_shared>> -> memref<10240x64xbf16, #tpu.memory_space<vmem_shared>>
      tpu.enqueue_indirect_dma source(%arg15 : memref<128x64xbf16, #tpu.memory_space<vmem>>) target(%dma_start3A_680 : memref<10240x64xbf16, #tpu.memory_space<vmem_shared>>) offsets(%dma_start3A_677 : memref<128xi32, #tpu.memory_space<vmem>>) semaphore(%arg38 : memref<!tpu.dma_semaphore, #tpu.memory_space<semaphore_mem>>) {add = true}
      %mul3A_681 = arith.constant 10 : i32
      %mul3A_682 = arith.muli %mul3A_681, %scan3A_617 : i32
      %add3A_683 = arith.constant 2 : i32
      %add3A_684 = arith.addi %mul3A_682, %add3A_683 : i32
      %sub3A_685 = arith.constant 10 : i32
      %sub3A_686 = arith.subi %add3A_684, %sub3A_685 : i32
      %dma_wait3A_687 = arith.constant 0 : i32
      %dma_wait3A_688 = tpu.memref_slice %arg7[%sub3A_686, %dma_wait3A_687] : memref<80x128xi32, #tpu.memory_space<vmem>> -> memref<1x128xi32, #tpu.memory_space<vmem>>
      %dma_wait3A_689 = tpu.memref_squeeze %dma_wait3A_688 : memref<1x128xi32, #tpu.memory_space<vmem>> -> memref<128xi32, #tpu.memory_space<vmem>>
      %dma_wait3A_690 = arith.constant 0 : i32
      %dma_wait3A_691 = arith.constant 0 : i32
      %dma_wait3A_692 = tpu.memref_slice %arg21[%dma_wait3A_690, %dma_wait3A_691] : memref<10240x64xbf16, #tpu.memory_space<vmem_shared>> -> memref<10240x64xbf16, #tpu.memory_space<vmem_shared>>
      tpu.wait_indirect_dma semaphore(%arg34 : memref<!tpu.dma_semaphore, #tpu.memory_space<semaphore_mem>>) src(%arg11 : memref<128x64xbf16, #tpu.memory_space<vmem>>) dst(%dma_wait3A_692 : memref<10240x64xbf16, #tpu.memory_space<vmem_shared>>)
      %dma_start3A_693 = arith.constant 0 : i32
      %dma_start3A_694 = tpu.memref_slice %arg8[%add3A_684, %dma_start3A_693] : memref<80x128xi32, #tpu.memory_space<vmem>> -> memref<1x128xi32, #tpu.memory_space<vmem>>
      %dma_start3A_695 = tpu.memref_squeeze %dma_start3A_694 : memref<1x128xi32, #tpu.memory_space<vmem>> -> memref<128xi32, #tpu.memory_space<vmem>>
      %dma_start3A_696 = arith.constant 0 : i32
      %dma_start3A_697 = arith.constant 0 : i32
      %dma_start3A_698 = tpu.memref_slice %arg2[%dma_start3A_696, %dma_start3A_697] : memref<20000x64xbf16, #tpu.memory_space<hbm>> -> memref<20000x64xbf16, #tpu.memory_space<hbm>>
      tpu.enqueue_indirect_dma source(%dma_start3A_698 : memref<20000x64xbf16, #tpu.memory_space<hbm>>) target(%arg11 : memref<128x64xbf16, #tpu.memory_space<vmem>>) offsets(%dma_start3A_695 : memref<128xi32, #tpu.memory_space<vmem>>) semaphore(%arg24 : memref<!tpu.dma_semaphore, #tpu.memory_space<semaphore_mem>>)
      %sub3A_699 = arith.constant 5 : i32
      %sub3A_700 = arith.subi %add3A_684, %sub3A_699 : i32
      %dma_wait3A_701 = arith.constant 0 : i32
      %dma_wait3A_702 = tpu.memref_slice %arg8[%sub3A_700, %dma_wait3A_701] : memref<80x128xi32, #tpu.memory_space<vmem>> -> memref<1x128xi32, #tpu.memory_space<vmem>>
      %dma_wait3A_703 = tpu.memref_squeeze %dma_wait3A_702 : memref<1x128xi32, #tpu.memory_space<vmem>> -> memref<128xi32, #tpu.memory_space<vmem>>
      %dma_wait3A_704 = arith.constant 0 : i32
      %dma_wait3A_705 = arith.constant 0 : i32
      %dma_wait3A_706 = tpu.memref_slice %arg2[%dma_wait3A_704, %dma_wait3A_705] : memref<20000x64xbf16, #tpu.memory_space<hbm>> -> memref<20000x64xbf16, #tpu.memory_space<hbm>>
      tpu.wait_indirect_dma semaphore(%arg29 : memref<!tpu.dma_semaphore, #tpu.memory_space<semaphore_mem>>) src(%dma_wait3A_706 : memref<20000x64xbf16, #tpu.memory_space<hbm>>) dst(%arg16 : memref<128x64xbf16, #tpu.memory_space<vmem>>)
      %dma_start3A_707 = arith.constant 0 : i32
      %dma_start3A_708 = tpu.memref_slice %arg7[%sub3A_700, %dma_start3A_707] : memref<80x128xi32, #tpu.memory_space<vmem>> -> memref<1x128xi32, #tpu.memory_space<vmem>>
      %dma_start3A_709 = tpu.memref_squeeze %dma_start3A_708 : memref<1x128xi32, #tpu.memory_space<vmem>> -> memref<128xi32, #tpu.memory_space<vmem>>
      %dma_start3A_710 = arith.constant 0 : i32
      %dma_start3A_711 = arith.constant 0 : i32
      %dma_start3A_712 = tpu.memref_slice %arg21[%dma_start3A_710, %dma_start3A_711] : memref<10240x64xbf16, #tpu.memory_space<vmem_shared>> -> memref<10240x64xbf16, #tpu.memory_space<vmem_shared>>
      tpu.enqueue_indirect_dma source(%arg16 : memref<128x64xbf16, #tpu.memory_space<vmem>>) target(%dma_start3A_712 : memref<10240x64xbf16, #tpu.memory_space<vmem_shared>>) offsets(%dma_start3A_709 : memref<128xi32, #tpu.memory_space<vmem>>) semaphore(%arg39 : memref<!tpu.dma_semaphore, #tpu.memory_space<semaphore_mem>>) {add = true}
      %mul3A_713 = arith.constant 10 : i32
      %mul3A_714 = arith.muli %mul3A_713, %scan3A_617 : i32
      %add3A_715 = arith.constant 3 : i32
      %add3A_716 = arith.addi %mul3A_714, %add3A_715 : i32
      %sub3A_717 = arith.constant 10 : i32
      %sub3A_718 = arith.subi %add3A_716, %sub3A_717 : i32
      %dma_wait3A_719 = arith.constant 0 : i32
      %dma_wait3A_720 = tpu.memref_slice %arg7[%sub3A_718, %dma_wait3A_719] : memref<80x128xi32, #tpu.memory_space<vmem>> -> memref<1x128xi32, #tpu.memory_space<vmem>>
      %dma_wait3A_721 = tpu.memref_squeeze %dma_wait3A_720 : memref<1x128xi32, #tpu.memory_space<vmem>> -> memref<128xi32, #tpu.memory_space<vmem>>
      %dma_wait3A_722 = arith.constant 0 : i32
      %dma_wait3A_723 = arith.constant 0 : i32
      %dma_wait3A_724 = tpu.memref_slice %arg21[%dma_wait3A_722, %dma_wait3A_723] : memref<10240x64xbf16, #tpu.memory_space<vmem_shared>> -> memref<10240x64xbf16, #tpu.memory_space<vmem_shared>>
      tpu.wait_indirect_dma semaphore(%arg35 : memref<!tpu.dma_semaphore, #tpu.memory_space<semaphore_mem>>) src(%arg12 : memref<128x64xbf16, #tpu.memory_space<vmem>>) dst(%dma_wait3A_724 : memref<10240x64xbf16, #tpu.memory_space<vmem_shared>>)
      %dma_start3A_725 = arith.constant 0 : i32
      %dma_start3A_726 = tpu.memref_slice %arg8[%add3A_716, %dma_start3A_725] : memref<80x128xi32, #tpu.memory_space<vmem>> -> memref<1x128xi32, #tpu.memory_space<vmem>>
      %dma_start3A_727 = tpu.memref_squeeze %dma_start3A_726 : memref<1x128xi32, #tpu.memory_space<vmem>> -> memref<128xi32, #tpu.memory_space<vmem>>
      %dma_start3A_728 = arith.constant 0 : i32
      %dma_start3A_729 = arith.constant 0 : i32
      %dma_start3A_730 = tpu.memref_slice %arg2[%dma_start3A_728, %dma_start3A_729] : memref<20000x64xbf16, #tpu.memory_space<hbm>> -> memref<20000x64xbf16, #tpu.memory_space<hbm>>
      tpu.enqueue_indirect_dma source(%dma_start3A_730 : memref<20000x64xbf16, #tpu.memory_space<hbm>>) target(%arg12 : memref<128x64xbf16, #tpu.memory_space<vmem>>) offsets(%dma_start3A_727 : memref<128xi32, #tpu.memory_space<vmem>>) semaphore(%arg25 : memref<!tpu.dma_semaphore, #tpu.memory_space<semaphore_mem>>)
      %sub3A_731 = arith.constant 5 : i32
      %sub3A_732 = arith.subi %add3A_716, %sub3A_731 : i32
      %dma_wait3A_733 = arith.constant 0 : i32
      %dma_wait3A_734 = tpu.memref_slice %arg8[%sub3A_732, %dma_wait3A_733] : memref<80x128xi32, #tpu.memory_space<vmem>> -> memref<1x128xi32, #tpu.memory_space<vmem>>
      %dma_wait3A_735 = tpu.memref_squeeze %dma_wait3A_734 : memref<1x128xi32, #tpu.memory_space<vmem>> -> memref<128xi32, #tpu.memory_space<vmem>>
      %dma_wait3A_736 = arith.constant 0 : i32
      %dma_wait3A_737 = arith.constant 0 : i32
      %dma_wait3A_738 = tpu.memref_slice %arg2[%dma_wait3A_736, %dma_wait3A_737] : memref<20000x64xbf16, #tpu.memory_space<hbm>> -> memref<20000x64xbf16, #tpu.memory_space<hbm>>
      tpu.wait_indirect_dma semaphore(%arg30 : memref<!tpu.dma_semaphore, #tpu.memory_space<semaphore_mem>>) src(%dma_wait3A_738 : memref<20000x64xbf16, #tpu.memory_space<hbm>>) dst(%arg17 : memref<128x64xbf16, #tpu.memory_space<vmem>>)
      %dma_start3A_739 = arith.constant 0 : i32
      %dma_start3A_740 = tpu.memref_slice %arg7[%sub3A_732, %dma_start3A_739] : memref<80x128xi32, #tpu.memory_space<vmem>> -> memref<1x128xi32, #tpu.memory_space<vmem>>
      %dma_start3A_741 = tpu.memref_squeeze %dma_start3A_740 : memref<1x128xi32, #tpu.memory_space<vmem>> -> memref<128xi32, #tpu.memory_space<vmem>>
      %dma_start3A_742 = arith.constant 0 : i32
      %dma_start3A_743 = arith.constant 0 : i32
      %dma_start3A_744 = tpu.memref_slice %arg21[%dma_start3A_742, %dma_start3A_743] : memref<10240x64xbf16, #tpu.memory_space<vmem_shared>> -> memref<10240x64xbf16, #tpu.memory_space<vmem_shared>>
      tpu.enqueue_indirect_dma source(%arg17 : memref<128x64xbf16, #tpu.memory_space<vmem>>) target(%dma_start3A_744 : memref<10240x64xbf16, #tpu.memory_space<vmem_shared>>) offsets(%dma_start3A_741 : memref<128xi32, #tpu.memory_space<vmem>>) semaphore(%arg40 : memref<!tpu.dma_semaphore, #tpu.memory_space<semaphore_mem>>) {add = true}
      %mul3A_745 = arith.constant 10 : i32
      %mul3A_746 = arith.muli %mul3A_745, %scan3A_617 : i32
      %add3A_747 = arith.constant 4 : i32
      %add3A_748 = arith.addi %mul3A_746, %add3A_747 : i32
      %sub3A_749 = arith.constant 10 : i32
      %sub3A_750 = arith.subi %add3A_748, %sub3A_749 : i32
      %dma_wait3A_751 = arith.constant 0 : i32
      %dma_wait3A_752 = tpu.memref_slice %arg7[%sub3A_750, %dma_wait3A_751] : memref<80x128xi32, #tpu.memory_space<vmem>> -> memref<1x128xi32, #tpu.memory_space<vmem>>
      %dma_wait3A_753 = tpu.memref_squeeze %dma_wait3A_752 : memref<1x128xi32, #tpu.memory_space<vmem>> -> memref<128xi32, #tpu.memory_space<vmem>>
      %dma_wait3A_754 = arith.constant 0 : i32
      %dma_wait3A_755 = arith.constant 0 : i32
      %dma_wait3A_756 = tpu.memref_slice %arg21[%dma_wait3A_754, %dma_wait3A_755] : memref<10240x64xbf16, #tpu.memory_space<vmem_shared>> -> memref<10240x64xbf16, #tpu.memory_space<vmem_shared>>
      tpu.wait_indirect_dma semaphore(%arg36 : memref<!tpu.dma_semaphore, #tpu.memory_space<semaphore_mem>>) src(%arg13 : memref<128x64xbf16, #tpu.memory_space<vmem>>) dst(%dma_wait3A_756 : memref<10240x64xbf16, #tpu.memory_space<vmem_shared>>)
      %dma_start3A_757 = arith.constant 0 : i32
      %dma_start3A_758 = tpu.memref_slice %arg8[%add3A_748, %dma_start3A_757] : memref<80x128xi32, #tpu.memory_space<vmem>> -> memref<1x128xi32, #tpu.memory_space<vmem>>
      %dma_start3A_759 = tpu.memref_squeeze %dma_start3A_758 : memref<1x128xi32, #tpu.memory_space<vmem>> -> memref<128xi32, #tpu.memory_space<vmem>>
      %dma_start3A_760 = arith.constant 0 : i32
      %dma_start3A_761 = arith.constant 0 : i32
      %dma_start3A_762 = tpu.memref_slice %arg2[%dma_start3A_760, %dma_start3A_761] : memref<20000x64xbf16, #tpu.memory_space<hbm>> -> memref<20000x64xbf16, #tpu.memory_space<hbm>>
      tpu.enqueue_indirect_dma source(%dma_start3A_762 : memref<20000x64xbf16, #tpu.memory_space<hbm>>) target(%arg13 : memref<128x64xbf16, #tpu.memory_space<vmem>>) offsets(%dma_start3A_759 : memref<128xi32, #tpu.memory_space<vmem>>) semaphore(%arg26 : memref<!tpu.dma_semaphore, #tpu.memory_space<semaphore_mem>>)
      %sub3A_763 = arith.constant 5 : i32
      %sub3A_764 = arith.subi %add3A_748, %sub3A_763 : i32
      %dma_wait3A_765 = arith.constant 0 : i32
      %dma_wait3A_766 = tpu.memref_slice %arg8[%sub3A_764, %dma_wait3A_765] : memref<80x128xi32, #tpu.memory_space<vmem>> -> memref<1x128xi32, #tpu.memory_space<vmem>>
      %dma_wait3A_767 = tpu.memref_squeeze %dma_wait3A_766 : memref<1x128xi32, #tpu.memory_space<vmem>> -> memref<128xi32, #tpu.memory_space<vmem>>
      %dma_wait3A_768 = arith.constant 0 : i32
      %dma_wait3A_769 = arith.constant 0 : i32
      %dma_wait3A_770 = tpu.memref_slice %arg2[%dma_wait3A_768, %dma_wait3A_769] : memref<20000x64xbf16, #tpu.memory_space<hbm>> -> memref<20000x64xbf16, #tpu.memory_space<hbm>>
      tpu.wait_indirect_dma semaphore(%arg31 : memref<!tpu.dma_semaphore, #tpu.memory_space<semaphore_mem>>) src(%dma_wait3A_770 : memref<20000x64xbf16, #tpu.memory_space<hbm>>) dst(%arg18 : memref<128x64xbf16, #tpu.memory_space<vmem>>)
      %dma_start3A_771 = arith.constant 0 : i32
      %dma_start3A_772 = tpu.memref_slice %arg7[%sub3A_764, %dma_start3A_771] : memref<80x128xi32, #tpu.memory_space<vmem>> -> memref<1x128xi32, #tpu.memory_space<vmem>>
      %dma_start3A_773 = tpu.memref_squeeze %dma_start3A_772 : memref<1x128xi32, #tpu.memory_space<vmem>> -> memref<128xi32, #tpu.memory_space<vmem>>
      %dma_start3A_774 = arith.constant 0 : i32
      %dma_start3A_775 = arith.constant 0 : i32
      %dma_start3A_776 = tpu.memref_slice %arg21[%dma_start3A_774, %dma_start3A_775] : memref<10240x64xbf16, #tpu.memory_space<vmem_shared>> -> memref<10240x64xbf16, #tpu.memory_space<vmem_shared>>
      tpu.enqueue_indirect_dma source(%arg18 : memref<128x64xbf16, #tpu.memory_space<vmem>>) target(%dma_start3A_776 : memref<10240x64xbf16, #tpu.memory_space<vmem_shared>>) offsets(%dma_start3A_773 : memref<128xi32, #tpu.memory_space<vmem>>) semaphore(%arg41 : memref<!tpu.dma_semaphore, #tpu.memory_space<semaphore_mem>>) {add = true}
      %mul3A_777 = arith.constant 10 : i32
      %mul3A_778 = arith.muli %mul3A_777, %scan3A_617 : i32
      %add3A_779 = arith.constant 5 : i32
      %add3A_780 = arith.addi %mul3A_778, %add3A_779 : i32
      %sub3A_781 = arith.constant 10 : i32
      %sub3A_782 = arith.subi %add3A_780, %sub3A_781 : i32
      %dma_wait3A_783 = arith.constant 0 : i32
      %dma_wait3A_784 = tpu.memref_slice %arg7[%sub3A_782, %dma_wait3A_783] : memref<80x128xi32, #tpu.memory_space<vmem>> -> memref<1x128xi32, #tpu.memory_space<vmem>>
      %dma_wait3A_785 = tpu.memref_squeeze %dma_wait3A_784 : memref<1x128xi32, #tpu.memory_space<vmem>> -> memref<128xi32, #tpu.memory_space<vmem>>
      %dma_wait3A_786 = arith.constant 0 : i32
      %dma_wait3A_787 = arith.constant 0 : i32
      %dma_wait3A_788 = tpu.memref_slice %arg21[%dma_wait3A_786, %dma_wait3A_787] : memref<10240x64xbf16, #tpu.memory_space<vmem_shared>> -> memref<10240x64xbf16, #tpu.memory_space<vmem_shared>>
      tpu.wait_indirect_dma semaphore(%arg37 : memref<!tpu.dma_semaphore, #tpu.memory_space<semaphore_mem>>) src(%arg14 : memref<128x64xbf16, #tpu.memory_space<vmem>>) dst(%dma_wait3A_788 : memref<10240x64xbf16, #tpu.memory_space<vmem_shared>>)
      %dma_start3A_789 = arith.constant 0 : i32
      %dma_start3A_790 = tpu.memref_slice %arg8[%add3A_780, %dma_start3A_789] : memref<80x128xi32, #tpu.memory_space<vmem>> -> memref<1x128xi32, #tpu.memory_space<vmem>>
      %dma_start3A_791 = tpu.memref_squeeze %dma_start3A_790 : memref<1x128xi32, #tpu.memory_space<vmem>> -> memref<128xi32, #tpu.memory_space<vmem>>
      %dma_start3A_792 = arith.constant 0 : i32
      %dma_start3A_793 = arith.constant 0 : i32
      %dma_start3A_794 = tpu.memref_slice %arg2[%dma_start3A_792, %dma_start3A_793] : memref<20000x64xbf16, #tpu.memory_space<hbm>> -> memref<20000x64xbf16, #tpu.memory_space<hbm>>
      tpu.enqueue_indirect_dma source(%dma_start3A_794 : memref<20000x64xbf16, #tpu.memory_space<hbm>>) target(%arg14 : memref<128x64xbf16, #tpu.memory_space<vmem>>) offsets(%dma_start3A_791 : memref<128xi32, #tpu.memory_space<vmem>>) semaphore(%arg27 : memref<!tpu.dma_semaphore, #tpu.memory_space<semaphore_mem>>)
      %sub3A_795 = arith.constant 5 : i32
      %sub3A_796 = arith.subi %add3A_780, %sub3A_795 : i32
      %dma_wait3A_797 = arith.constant 0 : i32
      %dma_wait3A_798 = tpu.memref_slice %arg8[%sub3A_796, %dma_wait3A_797] : memref<80x128xi32, #tpu.memory_space<vmem>> -> memref<1x128xi32, #tpu.memory_space<vmem>>
      %dma_wait3A_799 = tpu.memref_squeeze %dma_wait3A_798 : memref<1x128xi32, #tpu.memory_space<vmem>> -> memref<128xi32, #tpu.memory_space<vmem>>
      %dma_wait3A_800 = arith.constant 0 : i32
      %dma_wait3A_801 = arith.constant 0 : i32
      %dma_wait3A_802 = tpu.memref_slice %arg2[%dma_wait3A_800, %dma_wait3A_801] : memref<20000x64xbf16, #tpu.memory_space<hbm>> -> memref<20000x64xbf16, #tpu.memory_space<hbm>>
      tpu.wait_indirect_dma semaphore(%arg22 : memref<!tpu.dma_semaphore, #tpu.memory_space<semaphore_mem>>) src(%dma_wait3A_802 : memref<20000x64xbf16, #tpu.memory_space<hbm>>) dst(%arg9 : memref<128x64xbf16, #tpu.memory_space<vmem>>)
      %dma_start3A_803 = arith.constant 0 : i32
      %dma_start3A_804 = tpu.memref_slice %arg7[%sub3A_796, %dma_start3A_803] : memref<80x128xi32, #tpu.memory_space<vmem>> -> memref<1x128xi32, #tpu.memory_space<vmem>>
      %dma_start3A_805 = tpu.memref_squeeze %dma_start3A_804 : memref<1x128xi32, #tpu.memory_space<vmem>> -> memref<128xi32, #tpu.memory_space<vmem>>
      %dma_start3A_806 = arith.constant 0 : i32
      %dma_start3A_807 = arith.constant 0 : i32
      %dma_start3A_808 = tpu.memref_slice %arg21[%dma_start3A_806, %dma_start3A_807] : memref<10240x64xbf16, #tpu.memory_space<vmem_shared>> -> memref<10240x64xbf16, #tpu.memory_space<vmem_shared>>
      tpu.enqueue_indirect_dma source(%arg9 : memref<128x64xbf16, #tpu.memory_space<vmem>>) target(%dma_start3A_808 : memref<10240x64xbf16, #tpu.memory_space<vmem_shared>>) offsets(%dma_start3A_805 : memref<128xi32, #tpu.memory_space<vmem>>) semaphore(%arg32 : memref<!tpu.dma_semaphore, #tpu.memory_space<semaphore_mem>>) {add = true}
      %mul3A_809 = arith.constant 10 : i32
      %mul3A_810 = arith.muli %mul3A_809, %scan3A_617 : i32
      %add3A_811 = arith.constant 6 : i32
      %add3A_812 = arith.addi %mul3A_810, %add3A_811 : i32
      %sub3A_813 = arith.constant 10 : i32
      %sub3A_814 = arith.subi %add3A_812, %sub3A_813 : i32
      %dma_wait3A_815 = arith.constant 0 : i32
      %dma_wait3A_816 = tpu.memref_slice %arg7[%sub3A_814, %dma_wait3A_815] : memref<80x128xi32, #tpu.memory_space<vmem>> -> memref<1x128xi32, #tpu.memory_space<vmem>>
      %dma_wait3A_817 = tpu.memref_squeeze %dma_wait3A_816 : memref<1x128xi32, #tpu.memory_space<vmem>> -> memref<128xi32, #tpu.memory_space<vmem>>
      %dma_wait3A_818 = arith.constant 0 : i32
      %dma_wait3A_819 = arith.constant 0 : i32
      %dma_wait3A_820 = tpu.memref_slice %arg21[%dma_wait3A_818, %dma_wait3A_819] : memref<10240x64xbf16, #tpu.memory_space<vmem_shared>> -> memref<10240x64xbf16, #tpu.memory_space<vmem_shared>>
      tpu.wait_indirect_dma semaphore(%arg38 : memref<!tpu.dma_semaphore, #tpu.memory_space<semaphore_mem>>) src(%arg15 : memref<128x64xbf16, #tpu.memory_space<vmem>>) dst(%dma_wait3A_820 : memref<10240x64xbf16, #tpu.memory_space<vmem_shared>>)
      %dma_start3A_821 = arith.constant 0 : i32
      %dma_start3A_822 = tpu.memref_slice %arg8[%add3A_812, %dma_start3A_821] : memref<80x128xi32, #tpu.memory_space<vmem>> -> memref<1x128xi32, #tpu.memory_space<vmem>>
      %dma_start3A_823 = tpu.memref_squeeze %dma_start3A_822 : memref<1x128xi32, #tpu.memory_space<vmem>> -> memref<128xi32, #tpu.memory_space<vmem>>
      %dma_start3A_824 = arith.constant 0 : i32
      %dma_start3A_825 = arith.constant 0 : i32
      %dma_start3A_826 = tpu.memref_slice %arg2[%dma_start3A_824, %dma_start3A_825] : memref<20000x64xbf16, #tpu.memory_space<hbm>> -> memref<20000x64xbf16, #tpu.memory_space<hbm>>
      tpu.enqueue_indirect_dma source(%dma_start3A_826 : memref<20000x64xbf16, #tpu.memory_space<hbm>>) target(%arg15 : memref<128x64xbf16, #tpu.memory_space<vmem>>) offsets(%dma_start3A_823 : memref<128xi32, #tpu.memory_space<vmem>>) semaphore(%arg28 : memref<!tpu.dma_semaphore, #tpu.memory_space<semaphore_mem>>)
      %sub3A_827 = arith.constant 5 : i32
      %sub3A_828 = arith.subi %add3A_812, %sub3A_827 : i32
      %dma_wait3A_829 = arith.constant 0 : i32
      %dma_wait3A_830 = tpu.memref_slice %arg8[%sub3A_828, %dma_wait3A_829] : memref<80x128xi32, #tpu.memory_space<vmem>> -> memref<1x128xi32, #tpu.memory_space<vmem>>
      %dma_wait3A_831 = tpu.memref_squeeze %dma_wait3A_830 : memref<1x128xi32, #tpu.memory_space<vmem>> -> memref<128xi32, #tpu.memory_space<vmem>>
      %dma_wait3A_832 = arith.constant 0 : i32
      %dma_wait3A_833 = arith.constant 0 : i32
      %dma_wait3A_834 = tpu.memref_slice %arg2[%dma_wait3A_832, %dma_wait3A_833] : memref<20000x64xbf16, #tpu.memory_space<hbm>> -> memref<20000x64xbf16, #tpu.memory_space<hbm>>
      tpu.wait_indirect_dma semaphore(%arg23 : memref<!tpu.dma_semaphore, #tpu.memory_space<semaphore_mem>>) src(%dma_wait3A_834 : memref<20000x64xbf16, #tpu.memory_space<hbm>>) dst(%arg10 : memref<128x64xbf16, #tpu.memory_space<vmem>>)
      %dma_start3A_835 = arith.constant 0 : i32
      %dma_start3A_836 = tpu.memref_slice %arg7[%sub3A_828, %dma_start3A_835] : memref<80x128xi32, #tpu.memory_space<vmem>> -> memref<1x128xi32, #tpu.memory_space<vmem>>
      %dma_start3A_837 = tpu.memref_squeeze %dma_start3A_836 : memref<1x128xi32, #tpu.memory_space<vmem>> -> memref<128xi32, #tpu.memory_space<vmem>>
      %dma_start3A_838 = arith.constant 0 : i32
      %dma_start3A_839 = arith.constant 0 : i32
      %dma_start3A_840 = tpu.memref_slice %arg21[%dma_start3A_838, %dma_start3A_839] : memref<10240x64xbf16, #tpu.memory_space<vmem_shared>> -> memref<10240x64xbf16, #tpu.memory_space<vmem_shared>>
      tpu.enqueue_indirect_dma source(%arg10 : memref<128x64xbf16, #tpu.memory_space<vmem>>) target(%dma_start3A_840 : memref<10240x64xbf16, #tpu.memory_space<vmem_shared>>) offsets(%dma_start3A_837 : memref<128xi32, #tpu.memory_space<vmem>>) semaphore(%arg33 : memref<!tpu.dma_semaphore, #tpu.memory_space<semaphore_mem>>) {add = true}
      %mul3A_841 = arith.constant 10 : i32
      %mul3A_842 = arith.muli %mul3A_841, %scan3A_617 : i32
      %add3A_843 = arith.constant 7 : i32
      %add3A_844 = arith.addi %mul3A_842, %add3A_843 : i32
      %sub3A_845 = arith.constant 10 : i32
      %sub3A_846 = arith.subi %add3A_844, %sub3A_845 : i32
      %dma_wait3A_847 = arith.constant 0 : i32
      %dma_wait3A_848 = tpu.memref_slice %arg7[%sub3A_846, %dma_wait3A_847] : memref<80x128xi32, #tpu.memory_space<vmem>> -> memref<1x128xi32, #tpu.memory_space<vmem>>
      %dma_wait3A_849 = tpu.memref_squeeze %dma_wait3A_848 : memref<1x128xi32, #tpu.memory_space<vmem>> -> memref<128xi32, #tpu.memory_space<vmem>>
      %dma_wait3A_850 = arith.constant 0 : i32
      %dma_wait3A_851 = arith.constant 0 : i32
      %dma_wait3A_852 = tpu.memref_slice %arg21[%dma_wait3A_850, %dma_wait3A_851] : memref<10240x64xbf16, #tpu.memory_space<vmem_shared>> -> memref<10240x64xbf16, #tpu.memory_space<vmem_shared>>
      tpu.wait_indirect_dma semaphore(%arg39 : memref<!tpu.dma_semaphore, #tpu.memory_space<semaphore_mem>>) src(%arg16 : memref<128x64xbf16, #tpu.memory_space<vmem>>) dst(%dma_wait3A_852 : memref<10240x64xbf16, #tpu.memory_space<vmem_shared>>)
      %dma_start3A_853 = arith.constant 0 : i32
      %dma_start3A_854 = tpu.memref_slice %arg8[%add3A_844, %dma_start3A_853] : memref<80x128xi32, #tpu.memory_space<vmem>> -> memref<1x128xi32, #tpu.memory_space<vmem>>
      %dma_start3A_855 = tpu.memref_squeeze %dma_start3A_854 : memref<1x128xi32, #tpu.memory_space<vmem>> -> memref<128xi32, #tpu.memory_space<vmem>>
      %dma_start3A_856 = arith.constant 0 : i32
      %dma_start3A_857 = arith.constant 0 : i32
      %dma_start3A_858 = tpu.memref_slice %arg2[%dma_start3A_856, %dma_start3A_857] : memref<20000x64xbf16, #tpu.memory_space<hbm>> -> memref<20000x64xbf16, #tpu.memory_space<hbm>>
      tpu.enqueue_indirect_dma source(%dma_start3A_858 : memref<20000x64xbf16, #tpu.memory_space<hbm>>) target(%arg16 : memref<128x64xbf16, #tpu.memory_space<vmem>>) offsets(%dma_start3A_855 : memref<128xi32, #tpu.memory_space<vmem>>) semaphore(%arg29 : memref<!tpu.dma_semaphore, #tpu.memory_space<semaphore_mem>>)
      %sub3A_859 = arith.constant 5 : i32
      %sub3A_860 = arith.subi %add3A_844, %sub3A_859 : i32
      %dma_wait3A_861 = arith.constant 0 : i32
      %dma_wait3A_862 = tpu.memref_slice %arg8[%sub3A_860, %dma_wait3A_861] : memref<80x128xi32, #tpu.memory_space<vmem>> -> memref<1x128xi32, #tpu.memory_space<vmem>>
      %dma_wait3A_863 = tpu.memref_squeeze %dma_wait3A_862 : memref<1x128xi32, #tpu.memory_space<vmem>> -> memref<128xi32, #tpu.memory_space<vmem>>
      %dma_wait3A_864 = arith.constant 0 : i32
      %dma_wait3A_865 = arith.constant 0 : i32
      %dma_wait3A_866 = tpu.memref_slice %arg2[%dma_wait3A_864, %dma_wait3A_865] : memref<20000x64xbf16, #tpu.memory_space<hbm>> -> memref<20000x64xbf16, #tpu.memory_space<hbm>>
      tpu.wait_indirect_dma semaphore(%arg24 : memref<!tpu.dma_semaphore, #tpu.memory_space<semaphore_mem>>) src(%dma_wait3A_866 : memref<20000x64xbf16, #tpu.memory_space<hbm>>) dst(%arg11 : memref<128x64xbf16, #tpu.memory_space<vmem>>)
      %dma_start3A_867 = arith.constant 0 : i32
      %dma_start3A_868 = tpu.memref_slice %arg7[%sub3A_860, %dma_start3A_867] : memref<80x128xi32, #tpu.memory_space<vmem>> -> memref<1x128xi32, #tpu.memory_space<vmem>>
      %dma_start3A_869 = tpu.memref_squeeze %dma_start3A_868 : memref<1x128xi32, #tpu.memory_space<vmem>> -> memref<128xi32, #tpu.memory_space<vmem>>
      %dma_start3A_870 = arith.constant 0 : i32
      %dma_start3A_871 = arith.constant 0 : i32
      %dma_start3A_872 = tpu.memref_slice %arg21[%dma_start3A_870, %dma_start3A_871] : memref<10240x64xbf16, #tpu.memory_space<vmem_shared>> -> memref<10240x64xbf16, #tpu.memory_space<vmem_shared>>
      tpu.enqueue_indirect_dma source(%arg11 : memref<128x64xbf16, #tpu.memory_space<vmem>>) target(%dma_start3A_872 : memref<10240x64xbf16, #tpu.memory_space<vmem_shared>>) offsets(%dma_start3A_869 : memref<128xi32, #tpu.memory_space<vmem>>) semaphore(%arg34 : memref<!tpu.dma_semaphore, #tpu.memory_space<semaphore_mem>>) {add = true}
      %mul3A_873 = arith.constant 10 : i32
      %mul3A_874 = arith.muli %mul3A_873, %scan3A_617 : i32
      %add3A_875 = arith.constant 8 : i32
      %add3A_876 = arith.addi %mul3A_874, %add3A_875 : i32
      %sub3A_877 = arith.constant 10 : i32
      %sub3A_878 = arith.subi %add3A_876, %sub3A_877 : i32
      %dma_wait3A_879 = arith.constant 0 : i32
      %dma_wait3A_880 = tpu.memref_slice %arg7[%sub3A_878, %dma_wait3A_879] : memref<80x128xi32, #tpu.memory_space<vmem>> -> memref<1x128xi32, #tpu.memory_space<vmem>>
      %dma_wait3A_881 = tpu.memref_squeeze %dma_wait3A_880 : memref<1x128xi32, #tpu.memory_space<vmem>> -> memref<128xi32, #tpu.memory_space<vmem>>
      %dma_wait3A_882 = arith.constant 0 : i32
      %dma_wait3A_883 = arith.constant 0 : i32
      %dma_wait3A_884 = tpu.memref_slice %arg21[%dma_wait3A_882, %dma_wait3A_883] : memref<10240x64xbf16, #tpu.memory_space<vmem_shared>> -> memref<10240x64xbf16, #tpu.memory_space<vmem_shared>>
      tpu.wait_indirect_dma semaphore(%arg40 : memref<!tpu.dma_semaphore, #tpu.memory_space<semaphore_mem>>) src(%arg17 : memref<128x64xbf16, #tpu.memory_space<vmem>>) dst(%dma_wait3A_884 : memref<10240x64xbf16, #tpu.memory_space<vmem_shared>>)
      %dma_start3A_885 = arith.constant 0 : i32
      %dma_start3A_886 = tpu.memref_slice %arg8[%add3A_876, %dma_start3A_885] : memref<80x128xi32, #tpu.memory_space<vmem>> -> memref<1x128xi32, #tpu.memory_space<vmem>>
      %dma_start3A_887 = tpu.memref_squeeze %dma_start3A_886 : memref<1x128xi32, #tpu.memory_space<vmem>> -> memref<128xi32, #tpu.memory_space<vmem>>
      %dma_start3A_888 = arith.constant 0 : i32
      %dma_start3A_889 = arith.constant 0 : i32
      %dma_start3A_890 = tpu.memref_slice %arg2[%dma_start3A_888, %dma_start3A_889] : memref<20000x64xbf16, #tpu.memory_space<hbm>> -> memref<20000x64xbf16, #tpu.memory_space<hbm>>
      tpu.enqueue_indirect_dma source(%dma_start3A_890 : memref<20000x64xbf16, #tpu.memory_space<hbm>>) target(%arg17 : memref<128x64xbf16, #tpu.memory_space<vmem>>) offsets(%dma_start3A_887 : memref<128xi32, #tpu.memory_space<vmem>>) semaphore(%arg30 : memref<!tpu.dma_semaphore, #tpu.memory_space<semaphore_mem>>)
      %sub3A_891 = arith.constant 5 : i32
      %sub3A_892 = arith.subi %add3A_876, %sub3A_891 : i32
      %dma_wait3A_893 = arith.constant 0 : i32
      %dma_wait3A_894 = tpu.memref_slice %arg8[%sub3A_892, %dma_wait3A_893] : memref<80x128xi32, #tpu.memory_space<vmem>> -> memref<1x128xi32, #tpu.memory_space<vmem>>
      %dma_wait3A_895 = tpu.memref_squeeze %dma_wait3A_894 : memref<1x128xi32, #tpu.memory_space<vmem>> -> memref<128xi32, #tpu.memory_space<vmem>>
      %dma_wait3A_896 = arith.constant 0 : i32
      %dma_wait3A_897 = arith.constant 0 : i32
      %dma_wait3A_898 = tpu.memref_slice %arg2[%dma_wait3A_896, %dma_wait3A_897] : memref<20000x64xbf16, #tpu.memory_space<hbm>> -> memref<20000x64xbf16, #tpu.memory_space<hbm>>
      tpu.wait_indirect_dma semaphore(%arg25 : memref<!tpu.dma_semaphore, #tpu.memory_space<semaphore_mem>>) src(%dma_wait3A_898 : memref<20000x64xbf16, #tpu.memory_space<hbm>>) dst(%arg12 : memref<128x64xbf16, #tpu.memory_space<vmem>>)
      %dma_start3A_899 = arith.constant 0 : i32
      %dma_start3A_900 = tpu.memref_slice %arg7[%sub3A_892, %dma_start3A_899] : memref<80x128xi32, #tpu.memory_space<vmem>> -> memref<1x128xi32, #tpu.memory_space<vmem>>
      %dma_start3A_901 = tpu.memref_squeeze %dma_start3A_900 : memref<1x128xi32, #tpu.memory_space<vmem>> -> memref<128xi32, #tpu.memory_space<vmem>>
      %dma_start3A_902 = arith.constant 0 : i32
      %dma_start3A_903 = arith.constant 0 : i32
      %dma_start3A_904 = tpu.memref_slice %arg21[%dma_start3A_902, %dma_start3A_903] : memref<10240x64xbf16, #tpu.memory_space<vmem_shared>> -> memref<10240x64xbf16, #tpu.memory_space<vmem_shared>>
      tpu.enqueue_indirect_dma source(%arg12 : memref<128x64xbf16, #tpu.memory_space<vmem>>) target(%dma_start3A_904 : memref<10240x64xbf16, #tpu.memory_space<vmem_shared>>) offsets(%dma_start3A_901 : memref<128xi32, #tpu.memory_space<vmem>>) semaphore(%arg35 : memref<!tpu.dma_semaphore, #tpu.memory_space<semaphore_mem>>) {add = true}
      %mul3A_905 = arith.constant 10 : i32
      %mul3A_906 = arith.muli %mul3A_905, %scan3A_617 : i32
      %add3A_907 = arith.constant 9 : i32
      %add3A_908 = arith.addi %mul3A_906, %add3A_907 : i32
      %sub3A_909 = arith.constant 10 : i32
      %sub3A_910 = arith.subi %add3A_908, %sub3A_909 : i32
      %dma_wait3A_911 = arith.constant 0 : i32
      %dma_wait3A_912 = tpu.memref_slice %arg7[%sub3A_910, %dma_wait3A_911] : memref<80x128xi32, #tpu.memory_space<vmem>> -> memref<1x128xi32, #tpu.memory_space<vmem>>
      %dma_wait3A_913 = tpu.memref_squeeze %dma_wait3A_912 : memref<1x128xi32, #tpu.memory_space<vmem>> -> memref<128xi32, #tpu.memory_space<vmem>>
      %dma_wait3A_914 = arith.constant 0 : i32
      %dma_wait3A_915 = arith.constant 0 : i32
      %dma_wait3A_916 = tpu.memref_slice %arg21[%dma_wait3A_914, %dma_wait3A_915] : memref<10240x64xbf16, #tpu.memory_space<vmem_shared>> -> memref<10240x64xbf16, #tpu.memory_space<vmem_shared>>
      tpu.wait_indirect_dma semaphore(%arg41 : memref<!tpu.dma_semaphore, #tpu.memory_space<semaphore_mem>>) src(%arg18 : memref<128x64xbf16, #tpu.memory_space<vmem>>) dst(%dma_wait3A_916 : memref<10240x64xbf16, #tpu.memory_space<vmem_shared>>)
      %dma_start3A_917 = arith.constant 0 : i32
      %dma_start3A_918 = tpu.memref_slice %arg8[%add3A_908, %dma_start3A_917] : memref<80x128xi32, #tpu.memory_space<vmem>> -> memref<1x128xi32, #tpu.memory_space<vmem>>
      %dma_start3A_919 = tpu.memref_squeeze %dma_start3A_918 : memref<1x128xi32, #tpu.memory_space<vmem>> -> memref<128xi32, #tpu.memory_space<vmem>>
      %dma_start3A_920 = arith.constant 0 : i32
      %dma_start3A_921 = arith.constant 0 : i32
      %dma_start3A_922 = tpu.memref_slice %arg2[%dma_start3A_920, %dma_start3A_921] : memref<20000x64xbf16, #tpu.memory_space<hbm>> -> memref<20000x64xbf16, #tpu.memory_space<hbm>>
      tpu.enqueue_indirect_dma source(%dma_start3A_922 : memref<20000x64xbf16, #tpu.memory_space<hbm>>) target(%arg18 : memref<128x64xbf16, #tpu.memory_space<vmem>>) offsets(%dma_start3A_919 : memref<128xi32, #tpu.memory_space<vmem>>) semaphore(%arg31 : memref<!tpu.dma_semaphore, #tpu.memory_space<semaphore_mem>>)
      %sub3A_923 = arith.constant 5 : i32
      %sub3A_924 = arith.subi %add3A_908, %sub3A_923 : i32
      %dma_wait3A_925 = arith.constant 0 : i32
      %dma_wait3A_926 = tpu.memref_slice %arg8[%sub3A_924, %dma_wait3A_925] : memref<80x128xi32, #tpu.memory_space<vmem>> -> memref<1x128xi32, #tpu.memory_space<vmem>>
      %dma_wait3A_927 = tpu.memref_squeeze %dma_wait3A_926 : memref<1x128xi32, #tpu.memory_space<vmem>> -> memref<128xi32, #tpu.memory_space<vmem>>
      %dma_wait3A_928 = arith.constant 0 : i32
      %dma_wait3A_929 = arith.constant 0 : i32
      %dma_wait3A_930 = tpu.memref_slice %arg2[%dma_wait3A_928, %dma_wait3A_929] : memref<20000x64xbf16, #tpu.memory_space<hbm>> -> memref<20000x64xbf16, #tpu.memory_space<hbm>>
      tpu.wait_indirect_dma semaphore(%arg26 : memref<!tpu.dma_semaphore, #tpu.memory_space<semaphore_mem>>) src(%dma_wait3A_930 : memref<20000x64xbf16, #tpu.memory_space<hbm>>) dst(%arg13 : memref<128x64xbf16, #tpu.memory_space<vmem>>)
      %dma_start3A_931 = arith.constant 0 : i32
      %dma_start3A_932 = tpu.memref_slice %arg7[%sub3A_924, %dma_start3A_931] : memref<80x128xi32, #tpu.memory_space<vmem>> -> memref<1x128xi32, #tpu.memory_space<vmem>>
      %dma_start3A_933 = tpu.memref_squeeze %dma_start3A_932 : memref<1x128xi32, #tpu.memory_space<vmem>> -> memref<128xi32, #tpu.memory_space<vmem>>
      %dma_start3A_934 = arith.constant 0 : i32
      %dma_start3A_935 = arith.constant 0 : i32
      %dma_start3A_936 = tpu.memref_slice %arg21[%dma_start3A_934, %dma_start3A_935] : memref<10240x64xbf16, #tpu.memory_space<vmem_shared>> -> memref<10240x64xbf16, #tpu.memory_space<vmem_shared>>
      tpu.enqueue_indirect_dma source(%arg13 : memref<128x64xbf16, #tpu.memory_space<vmem>>) target(%dma_start3A_936 : memref<10240x64xbf16, #tpu.memory_space<vmem_shared>>) offsets(%dma_start3A_933 : memref<128xi32, #tpu.memory_space<vmem>>) semaphore(%arg36 : memref<!tpu.dma_semaphore, #tpu.memory_space<semaphore_mem>>) {add = true}
    }
    %scan3A_169 = arith.constant 7 : i32
    %dma_wait3A_170 = arith.constant 75 : i32
    %dma_wait3A_171 = arith.constant 0 : i32
    %dma_wait3A_172 = tpu.memref_slice %arg8[%dma_wait3A_170, %dma_wait3A_171] : memref<80x128xi32, #tpu.memory_space<vmem>> -> memref<1x128xi32, #tpu.memory_space<vmem>>
    %dma_wait3A_173 = tpu.memref_squeeze %dma_wait3A_172 : memref<1x128xi32, #tpu.memory_space<vmem>> -> memref<128xi32, #tpu.memory_space<vmem>>
    %dma_wait3A_174 = arith.constant 0 : i32
    %dma_wait3A_175 = arith.constant 0 : i32
    %dma_wait3A_176 = tpu.memref_slice %arg2[%dma_wait3A_174, %dma_wait3A_175] : memref<20000x64xbf16, #tpu.memory_space<hbm>> -> memref<20000x64xbf16, #tpu.memory_space<hbm>>
    tpu.wait_indirect_dma semaphore(%arg27 : memref<!tpu.dma_semaphore, #tpu.memory_space<semaphore_mem>>) src(%dma_wait3A_176 : memref<20000x64xbf16, #tpu.memory_space<hbm>>) dst(%arg14 : memref<128x64xbf16, #tpu.memory_space<vmem>>)
    %dma_start3A_177 = arith.constant 75 : i32
    %dma_start3A_178 = arith.constant 0 : i32
    %dma_start3A_179 = tpu.memref_slice %arg7[%dma_start3A_177, %dma_start3A_178] : memref<80x128xi32, #tpu.memory_space<vmem>> -> memref<1x128xi32, #tpu.memory_space<vmem>>
    %dma_start3A_180 = tpu.memref_squeeze %dma_start3A_179 : memref<1x128xi32, #tpu.memory_space<vmem>> -> memref<128xi32, #tpu.memory_space<vmem>>
    %dma_start3A_181 = arith.constant 0 : i32
    %dma_start3A_182 = arith.constant 0 : i32
    %dma_start3A_183 = tpu.memref_slice %arg21[%dma_start3A_181, %dma_start3A_182] : memref<10240x64xbf16, #tpu.memory_space<vmem_shared>> -> memref<10240x64xbf16, #tpu.memory_space<vmem_shared>>
    tpu.enqueue_indirect_dma source(%arg14 : memref<128x64xbf16, #tpu.memory_space<vmem>>) target(%dma_start3A_183 : memref<10240x64xbf16, #tpu.memory_space<vmem_shared>>) offsets(%dma_start3A_180 : memref<128xi32, #tpu.memory_space<vmem>>) semaphore(%arg37 : memref<!tpu.dma_semaphore, #tpu.memory_space<semaphore_mem>>) {add = true}
    %dma_wait3A_184 = arith.constant 76 : i32
    %dma_wait3A_185 = arith.constant 0 : i32
    %dma_wait3A_186 = tpu.memref_slice %arg8[%dma_wait3A_184, %dma_wait3A_185] : memref<80x128xi32, #tpu.memory_space<vmem>> -> memref<1x128xi32, #tpu.memory_space<vmem>>
    %dma_wait3A_187 = tpu.memref_squeeze %dma_wait3A_186 : memref<1x128xi32, #tpu.memory_space<vmem>> -> memref<128xi32, #tpu.memory_space<vmem>>
    %dma_wait3A_188 = arith.constant 0 : i32
    %dma_wait3A_189 = arith.constant 0 : i32
    %dma_wait3A_190 = tpu.memref_slice %arg2[%dma_wait3A_188, %dma_wait3A_189] : memref<20000x64xbf16, #tpu.memory_space<hbm>> -> memref<20000x64xbf16, #tpu.memory_space<hbm>>
    tpu.wait_indirect_dma semaphore(%arg28 : memref<!tpu.dma_semaphore, #tpu.memory_space<semaphore_mem>>) src(%dma_wait3A_190 : memref<20000x64xbf16, #tpu.memory_space<hbm>>) dst(%arg15 : memref<128x64xbf16, #tpu.memory_space<vmem>>)
    %dma_start3A_191 = arith.constant 76 : i32
    %dma_start3A_192 = arith.constant 0 : i32
    %dma_start3A_193 = tpu.memref_slice %arg7[%dma_start3A_191, %dma_start3A_192] : memref<80x128xi32, #tpu.memory_space<vmem>> -> memref<1x128xi32, #tpu.memory_space<vmem>>
    %dma_start3A_194 = tpu.memref_squeeze %dma_start3A_193 : memref<1x128xi32, #tpu.memory_space<vmem>> -> memref<128xi32, #tpu.memory_space<vmem>>
    %dma_start3A_195 = arith.constant 0 : i32
    %dma_start3A_196 = arith.constant 0 : i32
    %dma_start3A_197 = tpu.memref_slice %arg21[%dma_start3A_195, %dma_start3A_196] : memref<10240x64xbf16, #tpu.memory_space<vmem_shared>> -> memref<10240x64xbf16, #tpu.memory_space<vmem_shared>>
    tpu.enqueue_indirect_dma source(%arg15 : memref<128x64xbf16, #tpu.memory_space<vmem>>) target(%dma_start3A_197 : memref<10240x64xbf16, #tpu.memory_space<vmem_shared>>) offsets(%dma_start3A_194 : memref<128xi32, #tpu.memory_space<vmem>>) semaphore(%arg38 : memref<!tpu.dma_semaphore, #tpu.memory_space<semaphore_mem>>) {add = true}
    %dma_wait3A_198 = arith.constant 77 : i32
    %dma_wait3A_199 = arith.constant 0 : i32
    %dma_wait3A_200 = tpu.memref_slice %arg8[%dma_wait3A_198, %dma_wait3A_199] : memref<80x128xi32, #tpu.memory_space<vmem>> -> memref<1x128xi32, #tpu.memory_space<vmem>>
    %dma_wait3A_201 = tpu.memref_squeeze %dma_wait3A_200 : memref<1x128xi32, #tpu.memory_space<vmem>> -> memref<128xi32, #tpu.memory_space<vmem>>
    %dma_wait3A_202 = arith.constant 0 : i32
    %dma_wait3A_203 = arith.constant 0 : i32
    %dma_wait3A_204 = tpu.memref_slice %arg2[%dma_wait3A_202, %dma_wait3A_203] : memref<20000x64xbf16, #tpu.memory_space<hbm>> -> memref<20000x64xbf16, #tpu.memory_space<hbm>>
    tpu.wait_indirect_dma semaphore(%arg29 : memref<!tpu.dma_semaphore, #tpu.memory_space<semaphore_mem>>) src(%dma_wait3A_204 : memref<20000x64xbf16, #tpu.memory_space<hbm>>) dst(%arg16 : memref<128x64xbf16, #tpu.memory_space<vmem>>)
    %dma_start3A_205 = arith.constant 77 : i32
    %dma_start3A_206 = arith.constant 0 : i32
    %dma_start3A_207 = tpu.memref_slice %arg7[%dma_start3A_205, %dma_start3A_206] : memref<80x128xi32, #tpu.memory_space<vmem>> -> memref<1x128xi32, #tpu.memory_space<vmem>>
    %dma_start3A_208 = tpu.memref_squeeze %dma_start3A_207 : memref<1x128xi32, #tpu.memory_space<vmem>> -> memref<128xi32, #tpu.memory_space<vmem>>
    %dma_start3A_209 = arith.constant 0 : i32
    %dma_start3A_210 = arith.constant 0 : i32
    %dma_start3A_211 = tpu.memref_slice %arg21[%dma_start3A_209, %dma_start3A_210] : memref<10240x64xbf16, #tpu.memory_space<vmem_shared>> -> memref<10240x64xbf16, #tpu.memory_space<vmem_shared>>
    tpu.enqueue_indirect_dma source(%arg16 : memref<128x64xbf16, #tpu.memory_space<vmem>>) target(%dma_start3A_211 : memref<10240x64xbf16, #tpu.memory_space<vmem_shared>>) offsets(%dma_start3A_208 : memref<128xi32, #tpu.memory_space<vmem>>) semaphore(%arg39 : memref<!tpu.dma_semaphore, #tpu.memory_space<semaphore_mem>>) {add = true}
    %dma_wait3A_212 = arith.constant 78 : i32
    %dma_wait3A_213 = arith.constant 0 : i32
    %dma_wait3A_214 = tpu.memref_slice %arg8[%dma_wait3A_212, %dma_wait3A_213] : memref<80x128xi32, #tpu.memory_space<vmem>> -> memref<1x128xi32, #tpu.memory_space<vmem>>
    %dma_wait3A_215 = tpu.memref_squeeze %dma_wait3A_214 : memref<1x128xi32, #tpu.memory_space<vmem>> -> memref<128xi32, #tpu.memory_space<vmem>>
    %dma_wait3A_216 = arith.constant 0 : i32
    %dma_wait3A_217 = arith.constant 0 : i32
    %dma_wait3A_218 = tpu.memref_slice %arg2[%dma_wait3A_216, %dma_wait3A_217] : memref<20000x64xbf16, #tpu.memory_space<hbm>> -> memref<20000x64xbf16, #tpu.memory_space<hbm>>
    tpu.wait_indirect_dma semaphore(%arg30 : memref<!tpu.dma_semaphore, #tpu.memory_space<semaphore_mem>>) src(%dma_wait3A_218 : memref<20000x64xbf16, #tpu.memory_space<hbm>>) dst(%arg17 : memref<128x64xbf16, #tpu.memory_space<vmem>>)
    %dma_start3A_219 = arith.constant 78 : i32
    %dma_start3A_220 = arith.constant 0 : i32
    %dma_start3A_221 = tpu.memref_slice %arg7[%dma_start3A_219, %dma_start3A_220] : memref<80x128xi32, #tpu.memory_space<vmem>> -> memref<1x128xi32, #tpu.memory_space<vmem>>
    %dma_start3A_222 = tpu.memref_squeeze %dma_start3A_221 : memref<1x128xi32, #tpu.memory_space<vmem>> -> memref<128xi32, #tpu.memory_space<vmem>>
    %dma_start3A_223 = arith.constant 0 : i32
    %dma_start3A_224 = arith.constant 0 : i32
    %dma_start3A_225 = tpu.memref_slice %arg21[%dma_start3A_223, %dma_start3A_224] : memref<10240x64xbf16, #tpu.memory_space<vmem_shared>> -> memref<10240x64xbf16, #tpu.memory_space<vmem_shared>>
    tpu.enqueue_indirect_dma source(%arg17 : memref<128x64xbf16, #tpu.memory_space<vmem>>) target(%dma_start3A_225 : memref<10240x64xbf16, #tpu.memory_space<vmem_shared>>) offsets(%dma_start3A_222 : memref<128xi32, #tpu.memory_space<vmem>>) semaphore(%arg40 : memref<!tpu.dma_semaphore, #tpu.memory_space<semaphore_mem>>) {add = true}
    %dma_wait3A_226 = arith.constant 79 : i32
    %dma_wait3A_227 = arith.constant 0 : i32
    %dma_wait3A_228 = tpu.memref_slice %arg8[%dma_wait3A_226, %dma_wait3A_227] : memref<80x128xi32, #tpu.memory_space<vmem>> -> memref<1x128xi32, #tpu.memory_space<vmem>>
    %dma_wait3A_229 = tpu.memref_squeeze %dma_wait3A_228 : memref<1x128xi32, #tpu.memory_space<vmem>> -> memref<128xi32, #tpu.memory_space<vmem>>
    %dma_wait3A_230 = arith.constant 0 : i32
    %dma_wait3A_231 = arith.constant 0 : i32
    %dma_wait3A_232 = tpu.memref_slice %arg2[%dma_wait3A_230, %dma_wait3A_231] : memref<20000x64xbf16, #tpu.memory_space<hbm>> -> memref<20000x64xbf16, #tpu.memory_space<hbm>>
    tpu.wait_indirect_dma semaphore(%arg31 : memref<!tpu.dma_semaphore, #tpu.memory_space<semaphore_mem>>) src(%dma_wait3A_232 : memref<20000x64xbf16, #tpu.memory_space<hbm>>) dst(%arg18 : memref<128x64xbf16, #tpu.memory_space<vmem>>)
    %dma_start3A_233 = arith.constant 79 : i32
    %dma_start3A_234 = arith.constant 0 : i32
    %dma_start3A_235 = tpu.memref_slice %arg7[%dma_start3A_233, %dma_start3A_234] : memref<80x128xi32, #tpu.memory_space<vmem>> -> memref<1x128xi32, #tpu.memory_space<vmem>>
    %dma_start3A_236 = tpu.memref_squeeze %dma_start3A_235 : memref<1x128xi32, #tpu.memory_space<vmem>> -> memref<128xi32, #tpu.memory_space<vmem>>
    %dma_start3A_237 = arith.constant 0 : i32
    %dma_start3A_238 = arith.constant 0 : i32
    %dma_start3A_239 = tpu.memref_slice %arg21[%dma_start3A_237, %dma_start3A_238] : memref<10240x64xbf16, #tpu.memory_space<vmem_shared>> -> memref<10240x64xbf16, #tpu.memory_space<vmem_shared>>
    tpu.enqueue_indirect_dma source(%arg18 : memref<128x64xbf16, #tpu.memory_space<vmem>>) target(%dma_start3A_239 : memref<10240x64xbf16, #tpu.memory_space<vmem_shared>>) offsets(%dma_start3A_236 : memref<128xi32, #tpu.memory_space<vmem>>) semaphore(%arg41 : memref<!tpu.dma_semaphore, #tpu.memory_space<semaphore_mem>>) {add = true}
    %dma_wait3A_240 = arith.constant 70 : i32
    %dma_wait3A_241 = arith.constant 0 : i32
    %dma_wait3A_242 = tpu.memref_slice %arg7[%dma_wait3A_240, %dma_wait3A_241] : memref<80x128xi32, #tpu.memory_space<vmem>> -> memref<1x128xi32, #tpu.memory_space<vmem>>
    %dma_wait3A_243 = tpu.memref_squeeze %dma_wait3A_242 : memref<1x128xi32, #tpu.memory_space<vmem>> -> memref<128xi32, #tpu.memory_space<vmem>>
    %dma_wait3A_244 = arith.constant 0 : i32
    %dma_wait3A_245 = arith.constant 0 : i32
    %dma_wait3A_246 = tpu.memref_slice %arg21[%dma_wait3A_244, %dma_wait3A_245] : memref<10240x64xbf16, #tpu.memory_space<vmem_shared>> -> memref<10240x64xbf16, #tpu.memory_space<vmem_shared>>
    tpu.wait_indirect_dma semaphore(%arg32 : memref<!tpu.dma_semaphore, #tpu.memory_space<semaphore_mem>>) src(%arg9 : memref<128x64xbf16, #tpu.memory_space<vmem>>) dst(%dma_wait3A_246 : memref<10240x64xbf16, #tpu.memory_space<vmem_shared>>)
    %dma_wait3A_247 = arith.constant 71 : i32
    %dma_wait3A_248 = arith.constant 0 : i32
    %dma_wait3A_249 = tpu.memref_slice %arg7[%dma_wait3A_247, %dma_wait3A_248] : memref<80x128xi32, #tpu.memory_space<vmem>> -> memref<1x128xi32, #tpu.memory_space<vmem>>
    %dma_wait3A_250 = tpu.memref_squeeze %dma_wait3A_249 : memref<1x128xi32, #tpu.memory_space<vmem>> -> memref<128xi32, #tpu.memory_space<vmem>>
    %dma_wait3A_251 = arith.constant 0 : i32
    %dma_wait3A_252 = arith.constant 0 : i32
    %dma_wait3A_253 = tpu.memref_slice %arg21[%dma_wait3A_251, %dma_wait3A_252] : memref<10240x64xbf16, #tpu.memory_space<vmem_shared>> -> memref<10240x64xbf16, #tpu.memory_space<vmem_shared>>
    tpu.wait_indirect_dma semaphore(%arg33 : memref<!tpu.dma_semaphore, #tpu.memory_space<semaphore_mem>>) src(%arg10 : memref<128x64xbf16, #tpu.memory_space<vmem>>) dst(%dma_wait3A_253 : memref<10240x64xbf16, #tpu.memory_space<vmem_shared>>)
    %dma_wait3A_254 = arith.constant 72 : i32
    %dma_wait3A_255 = arith.constant 0 : i32
    %dma_wait3A_256 = tpu.memref_slice %arg7[%dma_wait3A_254, %dma_wait3A_255] : memref<80x128xi32, #tpu.memory_space<vmem>> -> memref<1x128xi32, #tpu.memory_space<vmem>>
    %dma_wait3A_257 = tpu.memref_squeeze %dma_wait3A_256 : memref<1x128xi32, #tpu.memory_space<vmem>> -> memref<128xi32, #tpu.memory_space<vmem>>
    %dma_wait3A_258 = arith.constant 0 : i32
    %dma_wait3A_259 = arith.constant 0 : i32
    %dma_wait3A_260 = tpu.memref_slice %arg21[%dma_wait3A_258, %dma_wait3A_259] : memref<10240x64xbf16, #tpu.memory_space<vmem_shared>> -> memref<10240x64xbf16, #tpu.memory_space<vmem_shared>>
    tpu.wait_indirect_dma semaphore(%arg34 : memref<!tpu.dma_semaphore, #tpu.memory_space<semaphore_mem>>) src(%arg11 : memref<128x64xbf16, #tpu.memory_space<vmem>>) dst(%dma_wait3A_260 : memref<10240x64xbf16, #tpu.memory_space<vmem_shared>>)
    %dma_wait3A_261 = arith.constant 73 : i32
    %dma_wait3A_262 = arith.constant 0 : i32
    %dma_wait3A_263 = tpu.memref_slice %arg7[%dma_wait3A_261, %dma_wait3A_262] : memref<80x128xi32, #tpu.memory_space<vmem>> -> memref<1x128xi32, #tpu.memory_space<vmem>>
    %dma_wait3A_264 = tpu.memref_squeeze %dma_wait3A_263 : memref<1x128xi32, #tpu.memory_space<vmem>> -> memref<128xi32, #tpu.memory_space<vmem>>
    %dma_wait3A_265 = arith.constant 0 : i32
    %dma_wait3A_266 = arith.constant 0 : i32
    %dma_wait3A_267 = tpu.memref_slice %arg21[%dma_wait3A_265, %dma_wait3A_266] : memref<10240x64xbf16, #tpu.memory_space<vmem_shared>> -> memref<10240x64xbf16, #tpu.memory_space<vmem_shared>>
    tpu.wait_indirect_dma semaphore(%arg35 : memref<!tpu.dma_semaphore, #tpu.memory_space<semaphore_mem>>) src(%arg12 : memref<128x64xbf16, #tpu.memory_space<vmem>>) dst(%dma_wait3A_267 : memref<10240x64xbf16, #tpu.memory_space<vmem_shared>>)
    %dma_wait3A_268 = arith.constant 74 : i32
    %dma_wait3A_269 = arith.constant 0 : i32
    %dma_wait3A_270 = tpu.memref_slice %arg7[%dma_wait3A_268, %dma_wait3A_269] : memref<80x128xi32, #tpu.memory_space<vmem>> -> memref<1x128xi32, #tpu.memory_space<vmem>>
    %dma_wait3A_271 = tpu.memref_squeeze %dma_wait3A_270 : memref<1x128xi32, #tpu.memory_space<vmem>> -> memref<128xi32, #tpu.memory_space<vmem>>
    %dma_wait3A_272 = arith.constant 0 : i32
    %dma_wait3A_273 = arith.constant 0 : i32
    %dma_wait3A_274 = tpu.memref_slice %arg21[%dma_wait3A_272, %dma_wait3A_273] : memref<10240x64xbf16, #tpu.memory_space<vmem_shared>> -> memref<10240x64xbf16, #tpu.memory_space<vmem_shared>>
    tpu.wait_indirect_dma semaphore(%arg36 : memref<!tpu.dma_semaphore, #tpu.memory_space<semaphore_mem>>) src(%arg13 : memref<128x64xbf16, #tpu.memory_space<vmem>>) dst(%dma_wait3A_274 : memref<10240x64xbf16, #tpu.memory_space<vmem_shared>>)
    %dma_wait3A_275 = arith.constant 75 : i32
    %dma_wait3A_276 = arith.constant 0 : i32
    %dma_wait3A_277 = tpu.memref_slice %arg7[%dma_wait3A_275, %dma_wait3A_276] : memref<80x128xi32, #tpu.memory_space<vmem>> -> memref<1x128xi32, #tpu.memory_space<vmem>>
    %dma_wait3A_278 = tpu.memref_squeeze %dma_wait3A_277 : memref<1x128xi32, #tpu.memory_space<vmem>> -> memref<128xi32, #tpu.memory_space<vmem>>
    %dma_wait3A_279 = arith.constant 0 : i32
    %dma_wait3A_280 = arith.constant 0 : i32
    %dma_wait3A_281 = tpu.memref_slice %arg21[%dma_wait3A_279, %dma_wait3A_280] : memref<10240x64xbf16, #tpu.memory_space<vmem_shared>> -> memref<10240x64xbf16, #tpu.memory_space<vmem_shared>>
    tpu.wait_indirect_dma semaphore(%arg37 : memref<!tpu.dma_semaphore, #tpu.memory_space<semaphore_mem>>) src(%arg14 : memref<128x64xbf16, #tpu.memory_space<vmem>>) dst(%dma_wait3A_281 : memref<10240x64xbf16, #tpu.memory_space<vmem_shared>>)
    %dma_wait3A_282 = arith.constant 76 : i32
    %dma_wait3A_283 = arith.constant 0 : i32
    %dma_wait3A_284 = tpu.memref_slice %arg7[%dma_wait3A_282, %dma_wait3A_283] : memref<80x128xi32, #tpu.memory_space<vmem>> -> memref<1x128xi32, #tpu.memory_space<vmem>>
    %dma_wait3A_285 = tpu.memref_squeeze %dma_wait3A_284 : memref<1x128xi32, #tpu.memory_space<vmem>> -> memref<128xi32, #tpu.memory_space<vmem>>
    %dma_wait3A_286 = arith.constant 0 : i32
    %dma_wait3A_287 = arith.constant 0 : i32
    %dma_wait3A_288 = tpu.memref_slice %arg21[%dma_wait3A_286, %dma_wait3A_287] : memref<10240x64xbf16, #tpu.memory_space<vmem_shared>> -> memref<10240x64xbf16, #tpu.memory_space<vmem_shared>>
    tpu.wait_indirect_dma semaphore(%arg38 : memref<!tpu.dma_semaphore, #tpu.memory_space<semaphore_mem>>) src(%arg15 : memref<128x64xbf16, #tpu.memory_space<vmem>>) dst(%dma_wait3A_288 : memref<10240x64xbf16, #tpu.memory_space<vmem_shared>>)
    %dma_wait3A_289 = arith.constant 77 : i32
    %dma_wait3A_290 = arith.constant 0 : i32
    %dma_wait3A_291 = tpu.memref_slice %arg7[%dma_wait3A_289, %dma_wait3A_290] : memref<80x128xi32, #tpu.memory_space<vmem>> -> memref<1x128xi32, #tpu.memory_space<vmem>>
    %dma_wait3A_292 = tpu.memref_squeeze %dma_wait3A_291 : memref<1x128xi32, #tpu.memory_space<vmem>> -> memref<128xi32, #tpu.memory_space<vmem>>
    %dma_wait3A_293 = arith.constant 0 : i32
    %dma_wait3A_294 = arith.constant 0 : i32
    %dma_wait3A_295 = tpu.memref_slice %arg21[%dma_wait3A_293, %dma_wait3A_294] : memref<10240x64xbf16, #tpu.memory_space<vmem_shared>> -> memref<10240x64xbf16, #tpu.memory_space<vmem_shared>>
    tpu.wait_indirect_dma semaphore(%arg39 : memref<!tpu.dma_semaphore, #tpu.memory_space<semaphore_mem>>) src(%arg16 : memref<128x64xbf16, #tpu.memory_space<vmem>>) dst(%dma_wait3A_295 : memref<10240x64xbf16, #tpu.memory_space<vmem_shared>>)
    %dma_wait3A_296 = arith.constant 78 : i32
    %dma_wait3A_297 = arith.constant 0 : i32
    %dma_wait3A_298 = tpu.memref_slice %arg7[%dma_wait3A_296, %dma_wait3A_297] : memref<80x128xi32, #tpu.memory_space<vmem>> -> memref<1x128xi32, #tpu.memory_space<vmem>>
    %dma_wait3A_299 = tpu.memref_squeeze %dma_wait3A_298 : memref<1x128xi32, #tpu.memory_space<vmem>> -> memref<128xi32, #tpu.memory_space<vmem>>
    %dma_wait3A_300 = arith.constant 0 : i32
    %dma_wait3A_301 = arith.constant 0 : i32
    %dma_wait3A_302 = tpu.memref_slice %arg21[%dma_wait3A_300, %dma_wait3A_301] : memref<10240x64xbf16, #tpu.memory_space<vmem_shared>> -> memref<10240x64xbf16, #tpu.memory_space<vmem_shared>>
    tpu.wait_indirect_dma semaphore(%arg40 : memref<!tpu.dma_semaphore, #tpu.memory_space<semaphore_mem>>) src(%arg17 : memref<128x64xbf16, #tpu.memory_space<vmem>>) dst(%dma_wait3A_302 : memref<10240x64xbf16, #tpu.memory_space<vmem_shared>>)
    %dma_wait3A_303 = arith.constant 79 : i32
    %dma_wait3A_304 = arith.constant 0 : i32
    %dma_wait3A_305 = tpu.memref_slice %arg7[%dma_wait3A_303, %dma_wait3A_304] : memref<80x128xi32, #tpu.memory_space<vmem>> -> memref<1x128xi32, #tpu.memory_space<vmem>>
    %dma_wait3A_306 = tpu.memref_squeeze %dma_wait3A_305 : memref<1x128xi32, #tpu.memory_space<vmem>> -> memref<128xi32, #tpu.memory_space<vmem>>
    %dma_wait3A_307 = arith.constant 0 : i32
    %dma_wait3A_308 = arith.constant 0 : i32
    %dma_wait3A_309 = tpu.memref_slice %arg21[%dma_wait3A_307, %dma_wait3A_308] : memref<10240x64xbf16, #tpu.memory_space<vmem_shared>> -> memref<10240x64xbf16, #tpu.memory_space<vmem_shared>>
    tpu.wait_indirect_dma semaphore(%arg41 : memref<!tpu.dma_semaphore, #tpu.memory_space<semaphore_mem>>) src(%arg18 : memref<128x64xbf16, #tpu.memory_space<vmem>>) dst(%dma_wait3A_309 : memref<10240x64xbf16, #tpu.memory_space<vmem_shared>>)
    %add3A_310 = arith.constant 80 : i32
    %add3A_311 = arith.addi %mul3A_0, %add3A_310 : i32
    "tpu.region"() ({
      %run_scoped3A = tpu.sem_alloc : memref<!tpu.dma_semaphore, #tpu.memory_space<semaphore_mem>>
      %dma_start3A_617 = arith.constant 0 : i32
      %dma_start3A_618 = tpu.memref_slice %arg3[%add3A_311, %dma_start3A_617] : memref<2560x128xi32, #tpu.memory_space<hbm>> -> memref<80x128xi32, #tpu.memory_space<hbm>>
      %dma_start3A_619 = arith.constant 0 : i32
      %dma_start3A_620 = tpu.memref_slice %arg3[%add3A_311, %dma_start3A_619] : memref<2560x128xi32, #tpu.memory_space<hbm>> -> memref<80x128xi32, #tpu.memory_space<hbm>>
      tpu.enqueue_dma source(%dma_start3A_620 : memref<80x128xi32, #tpu.memory_space<hbm>>) target(%arg7 : memref<80x128xi32, #tpu.memory_space<vmem>>) target_semaphore(%run_scoped3A : memref<!tpu.dma_semaphore, #tpu.memory_space<semaphore_mem>>)
      %dma_wait3A_621 = arith.constant 0 : i32
      %dma_wait3A_622 = tpu.memref_slice %arg3[%add3A_311, %dma_wait3A_621] : memref<2560x128xi32, #tpu.memory_space<hbm>> -> memref<80x128xi32, #tpu.memory_space<hbm>>
      %dma_wait3A_623 = arith.constant 0 : i32
      %dma_wait3A_624 = tpu.memref_slice %arg3[%add3A_311, %dma_wait3A_623] : memref<2560x128xi32, #tpu.memory_space<hbm>> -> memref<80x128xi32, #tpu.memory_space<hbm>>
      tpu.wait_dma2 semaphore(%run_scoped3A : memref<!tpu.dma_semaphore, #tpu.memory_space<semaphore_mem>>) src(%dma_wait3A_624 : memref<80x128xi32, #tpu.memory_space<hbm>>) dst(%arg7 : memref<80x128xi32, #tpu.memory_space<vmem>>)
      tpu.yield
    }) : () -> ()
    %add3A_312 = arith.constant 80 : i32
    %add3A_313 = arith.addi %mul3A_0, %add3A_312 : i32
    "tpu.region"() ({
      %run_scoped3A = tpu.sem_alloc : memref<!tpu.dma_semaphore, #tpu.memory_space<semaphore_mem>>
      %dma_start3A_617 = arith.constant 0 : i32
      %dma_start3A_618 = tpu.memref_slice %arg4[%arg0, %add3A_313, %dma_start3A_617] : memref<2x2560x128xi32, #tpu.memory_space<hbm>> -> memref<1x80x128xi32, #tpu.memory_space<hbm>>
      %dma_start3A_619 = tpu.memref_squeeze %dma_start3A_618 : memref<1x80x128xi32, #tpu.memory_space<hbm>> -> memref<80x128xi32, #tpu.memory_space<hbm>>
      %dma_start3A_620 = arith.constant 0 : i32
      %dma_start3A_621 = tpu.memref_slice %arg4[%arg0, %add3A_313, %dma_start3A_620] : memref<2x2560x128xi32, #tpu.memory_space<hbm>> -> memref<1x80x128xi32, #tpu.memory_space<hbm>>
      %dma_start3A_622 = tpu.memref_squeeze %dma_start3A_621 : memref<1x80x128xi32, #tpu.memory_space<hbm>> -> memref<80x128xi32, #tpu.memory_space<hbm>>
      tpu.enqueue_dma source(%dma_start3A_622 : memref<80x128xi32, #tpu.memory_space<hbm>>) target(%arg8 : memref<80x128xi32, #tpu.memory_space<vmem>>) target_semaphore(%run_scoped3A : memref<!tpu.dma_semaphore, #tpu.memory_space<semaphore_mem>>)
      %dma_wait3A_623 = arith.constant 0 : i32
      %dma_wait3A_624 = tpu.memref_slice %arg4[%arg0, %add3A_313, %dma_wait3A_623] : memref<2x2560x128xi32, #tpu.memory_space<hbm>> -> memref<1x80x128xi32, #tpu.memory_space<hbm>>
      %dma_wait3A_625 = tpu.memref_squeeze %dma_wait3A_624 : memref<1x80x128xi32, #tpu.memory_space<hbm>> -> memref<80x128xi32, #tpu.memory_space<hbm>>
      %dma_wait3A_626 = arith.constant 0 : i32
      %dma_wait3A_627 = tpu.memref_slice %arg4[%arg0, %add3A_313, %dma_wait3A_626] : memref<2x2560x128xi32, #tpu.memory_space<hbm>> -> memref<1x80x128xi32, #tpu.memory_space<hbm>>
      %dma_wait3A_628 = tpu.memref_squeeze %dma_wait3A_627 : memref<1x80x128xi32, #tpu.memory_space<hbm>> -> memref<80x128xi32, #tpu.memory_space<hbm>>
      tpu.wait_dma2 semaphore(%run_scoped3A : memref<!tpu.dma_semaphore, #tpu.memory_space<semaphore_mem>>) src(%dma_wait3A_628 : memref<80x128xi32, #tpu.memory_space<hbm>>) dst(%arg8 : memref<80x128xi32, #tpu.memory_space<vmem>>)
      tpu.yield
    }) : () -> ()
    %eq3A_314 = arith.constant 0 : i32
    %eq3A_315 = arith.cmpi eq, %arg0, %eq3A_314 : i32
    %convert_element_type3A_316 = arith.extui %eq3A_315 : i1 to i32
    %cond3A_317 = arith.constant 0 : i32
    %cond3A_318 = arith.cmpi ne, %convert_element_type3A_316, %cond3A_317 : i32
    scf.if %cond3A_318 {
      %scan3A_617 = arith.constant 0 : i32
      %scan3A_618 = arith.constant 0 : i32
      %scan3A_619 = arith.constant 80 : i32
      %scan3A_620 = arith.addi %scan3A_618, %scan3A_619 : i32
      %scan3A_621 = arith.constant 1 : i32
      scf.for %scan3A_623 = %scan3A_618 to %scan3A_620 step %scan3A_621  : i32 {
        %get3A = arith.index_cast %scan3A_623 : i32 to index
        %get3A_624 = arith.constant 0 : index
        %get3A_625 = tpu.vector_load %arg7[%get3A, %get3A_624] {strides = array<i32>} : memref<80x128xi32, #tpu.memory_space<vmem>>, vector<16xi32>,
        tpu.vector_store_idx %arg19[%get3A_625], %broadcast_in_dim3A_20 {add = true} : memref<10240xf32, #tpu.memory_space<vmem>>[vector<16xi32>], vector<16xf32>,
        %get3A_626 = arith.index_cast %scan3A_623 : i32 to index
        %get3A_627 = arith.constant 16 : index
        %get3A_628 = tpu.vector_load %arg7[%get3A_626, %get3A_627] {strides = array<i32>} : memref<80x128xi32, #tpu.memory_space<vmem>>, vector<16xi32>,
        tpu.vector_store_idx %arg19[%get3A_628], %broadcast_in_dim3A_20 {add = true} : memref<10240xf32, #tpu.memory_space<vmem>>[vector<16xi32>], vector<16xf32>,
        %get3A_629 = arith.index_cast %scan3A_623 : i32 to index
        %get3A_630 = arith.constant 32 : index
        %get3A_631 = tpu.vector_load %arg7[%get3A_629, %get3A_630] {strides = array<i32>} : memref<80x128xi32, #tpu.memory_space<vmem>>, vector<16xi32>,
        tpu.vector_store_idx %arg19[%get3A_631], %broadcast_in_dim3A_20 {add = true} : memref<10240xf32, #tpu.memory_space<vmem>>[vector<16xi32>], vector<16xf32>,
        %get3A_632 = arith.index_cast %scan3A_623 : i32 to index
        %get3A_633 = arith.constant 48 : index
        %get3A_634 = tpu.vector_load %arg7[%get3A_632, %get3A_633] {strides = array<i32>} : memref<80x128xi32, #tpu.memory_space<vmem>>, vector<16xi32>,
        tpu.vector_store_idx %arg19[%get3A_634], %broadcast_in_dim3A_20 {add = true} : memref<10240xf32, #tpu.memory_space<vmem>>[vector<16xi32>], vector<16xf32>,
        %get3A_635 = arith.index_cast %scan3A_623 : i32 to index
        %get3A_636 = arith.constant 64 : index
        %get3A_637 = tpu.vector_load %arg7[%get3A_635, %get3A_636] {strides = array<i32>} : memref<80x128xi32, #tpu.memory_space<vmem>>, vector<16xi32>,
        tpu.vector_store_idx %arg19[%get3A_637], %broadcast_in_dim3A_20 {add = true} : memref<10240xf32, #tpu.memory_space<vmem>>[vector<16xi32>], vector<16xf32>,
        %get3A_638 = arith.index_cast %scan3A_623 : i32 to index
        %get3A_639 = arith.constant 80 : index
        %get3A_640 = tpu.vector_load %arg7[%get3A_638, %get3A_639] {strides = array<i32>} : memref<80x128xi32, #tpu.memory_space<vmem>>, vector<16xi32>,
        tpu.vector_store_idx %arg19[%get3A_640], %broadcast_in_dim3A_20 {add = true} : memref<10240xf32, #tpu.memory_space<vmem>>[vector<16xi32>], vector<16xf32>,
        %get3A_641 = arith.index_cast %scan3A_623 : i32 to index
        %get3A_642 = arith.constant 96 : index
        %get3A_643 = tpu.vector_load %arg7[%get3A_641, %get3A_642] {strides = array<i32>} : memref<80x128xi32, #tpu.memory_space<vmem>>, vector<16xi32>,
        tpu.vector_store_idx %arg19[%get3A_643], %broadcast_in_dim3A_20 {add = true} : memref<10240xf32, #tpu.memory_space<vmem>>[vector<16xi32>], vector<16xf32>,
        %get3A_644 = arith.index_cast %scan3A_623 : i32 to index
        %get3A_645 = arith.constant 112 : index
        %get3A_646 = tpu.vector_load %arg7[%get3A_644, %get3A_645] {strides = array<i32>} : memref<80x128xi32, #tpu.memory_space<vmem>>, vector<16xi32>,
        tpu.vector_store_idx %arg19[%get3A_646], %broadcast_in_dim3A_20 {add = true} : memref<10240xf32, #tpu.memory_space<vmem>>[vector<16xi32>], vector<16xf32>,
      }
      %scan3A_622 = arith.constant 80 : i32
    } else {
    }
    %dma_start3A_319 = arith.constant 0 : i32
    %dma_start3A_320 = arith.constant 0 : i32
    %dma_start3A_321 = tpu.memref_slice %arg8[%dma_start3A_319, %dma_start3A_320] : memref<80x128xi32, #tpu.memory_space<vmem>> -> memref<1x128xi32, #tpu.memory_space<vmem>>
    %dma_start3A_322 = tpu.memref_squeeze %dma_start3A_321 : memref<1x128xi32, #tpu.memory_space<vmem>> -> memref<128xi32, #tpu.memory_space<vmem>>
    %dma_start3A_323 = arith.constant 0 : i32
    %dma_start3A_324 = arith.constant 0 : i32
    %dma_start3A_325 = tpu.memref_slice %arg2[%dma_start3A_323, %dma_start3A_324] : memref<20000x64xbf16, #tpu.memory_space<hbm>> -> memref<20000x64xbf16, #tpu.memory_space<hbm>>
    tpu.enqueue_indirect_dma source(%dma_start3A_325 : memref<20000x64xbf16, #tpu.memory_space<hbm>>) target(%arg9 : memref<128x64xbf16, #tpu.memory_space<vmem>>) offsets(%dma_start3A_322 : memref<128xi32, #tpu.memory_space<vmem>>) semaphore(%arg22 : memref<!tpu.dma_semaphore, #tpu.memory_space<semaphore_mem>>)
    %dma_start3A_326 = arith.constant 1 : i32
    %dma_start3A_327 = arith.constant 0 : i32
    %dma_start3A_328 = tpu.memref_slice %arg8[%dma_start3A_326, %dma_start3A_327] : memref<80x128xi32, #tpu.memory_space<vmem>> -> memref<1x128xi32, #tpu.memory_space<vmem>>
    %dma_start3A_329 = tpu.memref_squeeze %dma_start3A_328 : memref<1x128xi32, #tpu.memory_space<vmem>> -> memref<128xi32, #tpu.memory_space<vmem>>
    %dma_start3A_330 = arith.constant 0 : i32
    %dma_start3A_331 = arith.constant 0 : i32
    %dma_start3A_332 = tpu.memref_slice %arg2[%dma_start3A_330, %dma_start3A_331] : memref<20000x64xbf16, #tpu.memory_space<hbm>> -> memref<20000x64xbf16, #tpu.memory_space<hbm>>
    tpu.enqueue_indirect_dma source(%dma_start3A_332 : memref<20000x64xbf16, #tpu.memory_space<hbm>>) target(%arg10 : memref<128x64xbf16, #tpu.memory_space<vmem>>) offsets(%dma_start3A_329 : memref<128xi32, #tpu.memory_space<vmem>>) semaphore(%arg23 : memref<!tpu.dma_semaphore, #tpu.memory_space<semaphore_mem>>)
    %dma_start3A_333 = arith.constant 2 : i32
    %dma_start3A_334 = arith.constant 0 : i32
    %dma_start3A_335 = tpu.memref_slice %arg8[%dma_start3A_333, %dma_start3A_334] : memref<80x128xi32, #tpu.memory_space<vmem>> -> memref<1x128xi32, #tpu.memory_space<vmem>>
    %dma_start3A_336 = tpu.memref_squeeze %dma_start3A_335 : memref<1x128xi32, #tpu.memory_space<vmem>> -> memref<128xi32, #tpu.memory_space<vmem>>
    %dma_start3A_337 = arith.constant 0 : i32
    %dma_start3A_338 = arith.constant 0 : i32
    %dma_start3A_339 = tpu.memref_slice %arg2[%dma_start3A_337, %dma_start3A_338] : memref<20000x64xbf16, #tpu.memory_space<hbm>> -> memref<20000x64xbf16, #tpu.memory_space<hbm>>
    tpu.enqueue_indirect_dma source(%dma_start3A_339 : memref<20000x64xbf16, #tpu.memory_space<hbm>>) target(%arg11 : memref<128x64xbf16, #tpu.memory_space<vmem>>) offsets(%dma_start3A_336 : memref<128xi32, #tpu.memory_space<vmem>>) semaphore(%arg24 : memref<!tpu.dma_semaphore, #tpu.memory_space<semaphore_mem>>)
    %dma_start3A_340 = arith.constant 3 : i32
    %dma_start3A_341 = arith.constant 0 : i32
    %dma_start3A_342 = tpu.memref_slice %arg8[%dma_start3A_340, %dma_start3A_341] : memref<80x128xi32, #tpu.memory_space<vmem>> -> memref<1x128xi32, #tpu.memory_space<vmem>>
    %dma_start3A_343 = tpu.memref_squeeze %dma_start3A_342 : memref<1x128xi32, #tpu.memory_space<vmem>> -> memref<128xi32, #tpu.memory_space<vmem>>
    %dma_start3A_344 = arith.constant 0 : i32
    %dma_start3A_345 = arith.constant 0 : i32
    %dma_start3A_346 = tpu.memref_slice %arg2[%dma_start3A_344, %dma_start3A_345] : memref<20000x64xbf16, #tpu.memory_space<hbm>> -> memref<20000x64xbf16, #tpu.memory_space<hbm>>
    tpu.enqueue_indirect_dma source(%dma_start3A_346 : memref<20000x64xbf16, #tpu.memory_space<hbm>>) target(%arg12 : memref<128x64xbf16, #tpu.memory_space<vmem>>) offsets(%dma_start3A_343 : memref<128xi32, #tpu.memory_space<vmem>>) semaphore(%arg25 : memref<!tpu.dma_semaphore, #tpu.memory_space<semaphore_mem>>)
    %dma_start3A_347 = arith.constant 4 : i32
    %dma_start3A_348 = arith.constant 0 : i32
    %dma_start3A_349 = tpu.memref_slice %arg8[%dma_start3A_347, %dma_start3A_348] : memref<80x128xi32, #tpu.memory_space<vmem>> -> memref<1x128xi32, #tpu.memory_space<vmem>>
    %dma_start3A_350 = tpu.memref_squeeze %dma_start3A_349 : memref<1x128xi32, #tpu.memory_space<vmem>> -> memref<128xi32, #tpu.memory_space<vmem>>
    %dma_start3A_351 = arith.constant 0 : i32
    %dma_start3A_352 = arith.constant 0 : i32
    %dma_start3A_353 = tpu.memref_slice %arg2[%dma_start3A_351, %dma_start3A_352] : memref<20000x64xbf16, #tpu.memory_space<hbm>> -> memref<20000x64xbf16, #tpu.memory_space<hbm>>
    tpu.enqueue_indirect_dma source(%dma_start3A_353 : memref<20000x64xbf16, #tpu.memory_space<hbm>>) target(%arg13 : memref<128x64xbf16, #tpu.memory_space<vmem>>) offsets(%dma_start3A_350 : memref<128xi32, #tpu.memory_space<vmem>>) semaphore(%arg26 : memref<!tpu.dma_semaphore, #tpu.memory_space<semaphore_mem>>)
    %dma_start3A_354 = arith.constant 5 : i32
    %dma_start3A_355 = arith.constant 0 : i32
    %dma_start3A_356 = tpu.memref_slice %arg8[%dma_start3A_354, %dma_start3A_355] : memref<80x128xi32, #tpu.memory_space<vmem>> -> memref<1x128xi32, #tpu.memory_space<vmem>>
    %dma_start3A_357 = tpu.memref_squeeze %dma_start3A_356 : memref<1x128xi32, #tpu.memory_space<vmem>> -> memref<128xi32, #tpu.memory_space<vmem>>
    %dma_start3A_358 = arith.constant 0 : i32
    %dma_start3A_359 = arith.constant 0 : i32
    %dma_start3A_360 = tpu.memref_slice %arg2[%dma_start3A_358, %dma_start3A_359] : memref<20000x64xbf16, #tpu.memory_space<hbm>> -> memref<20000x64xbf16, #tpu.memory_space<hbm>>
    tpu.enqueue_indirect_dma source(%dma_start3A_360 : memref<20000x64xbf16, #tpu.memory_space<hbm>>) target(%arg14 : memref<128x64xbf16, #tpu.memory_space<vmem>>) offsets(%dma_start3A_357 : memref<128xi32, #tpu.memory_space<vmem>>) semaphore(%arg27 : memref<!tpu.dma_semaphore, #tpu.memory_space<semaphore_mem>>)
    %dma_wait3A_361 = arith.constant 0 : i32
    %dma_wait3A_362 = arith.constant 0 : i32
    %dma_wait3A_363 = tpu.memref_slice %arg8[%dma_wait3A_361, %dma_wait3A_362] : memref<80x128xi32, #tpu.memory_space<vmem>> -> memref<1x128xi32, #tpu.memory_space<vmem>>
    %dma_wait3A_364 = tpu.memref_squeeze %dma_wait3A_363 : memref<1x128xi32, #tpu.memory_space<vmem>> -> memref<128xi32, #tpu.memory_space<vmem>>
    %dma_wait3A_365 = arith.constant 0 : i32
    %dma_wait3A_366 = arith.constant 0 : i32
    %dma_wait3A_367 = tpu.memref_slice %arg2[%dma_wait3A_365, %dma_wait3A_366] : memref<20000x64xbf16, #tpu.memory_space<hbm>> -> memref<20000x64xbf16, #tpu.memory_space<hbm>>
    tpu.wait_indirect_dma semaphore(%arg22 : memref<!tpu.dma_semaphore, #tpu.memory_space<semaphore_mem>>) src(%dma_wait3A_367 : memref<20000x64xbf16, #tpu.memory_space<hbm>>) dst(%arg9 : memref<128x64xbf16, #tpu.memory_space<vmem>>)
    %dma_start3A_368 = arith.constant 0 : i32
    %dma_start3A_369 = arith.constant 0 : i32
    %dma_start3A_370 = tpu.memref_slice %arg7[%dma_start3A_368, %dma_start3A_369] : memref<80x128xi32, #tpu.memory_space<vmem>> -> memref<1x128xi32, #tpu.memory_space<vmem>>
    %dma_start3A_371 = tpu.memref_squeeze %dma_start3A_370 : memref<1x128xi32, #tpu.memory_space<vmem>> -> memref<128xi32, #tpu.memory_space<vmem>>
    %dma_start3A_372 = arith.constant 0 : i32
    %dma_start3A_373 = arith.constant 0 : i32
    %dma_start3A_374 = tpu.memref_slice %arg21[%dma_start3A_372, %dma_start3A_373] : memref<10240x64xbf16, #tpu.memory_space<vmem_shared>> -> memref<10240x64xbf16, #tpu.memory_space<vmem_shared>>
    tpu.enqueue_indirect_dma source(%arg9 : memref<128x64xbf16, #tpu.memory_space<vmem>>) target(%dma_start3A_374 : memref<10240x64xbf16, #tpu.memory_space<vmem_shared>>) offsets(%dma_start3A_371 : memref<128xi32, #tpu.memory_space<vmem>>) semaphore(%arg32 : memref<!tpu.dma_semaphore, #tpu.memory_space<semaphore_mem>>) {add = true}
    %dma_start3A_375 = arith.constant 6 : i32
    %dma_start3A_376 = arith.constant 0 : i32
    %dma_start3A_377 = tpu.memref_slice %arg8[%dma_start3A_375, %dma_start3A_376] : memref<80x128xi32, #tpu.memory_space<vmem>> -> memref<1x128xi32, #tpu.memory_space<vmem>>
    %dma_start3A_378 = tpu.memref_squeeze %dma_start3A_377 : memref<1x128xi32, #tpu.memory_space<vmem>> -> memref<128xi32, #tpu.memory_space<vmem>>
    %dma_start3A_379 = arith.constant 0 : i32
    %dma_start3A_380 = arith.constant 0 : i32
    %dma_start3A_381 = tpu.memref_slice %arg2[%dma_start3A_379, %dma_start3A_380] : memref<20000x64xbf16, #tpu.memory_space<hbm>> -> memref<20000x64xbf16, #tpu.memory_space<hbm>>
    tpu.enqueue_indirect_dma source(%dma_start3A_381 : memref<20000x64xbf16, #tpu.memory_space<hbm>>) target(%arg15 : memref<128x64xbf16, #tpu.memory_space<vmem>>) offsets(%dma_start3A_378 : memref<128xi32, #tpu.memory_space<vmem>>) semaphore(%arg28 : memref<!tpu.dma_semaphore, #tpu.memory_space<semaphore_mem>>)
    %dma_wait3A_382 = arith.constant 1 : i32
    %dma_wait3A_383 = arith.constant 0 : i32
    %dma_wait3A_384 = tpu.memref_slice %arg8[%dma_wait3A_382, %dma_wait3A_383] : memref<80x128xi32, #tpu.memory_space<vmem>> -> memref<1x128xi32, #tpu.memory_space<vmem>>
    %dma_wait3A_385 = tpu.memref_squeeze %dma_wait3A_384 : memref<1x128xi32, #tpu.memory_space<vmem>> -> memref<128xi32, #tpu.memory_space<vmem>>
    %dma_wait3A_386 = arith.constant 0 : i32
    %dma_wait3A_387 = arith.constant 0 : i32
    %dma_wait3A_388 = tpu.memref_slice %arg2[%dma_wait3A_386, %dma_wait3A_387] : memref<20000x64xbf16, #tpu.memory_space<hbm>> -> memref<20000x64xbf16, #tpu.memory_space<hbm>>
    tpu.wait_indirect_dma semaphore(%arg23 : memref<!tpu.dma_semaphore, #tpu.memory_space<semaphore_mem>>) src(%dma_wait3A_388 : memref<20000x64xbf16, #tpu.memory_space<hbm>>) dst(%arg10 : memref<128x64xbf16, #tpu.memory_space<vmem>>)
    %dma_start3A_389 = arith.constant 1 : i32
    %dma_start3A_390 = arith.constant 0 : i32
    %dma_start3A_391 = tpu.memref_slice %arg7[%dma_start3A_389, %dma_start3A_390] : memref<80x128xi32, #tpu.memory_space<vmem>> -> memref<1x128xi32, #tpu.memory_space<vmem>>
    %dma_start3A_392 = tpu.memref_squeeze %dma_start3A_391 : memref<1x128xi32, #tpu.memory_space<vmem>> -> memref<128xi32, #tpu.memory_space<vmem>>
    %dma_start3A_393 = arith.constant 0 : i32
    %dma_start3A_394 = arith.constant 0 : i32
    %dma_start3A_395 = tpu.memref_slice %arg21[%dma_start3A_393, %dma_start3A_394] : memref<10240x64xbf16, #tpu.memory_space<vmem_shared>> -> memref<10240x64xbf16, #tpu.memory_space<vmem_shared>>
    tpu.enqueue_indirect_dma source(%arg10 : memref<128x64xbf16, #tpu.memory_space<vmem>>) target(%dma_start3A_395 : memref<10240x64xbf16, #tpu.memory_space<vmem_shared>>) offsets(%dma_start3A_392 : memref<128xi32, #tpu.memory_space<vmem>>) semaphore(%arg33 : memref<!tpu.dma_semaphore, #tpu.memory_space<semaphore_mem>>) {add = true}
    %dma_start3A_396 = arith.constant 7 : i32
    %dma_start3A_397 = arith.constant 0 : i32
    %dma_start3A_398 = tpu.memref_slice %arg8[%dma_start3A_396, %dma_start3A_397] : memref<80x128xi32, #tpu.memory_space<vmem>> -> memref<1x128xi32, #tpu.memory_space<vmem>>
    %dma_start3A_399 = tpu.memref_squeeze %dma_start3A_398 : memref<1x128xi32, #tpu.memory_space<vmem>> -> memref<128xi32, #tpu.memory_space<vmem>>
    %dma_start3A_400 = arith.constant 0 : i32
    %dma_start3A_401 = arith.constant 0 : i32
    %dma_start3A_402 = tpu.memref_slice %arg2[%dma_start3A_400, %dma_start3A_401] : memref<20000x64xbf16, #tpu.memory_space<hbm>> -> memref<20000x64xbf16, #tpu.memory_space<hbm>>
    tpu.enqueue_indirect_dma source(%dma_start3A_402 : memref<20000x64xbf16, #tpu.memory_space<hbm>>) target(%arg16 : memref<128x64xbf16, #tpu.memory_space<vmem>>) offsets(%dma_start3A_399 : memref<128xi32, #tpu.memory_space<vmem>>) semaphore(%arg29 : memref<!tpu.dma_semaphore, #tpu.memory_space<semaphore_mem>>)
    %dma_wait3A_403 = arith.constant 2 : i32
    %dma_wait3A_404 = arith.constant 0 : i32
    %dma_wait3A_405 = tpu.memref_slice %arg8[%dma_wait3A_403, %dma_wait3A_404] : memref<80x128xi32, #tpu.memory_space<vmem>> -> memref<1x128xi32, #tpu.memory_space<vmem>>
    %dma_wait3A_406 = tpu.memref_squeeze %dma_wait3A_405 : memref<1x128xi32, #tpu.memory_space<vmem>> -> memref<128xi32, #tpu.memory_space<vmem>>
    %dma_wait3A_407 = arith.constant 0 : i32
    %dma_wait3A_408 = arith.constant 0 : i32
    %dma_wait3A_409 = tpu.memref_slice %arg2[%dma_wait3A_407, %dma_wait3A_408] : memref<20000x64xbf16, #tpu.memory_space<hbm>> -> memref<20000x64xbf16, #tpu.memory_space<hbm>>
    tpu.wait_indirect_dma semaphore(%arg24 : memref<!tpu.dma_semaphore, #tpu.memory_space<semaphore_mem>>) src(%dma_wait3A_409 : memref<20000x64xbf16, #tpu.memory_space<hbm>>) dst(%arg11 : memref<128x64xbf16, #tpu.memory_space<vmem>>)
    %dma_start3A_410 = arith.constant 2 : i32
    %dma_start3A_411 = arith.constant 0 : i32
    %dma_start3A_412 = tpu.memref_slice %arg7[%dma_start3A_410, %dma_start3A_411] : memref<80x128xi32, #tpu.memory_space<vmem>> -> memref<1x128xi32, #tpu.memory_space<vmem>>
    %dma_start3A_413 = tpu.memref_squeeze %dma_start3A_412 : memref<1x128xi32, #tpu.memory_space<vmem>> -> memref<128xi32, #tpu.memory_space<vmem>>
    %dma_start3A_414 = arith.constant 0 : i32
    %dma_start3A_415 = arith.constant 0 : i32
    %dma_start3A_416 = tpu.memref_slice %arg21[%dma_start3A_414, %dma_start3A_415] : memref<10240x64xbf16, #tpu.memory_space<vmem_shared>> -> memref<10240x64xbf16, #tpu.memory_space<vmem_shared>>
    tpu.enqueue_indirect_dma source(%arg11 : memref<128x64xbf16, #tpu.memory_space<vmem>>) target(%dma_start3A_416 : memref<10240x64xbf16, #tpu.memory_space<vmem_shared>>) offsets(%dma_start3A_413 : memref<128xi32, #tpu.memory_space<vmem>>) semaphore(%arg34 : memref<!tpu.dma_semaphore, #tpu.memory_space<semaphore_mem>>) {add = true}
    %dma_start3A_417 = arith.constant 8 : i32
    %dma_start3A_418 = arith.constant 0 : i32
    %dma_start3A_419 = tpu.memref_slice %arg8[%dma_start3A_417, %dma_start3A_418] : memref<80x128xi32, #tpu.memory_space<vmem>> -> memref<1x128xi32, #tpu.memory_space<vmem>>
    %dma_start3A_420 = tpu.memref_squeeze %dma_start3A_419 : memref<1x128xi32, #tpu.memory_space<vmem>> -> memref<128xi32, #tpu.memory_space<vmem>>
    %dma_start3A_421 = arith.constant 0 : i32
    %dma_start3A_422 = arith.constant 0 : i32
    %dma_start3A_423 = tpu.memref_slice %arg2[%dma_start3A_421, %dma_start3A_422] : memref<20000x64xbf16, #tpu.memory_space<hbm>> -> memref<20000x64xbf16, #tpu.memory_space<hbm>>
    tpu.enqueue_indirect_dma source(%dma_start3A_423 : memref<20000x64xbf16, #tpu.memory_space<hbm>>) target(%arg17 : memref<128x64xbf16, #tpu.memory_space<vmem>>) offsets(%dma_start3A_420 : memref<128xi32, #tpu.memory_space<vmem>>) semaphore(%arg30 : memref<!tpu.dma_semaphore, #tpu.memory_space<semaphore_mem>>)
    %dma_wait3A_424 = arith.constant 3 : i32
    %dma_wait3A_425 = arith.constant 0 : i32
    %dma_wait3A_426 = tpu.memref_slice %arg8[%dma_wait3A_424, %dma_wait3A_425] : memref<80x128xi32, #tpu.memory_space<vmem>> -> memref<1x128xi32, #tpu.memory_space<vmem>>
    %dma_wait3A_427 = tpu.memref_squeeze %dma_wait3A_426 : memref<1x128xi32, #tpu.memory_space<vmem>> -> memref<128xi32, #tpu.memory_space<vmem>>
    %dma_wait3A_428 = arith.constant 0 : i32
    %dma_wait3A_429 = arith.constant 0 : i32
    %dma_wait3A_430 = tpu.memref_slice %arg2[%dma_wait3A_428, %dma_wait3A_429] : memref<20000x64xbf16, #tpu.memory_space<hbm>> -> memref<20000x64xbf16, #tpu.memory_space<hbm>>
    tpu.wait_indirect_dma semaphore(%arg25 : memref<!tpu.dma_semaphore, #tpu.memory_space<semaphore_mem>>) src(%dma_wait3A_430 : memref<20000x64xbf16, #tpu.memory_space<hbm>>) dst(%arg12 : memref<128x64xbf16, #tpu.memory_space<vmem>>)
    %dma_start3A_431 = arith.constant 3 : i32
    %dma_start3A_432 = arith.constant 0 : i32
    %dma_start3A_433 = tpu.memref_slice %arg7[%dma_start3A_431, %dma_start3A_432] : memref<80x128xi32, #tpu.memory_space<vmem>> -> memref<1x128xi32, #tpu.memory_space<vmem>>
    %dma_start3A_434 = tpu.memref_squeeze %dma_start3A_433 : memref<1x128xi32, #tpu.memory_space<vmem>> -> memref<128xi32, #tpu.memory_space<vmem>>
    %dma_start3A_435 = arith.constant 0 : i32
    %dma_start3A_436 = arith.constant 0 : i32
    %dma_start3A_437 = tpu.memref_slice %arg21[%dma_start3A_435, %dma_start3A_436] : memref<10240x64xbf16, #tpu.memory_space<vmem_shared>> -> memref<10240x64xbf16, #tpu.memory_space<vmem_shared>>
    tpu.enqueue_indirect_dma source(%arg12 : memref<128x64xbf16, #tpu.memory_space<vmem>>) target(%dma_start3A_437 : memref<10240x64xbf16, #tpu.memory_space<vmem_shared>>) offsets(%dma_start3A_434 : memref<128xi32, #tpu.memory_space<vmem>>) semaphore(%arg35 : memref<!tpu.dma_semaphore, #tpu.memory_space<semaphore_mem>>) {add = true}
    %dma_start3A_438 = arith.constant 9 : i32
    %dma_start3A_439 = arith.constant 0 : i32
    %dma_start3A_440 = tpu.memref_slice %arg8[%dma_start3A_438, %dma_start3A_439] : memref<80x128xi32, #tpu.memory_space<vmem>> -> memref<1x128xi32, #tpu.memory_space<vmem>>
    %dma_start3A_441 = tpu.memref_squeeze %dma_start3A_440 : memref<1x128xi32, #tpu.memory_space<vmem>> -> memref<128xi32, #tpu.memory_space<vmem>>
    %dma_start3A_442 = arith.constant 0 : i32
    %dma_start3A_443 = arith.constant 0 : i32
    %dma_start3A_444 = tpu.memref_slice %arg2[%dma_start3A_442, %dma_start3A_443] : memref<20000x64xbf16, #tpu.memory_space<hbm>> -> memref<20000x64xbf16, #tpu.memory_space<hbm>>
    tpu.enqueue_indirect_dma source(%dma_start3A_444 : memref<20000x64xbf16, #tpu.memory_space<hbm>>) target(%arg18 : memref<128x64xbf16, #tpu.memory_space<vmem>>) offsets(%dma_start3A_441 : memref<128xi32, #tpu.memory_space<vmem>>) semaphore(%arg31 : memref<!tpu.dma_semaphore, #tpu.memory_space<semaphore_mem>>)
    %dma_wait3A_445 = arith.constant 4 : i32
    %dma_wait3A_446 = arith.constant 0 : i32
    %dma_wait3A_447 = tpu.memref_slice %arg8[%dma_wait3A_445, %dma_wait3A_446] : memref<80x128xi32, #tpu.memory_space<vmem>> -> memref<1x128xi32, #tpu.memory_space<vmem>>
    %dma_wait3A_448 = tpu.memref_squeeze %dma_wait3A_447 : memref<1x128xi32, #tpu.memory_space<vmem>> -> memref<128xi32, #tpu.memory_space<vmem>>
    %dma_wait3A_449 = arith.constant 0 : i32
    %dma_wait3A_450 = arith.constant 0 : i32
    %dma_wait3A_451 = tpu.memref_slice %arg2[%dma_wait3A_449, %dma_wait3A_450] : memref<20000x64xbf16, #tpu.memory_space<hbm>> -> memref<20000x64xbf16, #tpu.memory_space<hbm>>
    tpu.wait_indirect_dma semaphore(%arg26 : memref<!tpu.dma_semaphore, #tpu.memory_space<semaphore_mem>>) src(%dma_wait3A_451 : memref<20000x64xbf16, #tpu.memory_space<hbm>>) dst(%arg13 : memref<128x64xbf16, #tpu.memory_space<vmem>>)
    %dma_start3A_452 = arith.constant 4 : i32
    %dma_start3A_453 = arith.constant 0 : i32
    %dma_start3A_454 = tpu.memref_slice %arg7[%dma_start3A_452, %dma_start3A_453] : memref<80x128xi32, #tpu.memory_space<vmem>> -> memref<1x128xi32, #tpu.memory_space<vmem>>
    %dma_start3A_455 = tpu.memref_squeeze %dma_start3A_454 : memref<1x128xi32, #tpu.memory_space<vmem>> -> memref<128xi32, #tpu.memory_space<vmem>>
    %dma_start3A_456 = arith.constant 0 : i32
    %dma_start3A_457 = arith.constant 0 : i32
    %dma_start3A_458 = tpu.memref_slice %arg21[%dma_start3A_456, %dma_start3A_457] : memref<10240x64xbf16, #tpu.memory_space<vmem_shared>> -> memref<10240x64xbf16, #tpu.memory_space<vmem_shared>>
    tpu.enqueue_indirect_dma source(%arg13 : memref<128x64xbf16, #tpu.memory_space<vmem>>) target(%dma_start3A_458 : memref<10240x64xbf16, #tpu.memory_space<vmem_shared>>) offsets(%dma_start3A_455 : memref<128xi32, #tpu.memory_space<vmem>>) semaphore(%arg36 : memref<!tpu.dma_semaphore, #tpu.memory_space<semaphore_mem>>) {add = true}
    %scan3A_459 = arith.constant 0 : i32
    %scan3A_460 = arith.constant 1 : i32
    %scan3A_461 = arith.constant 7 : i32
    %scan3A_462 = arith.addi %scan3A_460, %scan3A_461 : i32
    %scan3A_463 = arith.constant 1 : i32
    scf.for %scan3A_617 = %scan3A_460 to %scan3A_462 step %scan3A_463  : i32 {
      %mul3A_618 = arith.constant 10 : i32
      %mul3A_619 = arith.muli %mul3A_618, %scan3A_617 : i32
      %add3A_620 = arith.constant 0 : i32
      %add3A_621 = arith.addi %mul3A_619, %add3A_620 : i32
      %sub3A = arith.constant 10 : i32
      %sub3A_622 = arith.subi %add3A_621, %sub3A : i32
      %dma_wait3A_623 = arith.constant 0 : i32
      %dma_wait3A_624 = tpu.memref_slice %arg7[%sub3A_622, %dma_wait3A_623] : memref<80x128xi32, #tpu.memory_space<vmem>> -> memref<1x128xi32, #tpu.memory_space<vmem>>
      %dma_wait3A_625 = tpu.memref_squeeze %dma_wait3A_624 : memref<1x128xi32, #tpu.memory_space<vmem>> -> memref<128xi32, #tpu.memory_space<vmem>>
      %dma_wait3A_626 = arith.constant 0 : i32
      %dma_wait3A_627 = arith.constant 0 : i32
      %dma_wait3A_628 = tpu.memref_slice %arg21[%dma_wait3A_626, %dma_wait3A_627] : memref<10240x64xbf16, #tpu.memory_space<vmem_shared>> -> memref<10240x64xbf16, #tpu.memory_space<vmem_shared>>
      tpu.wait_indirect_dma semaphore(%arg32 : memref<!tpu.dma_semaphore, #tpu.memory_space<semaphore_mem>>) src(%arg9 : memref<128x64xbf16, #tpu.memory_space<vmem>>) dst(%dma_wait3A_628 : memref<10240x64xbf16, #tpu.memory_space<vmem_shared>>)
      %dma_start3A_629 = arith.constant 0 : i32
      %dma_start3A_630 = tpu.memref_slice %arg8[%add3A_621, %dma_start3A_629] : memref<80x128xi32, #tpu.memory_space<vmem>> -> memref<1x128xi32, #tpu.memory_space<vmem>>
      %dma_start3A_631 = tpu.memref_squeeze %dma_start3A_630 : memref<1x128xi32, #tpu.memory_space<vmem>> -> memref<128xi32, #tpu.memory_space<vmem>>
      %dma_start3A_632 = arith.constant 0 : i32
      %dma_start3A_633 = arith.constant 0 : i32
      %dma_start3A_634 = tpu.memref_slice %arg2[%dma_start3A_632, %dma_start3A_633] : memref<20000x64xbf16, #tpu.memory_space<hbm>> -> memref<20000x64xbf16, #tpu.memory_space<hbm>>
      tpu.enqueue_indirect_dma source(%dma_start3A_634 : memref<20000x64xbf16, #tpu.memory_space<hbm>>) target(%arg9 : memref<128x64xbf16, #tpu.memory_space<vmem>>) offsets(%dma_start3A_631 : memref<128xi32, #tpu.memory_space<vmem>>) semaphore(%arg22 : memref<!tpu.dma_semaphore, #tpu.memory_space<semaphore_mem>>)
      %sub3A_635 = arith.constant 5 : i32
      %sub3A_636 = arith.subi %add3A_621, %sub3A_635 : i32
      %dma_wait3A_637 = arith.constant 0 : i32
      %dma_wait3A_638 = tpu.memref_slice %arg8[%sub3A_636, %dma_wait3A_637] : memref<80x128xi32, #tpu.memory_space<vmem>> -> memref<1x128xi32, #tpu.memory_space<vmem>>
      %dma_wait3A_639 = tpu.memref_squeeze %dma_wait3A_638 : memref<1x128xi32, #tpu.memory_space<vmem>> -> memref<128xi32, #tpu.memory_space<vmem>>
      %dma_wait3A_640 = arith.constant 0 : i32
      %dma_wait3A_641 = arith.constant 0 : i32
      %dma_wait3A_642 = tpu.memref_slice %arg2[%dma_wait3A_640, %dma_wait3A_641] : memref<20000x64xbf16, #tpu.memory_space<hbm>> -> memref<20000x64xbf16, #tpu.memory_space<hbm>>
      tpu.wait_indirect_dma semaphore(%arg27 : memref<!tpu.dma_semaphore, #tpu.memory_space<semaphore_mem>>) src(%dma_wait3A_642 : memref<20000x64xbf16, #tpu.memory_space<hbm>>) dst(%arg14 : memref<128x64xbf16, #tpu.memory_space<vmem>>)
      %dma_start3A_643 = arith.constant 0 : i32
      %dma_start3A_644 = tpu.memref_slice %arg7[%sub3A_636, %dma_start3A_643] : memref<80x128xi32, #tpu.memory_space<vmem>> -> memref<1x128xi32, #tpu.memory_space<vmem>>
      %dma_start3A_645 = tpu.memref_squeeze %dma_start3A_644 : memref<1x128xi32, #tpu.memory_space<vmem>> -> memref<128xi32, #tpu.memory_space<vmem>>
      %dma_start3A_646 = arith.constant 0 : i32
      %dma_start3A_647 = arith.constant 0 : i32
      %dma_start3A_648 = tpu.memref_slice %arg21[%dma_start3A_646, %dma_start3A_647] : memref<10240x64xbf16, #tpu.memory_space<vmem_shared>> -> memref<10240x64xbf16, #tpu.memory_space<vmem_shared>>
      tpu.enqueue_indirect_dma source(%arg14 : memref<128x64xbf16, #tpu.memory_space<vmem>>) target(%dma_start3A_648 : memref<10240x64xbf16, #tpu.memory_space<vmem_shared>>) offsets(%dma_start3A_645 : memref<128xi32, #tpu.memory_space<vmem>>) semaphore(%arg37 : memref<!tpu.dma_semaphore, #tpu.memory_space<semaphore_mem>>) {add = true}
      %mul3A_649 = arith.constant 10 : i32
      %mul3A_650 = arith.muli %mul3A_649, %scan3A_617 : i32
      %add3A_651 = arith.constant 1 : i32
      %add3A_652 = arith.addi %mul3A_650, %add3A_651 : i32
      %sub3A_653 = arith.constant 10 : i32
      %sub3A_654 = arith.subi %add3A_652, %sub3A_653 : i32
      %dma_wait3A_655 = arith.constant 0 : i32
      %dma_wait3A_656 = tpu.memref_slice %arg7[%sub3A_654, %dma_wait3A_655] : memref<80x128xi32, #tpu.memory_space<vmem>> -> memref<1x128xi32, #tpu.memory_space<vmem>>
      %dma_wait3A_657 = tpu.memref_squeeze %dma_wait3A_656 : memref<1x128xi32, #tpu.memory_space<vmem>> -> memref<128xi32, #tpu.memory_space<vmem>>
      %dma_wait3A_658 = arith.constant 0 : i32
      %dma_wait3A_659 = arith.constant 0 : i32
      %dma_wait3A_660 = tpu.memref_slice %arg21[%dma_wait3A_658, %dma_wait3A_659] : memref<10240x64xbf16, #tpu.memory_space<vmem_shared>> -> memref<10240x64xbf16, #tpu.memory_space<vmem_shared>>
      tpu.wait_indirect_dma semaphore(%arg33 : memref<!tpu.dma_semaphore, #tpu.memory_space<semaphore_mem>>) src(%arg10 : memref<128x64xbf16, #tpu.memory_space<vmem>>) dst(%dma_wait3A_660 : memref<10240x64xbf16, #tpu.memory_space<vmem_shared>>)
      %dma_start3A_661 = arith.constant 0 : i32
      %dma_start3A_662 = tpu.memref_slice %arg8[%add3A_652, %dma_start3A_661] : memref<80x128xi32, #tpu.memory_space<vmem>> -> memref<1x128xi32, #tpu.memory_space<vmem>>
      %dma_start3A_663 = tpu.memref_squeeze %dma_start3A_662 : memref<1x128xi32, #tpu.memory_space<vmem>> -> memref<128xi32, #tpu.memory_space<vmem>>
      %dma_start3A_664 = arith.constant 0 : i32
      %dma_start3A_665 = arith.constant 0 : i32
      %dma_start3A_666 = tpu.memref_slice %arg2[%dma_start3A_664, %dma_start3A_665] : memref<20000x64xbf16, #tpu.memory_space<hbm>> -> memref<20000x64xbf16, #tpu.memory_space<hbm>>
      tpu.enqueue_indirect_dma source(%dma_start3A_666 : memref<20000x64xbf16, #tpu.memory_space<hbm>>) target(%arg10 : memref<128x64xbf16, #tpu.memory_space<vmem>>) offsets(%dma_start3A_663 : memref<128xi32, #tpu.memory_space<vmem>>) semaphore(%arg23 : memref<!tpu.dma_semaphore, #tpu.memory_space<semaphore_mem>>)
      %sub3A_667 = arith.constant 5 : i32
      %sub3A_668 = arith.subi %add3A_652, %sub3A_667 : i32
      %dma_wait3A_669 = arith.constant 0 : i32
      %dma_wait3A_670 = tpu.memref_slice %arg8[%sub3A_668, %dma_wait3A_669] : memref<80x128xi32, #tpu.memory_space<vmem>> -> memref<1x128xi32, #tpu.memory_space<vmem>>
      %dma_wait3A_671 = tpu.memref_squeeze %dma_wait3A_670 : memref<1x128xi32, #tpu.memory_space<vmem>> -> memref<128xi32, #tpu.memory_space<vmem>>
      %dma_wait3A_672 = arith.constant 0 : i32
      %dma_wait3A_673 = arith.constant 0 : i32
      %dma_wait3A_674 = tpu.memref_slice %arg2[%dma_wait3A_672, %dma_wait3A_673] : memref<20000x64xbf16, #tpu.memory_space<hbm>> -> memref<20000x64xbf16, #tpu.memory_space<hbm>>
      tpu.wait_indirect_dma semaphore(%arg28 : memref<!tpu.dma_semaphore, #tpu.memory_space<semaphore_mem>>) src(%dma_wait3A_674 : memref<20000x64xbf16, #tpu.memory_space<hbm>>) dst(%arg15 : memref<128x64xbf16, #tpu.memory_space<vmem>>)
      %dma_start3A_675 = arith.constant 0 : i32
      %dma_start3A_676 = tpu.memref_slice %arg7[%sub3A_668, %dma_start3A_675] : memref<80x128xi32, #tpu.memory_space<vmem>> -> memref<1x128xi32, #tpu.memory_space<vmem>>
      %dma_start3A_677 = tpu.memref_squeeze %dma_start3A_676 : memref<1x128xi32, #tpu.memory_space<vmem>> -> memref<128xi32, #tpu.memory_space<vmem>>
      %dma_start3A_678 = arith.constant 0 : i32
      %dma_start3A_679 = arith.constant 0 : i32
      %dma_start3A_680 = tpu.memref_slice %arg21[%dma_start3A_678, %dma_start3A_679] : memref<10240x64xbf16, #tpu.memory_space<vmem_shared>> -> memref<10240x64xbf16, #tpu.memory_space<vmem_shared>>
      tpu.enqueue_indirect_dma source(%arg15 : memref<128x64xbf16, #tpu.memory_space<vmem>>) target(%dma_start3A_680 : memref<10240x64xbf16, #tpu.memory_space<vmem_shared>>) offsets(%dma_start3A_677 : memref<128xi32, #tpu.memory_space<vmem>>) semaphore(%arg38 : memref<!tpu.dma_semaphore, #tpu.memory_space<semaphore_mem>>) {add = true}
      %mul3A_681 = arith.constant 10 : i32
      %mul3A_682 = arith.muli %mul3A_681, %scan3A_617 : i32
      %add3A_683 = arith.constant 2 : i32
      %add3A_684 = arith.addi %mul3A_682, %add3A_683 : i32
      %sub3A_685 = arith.constant 10 : i32
      %sub3A_686 = arith.subi %add3A_684, %sub3A_685 : i32
      %dma_wait3A_687 = arith.constant 0 : i32
      %dma_wait3A_688 = tpu.memref_slice %arg7[%sub3A_686, %dma_wait3A_687] : memref<80x128xi32, #tpu.memory_space<vmem>> -> memref<1x128xi32, #tpu.memory_space<vmem>>
      %dma_wait3A_689 = tpu.memref_squeeze %dma_wait3A_688 : memref<1x128xi32, #tpu.memory_space<vmem>> -> memref<128xi32, #tpu.memory_space<vmem>>
      %dma_wait3A_690 = arith.constant 0 : i32
      %dma_wait3A_691 = arith.constant 0 : i32
      %dma_wait3A_692 = tpu.memref_slice %arg21[%dma_wait3A_690, %dma_wait3A_691] : memref<10240x64xbf16, #tpu.memory_space<vmem_shared>> -> memref<10240x64xbf16, #tpu.memory_space<vmem_shared>>
      tpu.wait_indirect_dma semaphore(%arg34 : memref<!tpu.dma_semaphore, #tpu.memory_space<semaphore_mem>>) src(%arg11 : memref<128x64xbf16, #tpu.memory_space<vmem>>) dst(%dma_wait3A_692 : memref<10240x64xbf16, #tpu.memory_space<vmem_shared>>)
      %dma_start3A_693 = arith.constant 0 : i32
      %dma_start3A_694 = tpu.memref_slice %arg8[%add3A_684, %dma_start3A_693] : memref<80x128xi32, #tpu.memory_space<vmem>> -> memref<1x128xi32, #tpu.memory_space<vmem>>
      %dma_start3A_695 = tpu.memref_squeeze %dma_start3A_694 : memref<1x128xi32, #tpu.memory_space<vmem>> -> memref<128xi32, #tpu.memory_space<vmem>>
      %dma_start3A_696 = arith.constant 0 : i32
      %dma_start3A_697 = arith.constant 0 : i32
      %dma_start3A_698 = tpu.memref_slice %arg2[%dma_start3A_696, %dma_start3A_697] : memref<20000x64xbf16, #tpu.memory_space<hbm>> -> memref<20000x64xbf16, #tpu.memory_space<hbm>>
      tpu.enqueue_indirect_dma source(%dma_start3A_698 : memref<20000x64xbf16, #tpu.memory_space<hbm>>) target(%arg11 : memref<128x64xbf16, #tpu.memory_space<vmem>>) offsets(%dma_start3A_695 : memref<128xi32, #tpu.memory_space<vmem>>) semaphore(%arg24 : memref<!tpu.dma_semaphore, #tpu.memory_space<semaphore_mem>>)
      %sub3A_699 = arith.constant 5 : i32
      %sub3A_700 = arith.subi %add3A_684, %sub3A_699 : i32
      %dma_wait3A_701 = arith.constant 0 : i32
      %dma_wait3A_702 = tpu.memref_slice %arg8[%sub3A_700, %dma_wait3A_701] : memref<80x128xi32, #tpu.memory_space<vmem>> -> memref<1x128xi32, #tpu.memory_space<vmem>>
      %dma_wait3A_703 = tpu.memref_squeeze %dma_wait3A_702 : memref<1x128xi32, #tpu.memory_space<vmem>> -> memref<128xi32, #tpu.memory_space<vmem>>
      %dma_wait3A_704 = arith.constant 0 : i32
      %dma_wait3A_705 = arith.constant 0 : i32
      %dma_wait3A_706 = tpu.memref_slice %arg2[%dma_wait3A_704, %dma_wait3A_705] : memref<20000x64xbf16, #tpu.memory_space<hbm>> -> memref<20000x64xbf16, #tpu.memory_space<hbm>>
      tpu.wait_indirect_dma semaphore(%arg29 : memref<!tpu.dma_semaphore, #tpu.memory_space<semaphore_mem>>) src(%dma_wait3A_706 : memref<20000x64xbf16, #tpu.memory_space<hbm>>) dst(%arg16 : memref<128x64xbf16, #tpu.memory_space<vmem>>)
      %dma_start3A_707 = arith.constant 0 : i32
      %dma_start3A_708 = tpu.memref_slice %arg7[%sub3A_700, %dma_start3A_707] : memref<80x128xi32, #tpu.memory_space<vmem>> -> memref<1x128xi32, #tpu.memory_space<vmem>>
      %dma_start3A_709 = tpu.memref_squeeze %dma_start3A_708 : memref<1x128xi32, #tpu.memory_space<vmem>> -> memref<128xi32, #tpu.memory_space<vmem>>
      %dma_start3A_710 = arith.constant 0 : i32
      %dma_start3A_711 = arith.constant 0 : i32
      %dma_start3A_712 = tpu.memref_slice %arg21[%dma_start3A_710, %dma_start3A_711] : memref<10240x64xbf16, #tpu.memory_space<vmem_shared>> -> memref<10240x64xbf16, #tpu.memory_space<vmem_shared>>
      tpu.enqueue_indirect_dma source(%arg16 : memref<128x64xbf16, #tpu.memory_space<vmem>>) target(%dma_start3A_712 : memref<10240x64xbf16, #tpu.memory_space<vmem_shared>>) offsets(%dma_start3A_709 : memref<128xi32, #tpu.memory_space<vmem>>) semaphore(%arg39 : memref<!tpu.dma_semaphore, #tpu.memory_space<semaphore_mem>>) {add = true}
      %mul3A_713 = arith.constant 10 : i32
      %mul3A_714 = arith.muli %mul3A_713, %scan3A_617 : i32
      %add3A_715 = arith.constant 3 : i32
      %add3A_716 = arith.addi %mul3A_714, %add3A_715 : i32
      %sub3A_717 = arith.constant 10 : i32
      %sub3A_718 = arith.subi %add3A_716, %sub3A_717 : i32
      %dma_wait3A_719 = arith.constant 0 : i32
      %dma_wait3A_720 = tpu.memref_slice %arg7[%sub3A_718, %dma_wait3A_719] : memref<80x128xi32, #tpu.memory_space<vmem>> -> memref<1x128xi32, #tpu.memory_space<vmem>>
      %dma_wait3A_721 = tpu.memref_squeeze %dma_wait3A_720 : memref<1x128xi32, #tpu.memory_space<vmem>> -> memref<128xi32, #tpu.memory_space<vmem>>
      %dma_wait3A_722 = arith.constant 0 : i32
      %dma_wait3A_723 = arith.constant 0 : i32
      %dma_wait3A_724 = tpu.memref_slice %arg21[%dma_wait3A_722, %dma_wait3A_723] : memref<10240x64xbf16, #tpu.memory_space<vmem_shared>> -> memref<10240x64xbf16, #tpu.memory_space<vmem_shared>>
      tpu.wait_indirect_dma semaphore(%arg35 : memref<!tpu.dma_semaphore, #tpu.memory_space<semaphore_mem>>) src(%arg12 : memref<128x64xbf16, #tpu.memory_space<vmem>>) dst(%dma_wait3A_724 : memref<10240x64xbf16, #tpu.memory_space<vmem_shared>>)
      %dma_start3A_725 = arith.constant 0 : i32
      %dma_start3A_726 = tpu.memref_slice %arg8[%add3A_716, %dma_start3A_725] : memref<80x128xi32, #tpu.memory_space<vmem>> -> memref<1x128xi32, #tpu.memory_space<vmem>>
      %dma_start3A_727 = tpu.memref_squeeze %dma_start3A_726 : memref<1x128xi32, #tpu.memory_space<vmem>> -> memref<128xi32, #tpu.memory_space<vmem>>
      %dma_start3A_728 = arith.constant 0 : i32
      %dma_start3A_729 = arith.constant 0 : i32
      %dma_start3A_730 = tpu.memref_slice %arg2[%dma_start3A_728, %dma_start3A_729] : memref<20000x64xbf16, #tpu.memory_space<hbm>> -> memref<20000x64xbf16, #tpu.memory_space<hbm>>
      tpu.enqueue_indirect_dma source(%dma_start3A_730 : memref<20000x64xbf16, #tpu.memory_space<hbm>>) target(%arg12 : memref<128x64xbf16, #tpu.memory_space<vmem>>) offsets(%dma_start3A_727 : memref<128xi32, #tpu.memory_space<vmem>>) semaphore(%arg25 : memref<!tpu.dma_semaphore, #tpu.memory_space<semaphore_mem>>)
      %sub3A_731 = arith.constant 5 : i32
      %sub3A_732 = arith.subi %add3A_716, %sub3A_731 : i32
      %dma_wait3A_733 = arith.constant 0 : i32
      %dma_wait3A_734 = tpu.memref_slice %arg8[%sub3A_732, %dma_wait3A_733] : memref<80x128xi32, #tpu.memory_space<vmem>> -> memref<1x128xi32, #tpu.memory_space<vmem>>
      %dma_wait3A_735 = tpu.memref_squeeze %dma_wait3A_734 : memref<1x128xi32, #tpu.memory_space<vmem>> -> memref<128xi32, #tpu.memory_space<vmem>>
      %dma_wait3A_736 = arith.constant 0 : i32
      %dma_wait3A_737 = arith.constant 0 : i32
      %dma_wait3A_738 = tpu.memref_slice %arg2[%dma_wait3A_736, %dma_wait3A_737] : memref<20000x64xbf16, #tpu.memory_space<hbm>> -> memref<20000x64xbf16, #tpu.memory_space<hbm>>
      tpu.wait_indirect_dma semaphore(%arg30 : memref<!tpu.dma_semaphore, #tpu.memory_space<semaphore_mem>>) src(%dma_wait3A_738 : memref<20000x64xbf16, #tpu.memory_space<hbm>>) dst(%arg17 : memref<128x64xbf16, #tpu.memory_space<vmem>>)
      %dma_start3A_739 = arith.constant 0 : i32
      %dma_start3A_740 = tpu.memref_slice %arg7[%sub3A_732, %dma_start3A_739] : memref<80x128xi32, #tpu.memory_space<vmem>> -> memref<1x128xi32, #tpu.memory_space<vmem>>
      %dma_start3A_741 = tpu.memref_squeeze %dma_start3A_740 : memref<1x128xi32, #tpu.memory_space<vmem>> -> memref<128xi32, #tpu.memory_space<vmem>>
      %dma_start3A_742 = arith.constant 0 : i32
      %dma_start3A_743 = arith.constant 0 : i32
      %dma_start3A_744 = tpu.memref_slice %arg21[%dma_start3A_742, %dma_start3A_743] : memref<10240x64xbf16, #tpu.memory_space<vmem_shared>> -> memref<10240x64xbf16, #tpu.memory_space<vmem_shared>>
      tpu.enqueue_indirect_dma source(%arg17 : memref<128x64xbf16, #tpu.memory_space<vmem>>) target(%dma_start3A_744 : memref<10240x64xbf16, #tpu.memory_space<vmem_shared>>) offsets(%dma_start3A_741 : memref<128xi32, #tpu.memory_space<vmem>>) semaphore(%arg40 : memref<!tpu.dma_semaphore, #tpu.memory_space<semaphore_mem>>) {add = true}
      %mul3A_745 = arith.constant 10 : i32
      %mul3A_746 = arith.muli %mul3A_745, %scan3A_617 : i32
      %add3A_747 = arith.constant 4 : i32
      %add3A_748 = arith.addi %mul3A_746, %add3A_747 : i32
      %sub3A_749 = arith.constant 10 : i32
      %sub3A_750 = arith.subi %add3A_748, %sub3A_749 : i32
      %dma_wait3A_751 = arith.constant 0 : i32
      %dma_wait3A_752 = tpu.memref_slice %arg7[%sub3A_750, %dma_wait3A_751] : memref<80x128xi32, #tpu.memory_space<vmem>> -> memref<1x128xi32, #tpu.memory_space<vmem>>
      %dma_wait3A_753 = tpu.memref_squeeze %dma_wait3A_752 : memref<1x128xi32, #tpu.memory_space<vmem>> -> memref<128xi32, #tpu.memory_space<vmem>>
      %dma_wait3A_754 = arith.constant 0 : i32
      %dma_wait3A_755 = arith.constant 0 : i32
      %dma_wait3A_756 = tpu.memref_slice %arg21[%dma_wait3A_754, %dma_wait3A_755] : memref<10240x64xbf16, #tpu.memory_space<vmem_shared>> -> memref<10240x64xbf16, #tpu.memory_space<vmem_shared>>
      tpu.wait_indirect_dma semaphore(%arg36 : memref<!tpu.dma_semaphore, #tpu.memory_space<semaphore_mem>>) src(%arg13 : memref<128x64xbf16, #tpu.memory_space<vmem>>) dst(%dma_wait3A_756 : memref<10240x64xbf16, #tpu.memory_space<vmem_shared>>)
      %dma_start3A_757 = arith.constant 0 : i32
      %dma_start3A_758 = tpu.memref_slice %arg8[%add3A_748, %dma_start3A_757] : memref<80x128xi32, #tpu.memory_space<vmem>> -> memref<1x128xi32, #tpu.memory_space<vmem>>
      %dma_start3A_759 = tpu.memref_squeeze %dma_start3A_758 : memref<1x128xi32, #tpu.memory_space<vmem>> -> memref<128xi32, #tpu.memory_space<vmem>>
      %dma_start3A_760 = arith.constant 0 : i32
      %dma_start3A_761 = arith.constant 0 : i32
      %dma_start3A_762 = tpu.memref_slice %arg2[%dma_start3A_760, %dma_start3A_761] : memref<20000x64xbf16, #tpu.memory_space<hbm>> -> memref<20000x64xbf16, #tpu.memory_space<hbm>>
      tpu.enqueue_indirect_dma source(%dma_start3A_762 : memref<20000x64xbf16, #tpu.memory_space<hbm>>) target(%arg13 : memref<128x64xbf16, #tpu.memory_space<vmem>>) offsets(%dma_start3A_759 : memref<128xi32, #tpu.memory_space<vmem>>) semaphore(%arg26 : memref<!tpu.dma_semaphore, #tpu.memory_space<semaphore_mem>>)
      %sub3A_763 = arith.constant 5 : i32
      %sub3A_764 = arith.subi %add3A_748, %sub3A_763 : i32
      %dma_wait3A_765 = arith.constant 0 : i32
      %dma_wait3A_766 = tpu.memref_slice %arg8[%sub3A_764, %dma_wait3A_765] : memref<80x128xi32, #tpu.memory_space<vmem>> -> memref<1x128xi32, #tpu.memory_space<vmem>>
      %dma_wait3A_767 = tpu.memref_squeeze %dma_wait3A_766 : memref<1x128xi32, #tpu.memory_space<vmem>> -> memref<128xi32, #tpu.memory_space<vmem>>
      %dma_wait3A_768 = arith.constant 0 : i32
      %dma_wait3A_769 = arith.constant 0 : i32
      %dma_wait3A_770 = tpu.memref_slice %arg2[%dma_wait3A_768, %dma_wait3A_769] : memref<20000x64xbf16, #tpu.memory_space<hbm>> -> memref<20000x64xbf16, #tpu.memory_space<hbm>>
      tpu.wait_indirect_dma semaphore(%arg31 : memref<!tpu.dma_semaphore, #tpu.memory_space<semaphore_mem>>) src(%dma_wait3A_770 : memref<20000x64xbf16, #tpu.memory_space<hbm>>) dst(%arg18 : memref<128x64xbf16, #tpu.memory_space<vmem>>)
      %dma_start3A_771 = arith.constant 0 : i32
      %dma_start3A_772 = tpu.memref_slice %arg7[%sub3A_764, %dma_start3A_771] : memref<80x128xi32, #tpu.memory_space<vmem>> -> memref<1x128xi32, #tpu.memory_space<vmem>>
      %dma_start3A_773 = tpu.memref_squeeze %dma_start3A_772 : memref<1x128xi32, #tpu.memory_space<vmem>> -> memref<128xi32, #tpu.memory_space<vmem>>
      %dma_start3A_774 = arith.constant 0 : i32
      %dma_start3A_775 = arith.constant 0 : i32
      %dma_start3A_776 = tpu.memref_slice %arg21[%dma_start3A_774, %dma_start3A_775] : memref<10240x64xbf16, #tpu.memory_space<vmem_shared>> -> memref<10240x64xbf16, #tpu.memory_space<vmem_shared>>
      tpu.enqueue_indirect_dma source(%arg18 : memref<128x64xbf16, #tpu.memory_space<vmem>>) target(%dma_start3A_776 : memref<10240x64xbf16, #tpu.memory_space<vmem_shared>>) offsets(%dma_start3A_773 : memref<128xi32, #tpu.memory_space<vmem>>) semaphore(%arg41 : memref<!tpu.dma_semaphore, #tpu.memory_space<semaphore_mem>>) {add = true}
      %mul3A_777 = arith.constant 10 : i32
      %mul3A_778 = arith.muli %mul3A_777, %scan3A_617 : i32
      %add3A_779 = arith.constant 5 : i32
      %add3A_780 = arith.addi %mul3A_778, %add3A_779 : i32
      %sub3A_781 = arith.constant 10 : i32
      %sub3A_782 = arith.subi %add3A_780, %sub3A_781 : i32
      %dma_wait3A_783 = arith.constant 0 : i32
      %dma_wait3A_784 = tpu.memref_slice %arg7[%sub3A_782, %dma_wait3A_783] : memref<80x128xi32, #tpu.memory_space<vmem>> -> memref<1x128xi32, #tpu.memory_space<vmem>>
      %dma_wait3A_785 = tpu.memref_squeeze %dma_wait3A_784 : memref<1x128xi32, #tpu.memory_space<vmem>> -> memref<128xi32, #tpu.memory_space<vmem>>
      %dma_wait3A_786 = arith.constant 0 : i32
      %dma_wait3A_787 = arith.constant 0 : i32
      %dma_wait3A_788 = tpu.memref_slice %arg21[%dma_wait3A_786, %dma_wait3A_787] : memref<10240x64xbf16, #tpu.memory_space<vmem_shared>> -> memref<10240x64xbf16, #tpu.memory_space<vmem_shared>>
      tpu.wait_indirect_dma semaphore(%arg37 : memref<!tpu.dma_semaphore, #tpu.memory_space<semaphore_mem>>) src(%arg14 : memref<128x64xbf16, #tpu.memory_space<vmem>>) dst(%dma_wait3A_788 : memref<10240x64xbf16, #tpu.memory_space<vmem_shared>>)
      %dma_start3A_789 = arith.constant 0 : i32
      %dma_start3A_790 = tpu.memref_slice %arg8[%add3A_780, %dma_start3A_789] : memref<80x128xi32, #tpu.memory_space<vmem>> -> memref<1x128xi32, #tpu.memory_space<vmem>>
      %dma_start3A_791 = tpu.memref_squeeze %dma_start3A_790 : memref<1x128xi32, #tpu.memory_space<vmem>> -> memref<128xi32, #tpu.memory_space<vmem>>
      %dma_start3A_792 = arith.constant 0 : i32
      %dma_start3A_793 = arith.constant 0 : i32
      %dma_start3A_794 = tpu.memref_slice %arg2[%dma_start3A_792, %dma_start3A_793] : memref<20000x64xbf16, #tpu.memory_space<hbm>> -> memref<20000x64xbf16, #tpu.memory_space<hbm>>
      tpu.enqueue_indirect_dma source(%dma_start3A_794 : memref<20000x64xbf16, #tpu.memory_space<hbm>>) target(%arg14 : memref<128x64xbf16, #tpu.memory_space<vmem>>) offsets(%dma_start3A_791 : memref<128xi32, #tpu.memory_space<vmem>>) semaphore(%arg27 : memref<!tpu.dma_semaphore, #tpu.memory_space<semaphore_mem>>)
      %sub3A_795 = arith.constant 5 : i32
      %sub3A_796 = arith.subi %add3A_780, %sub3A_795 : i32
      %dma_wait3A_797 = arith.constant 0 : i32
      %dma_wait3A_798 = tpu.memref_slice %arg8[%sub3A_796, %dma_wait3A_797] : memref<80x128xi32, #tpu.memory_space<vmem>> -> memref<1x128xi32, #tpu.memory_space<vmem>>
      %dma_wait3A_799 = tpu.memref_squeeze %dma_wait3A_798 : memref<1x128xi32, #tpu.memory_space<vmem>> -> memref<128xi32, #tpu.memory_space<vmem>>
      %dma_wait3A_800 = arith.constant 0 : i32
      %dma_wait3A_801 = arith.constant 0 : i32
      %dma_wait3A_802 = tpu.memref_slice %arg2[%dma_wait3A_800, %dma_wait3A_801] : memref<20000x64xbf16, #tpu.memory_space<hbm>> -> memref<20000x64xbf16, #tpu.memory_space<hbm>>
      tpu.wait_indirect_dma semaphore(%arg22 : memref<!tpu.dma_semaphore, #tpu.memory_space<semaphore_mem>>) src(%dma_wait3A_802 : memref<20000x64xbf16, #tpu.memory_space<hbm>>) dst(%arg9 : memref<128x64xbf16, #tpu.memory_space<vmem>>)
      %dma_start3A_803 = arith.constant 0 : i32
      %dma_start3A_804 = tpu.memref_slice %arg7[%sub3A_796, %dma_start3A_803] : memref<80x128xi32, #tpu.memory_space<vmem>> -> memref<1x128xi32, #tpu.memory_space<vmem>>
      %dma_start3A_805 = tpu.memref_squeeze %dma_start3A_804 : memref<1x128xi32, #tpu.memory_space<vmem>> -> memref<128xi32, #tpu.memory_space<vmem>>
      %dma_start3A_806 = arith.constant 0 : i32
      %dma_start3A_807 = arith.constant 0 : i32
      %dma_start3A_808 = tpu.memref_slice %arg21[%dma_start3A_806, %dma_start3A_807] : memref<10240x64xbf16, #tpu.memory_space<vmem_shared>> -> memref<10240x64xbf16, #tpu.memory_space<vmem_shared>>
      tpu.enqueue_indirect_dma source(%arg9 : memref<128x64xbf16, #tpu.memory_space<vmem>>) target(%dma_start3A_808 : memref<10240x64xbf16, #tpu.memory_space<vmem_shared>>) offsets(%dma_start3A_805 : memref<128xi32, #tpu.memory_space<vmem>>) semaphore(%arg32 : memref<!tpu.dma_semaphore, #tpu.memory_space<semaphore_mem>>) {add = true}
      %mul3A_809 = arith.constant 10 : i32
      %mul3A_810 = arith.muli %mul3A_809, %scan3A_617 : i32
      %add3A_811 = arith.constant 6 : i32
      %add3A_812 = arith.addi %mul3A_810, %add3A_811 : i32
      %sub3A_813 = arith.constant 10 : i32
      %sub3A_814 = arith.subi %add3A_812, %sub3A_813 : i32
      %dma_wait3A_815 = arith.constant 0 : i32
      %dma_wait3A_816 = tpu.memref_slice %arg7[%sub3A_814, %dma_wait3A_815] : memref<80x128xi32, #tpu.memory_space<vmem>> -> memref<1x128xi32, #tpu.memory_space<vmem>>
      %dma_wait3A_817 = tpu.memref_squeeze %dma_wait3A_816 : memref<1x128xi32, #tpu.memory_space<vmem>> -> memref<128xi32, #tpu.memory_space<vmem>>
      %dma_wait3A_818 = arith.constant 0 : i32
      %dma_wait3A_819 = arith.constant 0 : i32
      %dma_wait3A_820 = tpu.memref_slice %arg21[%dma_wait3A_818, %dma_wait3A_819] : memref<10240x64xbf16, #tpu.memory_space<vmem_shared>> -> memref<10240x64xbf16, #tpu.memory_space<vmem_shared>>
      tpu.wait_indirect_dma semaphore(%arg38 : memref<!tpu.dma_semaphore, #tpu.memory_space<semaphore_mem>>) src(%arg15 : memref<128x64xbf16, #tpu.memory_space<vmem>>) dst(%dma_wait3A_820 : memref<10240x64xbf16, #tpu.memory_space<vmem_shared>>)
      %dma_start3A_821 = arith.constant 0 : i32
      %dma_start3A_822 = tpu.memref_slice %arg8[%add3A_812, %dma_start3A_821] : memref<80x128xi32, #tpu.memory_space<vmem>> -> memref<1x128xi32, #tpu.memory_space<vmem>>
      %dma_start3A_823 = tpu.memref_squeeze %dma_start3A_822 : memref<1x128xi32, #tpu.memory_space<vmem>> -> memref<128xi32, #tpu.memory_space<vmem>>
      %dma_start3A_824 = arith.constant 0 : i32
      %dma_start3A_825 = arith.constant 0 : i32
      %dma_start3A_826 = tpu.memref_slice %arg2[%dma_start3A_824, %dma_start3A_825] : memref<20000x64xbf16, #tpu.memory_space<hbm>> -> memref<20000x64xbf16, #tpu.memory_space<hbm>>
      tpu.enqueue_indirect_dma source(%dma_start3A_826 : memref<20000x64xbf16, #tpu.memory_space<hbm>>) target(%arg15 : memref<128x64xbf16, #tpu.memory_space<vmem>>) offsets(%dma_start3A_823 : memref<128xi32, #tpu.memory_space<vmem>>) semaphore(%arg28 : memref<!tpu.dma_semaphore, #tpu.memory_space<semaphore_mem>>)
      %sub3A_827 = arith.constant 5 : i32
      %sub3A_828 = arith.subi %add3A_812, %sub3A_827 : i32
      %dma_wait3A_829 = arith.constant 0 : i32
      %dma_wait3A_830 = tpu.memref_slice %arg8[%sub3A_828, %dma_wait3A_829] : memref<80x128xi32, #tpu.memory_space<vmem>> -> memref<1x128xi32, #tpu.memory_space<vmem>>
      %dma_wait3A_831 = tpu.memref_squeeze %dma_wait3A_830 : memref<1x128xi32, #tpu.memory_space<vmem>> -> memref<128xi32, #tpu.memory_space<vmem>>
      %dma_wait3A_832 = arith.constant 0 : i32
      %dma_wait3A_833 = arith.constant 0 : i32
      %dma_wait3A_834 = tpu.memref_slice %arg2[%dma_wait3A_832, %dma_wait3A_833] : memref<20000x64xbf16, #tpu.memory_space<hbm>> -> memref<20000x64xbf16, #tpu.memory_space<hbm>>
      tpu.wait_indirect_dma semaphore(%arg23 : memref<!tpu.dma_semaphore, #tpu.memory_space<semaphore_mem>>) src(%dma_wait3A_834 : memref<20000x64xbf16, #tpu.memory_space<hbm>>) dst(%arg10 : memref<128x64xbf16, #tpu.memory_space<vmem>>)
      %dma_start3A_835 = arith.constant 0 : i32
      %dma_start3A_836 = tpu.memref_slice %arg7[%sub3A_828, %dma_start3A_835] : memref<80x128xi32, #tpu.memory_space<vmem>> -> memref<1x128xi32, #tpu.memory_space<vmem>>
      %dma_start3A_837 = tpu.memref_squeeze %dma_start3A_836 : memref<1x128xi32, #tpu.memory_space<vmem>> -> memref<128xi32, #tpu.memory_space<vmem>>
      %dma_start3A_838 = arith.constant 0 : i32
      %dma_start3A_839 = arith.constant 0 : i32
      %dma_start3A_840 = tpu.memref_slice %arg21[%dma_start3A_838, %dma_start3A_839] : memref<10240x64xbf16, #tpu.memory_space<vmem_shared>> -> memref<10240x64xbf16, #tpu.memory_space<vmem_shared>>
      tpu.enqueue_indirect_dma source(%arg10 : memref<128x64xbf16, #tpu.memory_space<vmem>>) target(%dma_start3A_840 : memref<10240x64xbf16, #tpu.memory_space<vmem_shared>>) offsets(%dma_start3A_837 : memref<128xi32, #tpu.memory_space<vmem>>) semaphore(%arg33 : memref<!tpu.dma_semaphore, #tpu.memory_space<semaphore_mem>>) {add = true}
      %mul3A_841 = arith.constant 10 : i32
      %mul3A_842 = arith.muli %mul3A_841, %scan3A_617 : i32
      %add3A_843 = arith.constant 7 : i32
      %add3A_844 = arith.addi %mul3A_842, %add3A_843 : i32
      %sub3A_845 = arith.constant 10 : i32
      %sub3A_846 = arith.subi %add3A_844, %sub3A_845 : i32
      %dma_wait3A_847 = arith.constant 0 : i32
      %dma_wait3A_848 = tpu.memref_slice %arg7[%sub3A_846, %dma_wait3A_847] : memref<80x128xi32, #tpu.memory_space<vmem>> -> memref<1x128xi32, #tpu.memory_space<vmem>>
      %dma_wait3A_849 = tpu.memref_squeeze %dma_wait3A_848 : memref<1x128xi32, #tpu.memory_space<vmem>> -> memref<128xi32, #tpu.memory_space<vmem>>
      %dma_wait3A_850 = arith.constant 0 : i32
      %dma_wait3A_851 = arith.constant 0 : i32
      %dma_wait3A_852 = tpu.memref_slice %arg21[%dma_wait3A_850, %dma_wait3A_851] : memref<10240x64xbf16, #tpu.memory_space<vmem_shared>> -> memref<10240x64xbf16, #tpu.memory_space<vmem_shared>>
      tpu.wait_indirect_dma semaphore(%arg39 : memref<!tpu.dma_semaphore, #tpu.memory_space<semaphore_mem>>) src(%arg16 : memref<128x64xbf16, #tpu.memory_space<vmem>>) dst(%dma_wait3A_852 : memref<10240x64xbf16, #tpu.memory_space<vmem_shared>>)
      %dma_start3A_853 = arith.constant 0 : i32
      %dma_start3A_854 = tpu.memref_slice %arg8[%add3A_844, %dma_start3A_853] : memref<80x128xi32, #tpu.memory_space<vmem>> -> memref<1x128xi32, #tpu.memory_space<vmem>>
      %dma_start3A_855 = tpu.memref_squeeze %dma_start3A_854 : memref<1x128xi32, #tpu.memory_space<vmem>> -> memref<128xi32, #tpu.memory_space<vmem>>
      %dma_start3A_856 = arith.constant 0 : i32
      %dma_start3A_857 = arith.constant 0 : i32
      %dma_start3A_858 = tpu.memref_slice %arg2[%dma_start3A_856, %dma_start3A_857] : memref<20000x64xbf16, #tpu.memory_space<hbm>> -> memref<20000x64xbf16, #tpu.memory_space<hbm>>
      tpu.enqueue_indirect_dma source(%dma_start3A_858 : memref<20000x64xbf16, #tpu.memory_space<hbm>>) target(%arg16 : memref<128x64xbf16, #tpu.memory_space<vmem>>) offsets(%dma_start3A_855 : memref<128xi32, #tpu.memory_space<vmem>>) semaphore(%arg29 : memref<!tpu.dma_semaphore, #tpu.memory_space<semaphore_mem>>)
      %sub3A_859 = arith.constant 5 : i32
      %sub3A_860 = arith.subi %add3A_844, %sub3A_859 : i32
      %dma_wait3A_861 = arith.constant 0 : i32
      %dma_wait3A_862 = tpu.memref_slice %arg8[%sub3A_860, %dma_wait3A_861] : memref<80x128xi32, #tpu.memory_space<vmem>> -> memref<1x128xi32, #tpu.memory_space<vmem>>
      %dma_wait3A_863 = tpu.memref_squeeze %dma_wait3A_862 : memref<1x128xi32, #tpu.memory_space<vmem>> -> memref<128xi32, #tpu.memory_space<vmem>>
      %dma_wait3A_864 = arith.constant 0 : i32
      %dma_wait3A_865 = arith.constant 0 : i32
      %dma_wait3A_866 = tpu.memref_slice %arg2[%dma_wait3A_864, %dma_wait3A_865] : memref<20000x64xbf16, #tpu.memory_space<hbm>> -> memref<20000x64xbf16, #tpu.memory_space<hbm>>
      tpu.wait_indirect_dma semaphore(%arg24 : memref<!tpu.dma_semaphore, #tpu.memory_space<semaphore_mem>>) src(%dma_wait3A_866 : memref<20000x64xbf16, #tpu.memory_space<hbm>>) dst(%arg11 : memref<128x64xbf16, #tpu.memory_space<vmem>>)
      %dma_start3A_867 = arith.constant 0 : i32
      %dma_start3A_868 = tpu.memref_slice %arg7[%sub3A_860, %dma_start3A_867] : memref<80x128xi32, #tpu.memory_space<vmem>> -> memref<1x128xi32, #tpu.memory_space<vmem>>
      %dma_start3A_869 = tpu.memref_squeeze %dma_start3A_868 : memref<1x128xi32, #tpu.memory_space<vmem>> -> memref<128xi32, #tpu.memory_space<vmem>>
      %dma_start3A_870 = arith.constant 0 : i32
      %dma_start3A_871 = arith.constant 0 : i32
      %dma_start3A_872 = tpu.memref_slice %arg21[%dma_start3A_870, %dma_start3A_871] : memref<10240x64xbf16, #tpu.memory_space<vmem_shared>> -> memref<10240x64xbf16, #tpu.memory_space<vmem_shared>>
      tpu.enqueue_indirect_dma source(%arg11 : memref<128x64xbf16, #tpu.memory_space<vmem>>) target(%dma_start3A_872 : memref<10240x64xbf16, #tpu.memory_space<vmem_shared>>) offsets(%dma_start3A_869 : memref<128xi32, #tpu.memory_space<vmem>>) semaphore(%arg34 : memref<!tpu.dma_semaphore, #tpu.memory_space<semaphore_mem>>) {add = true}
      %mul3A_873 = arith.constant 10 : i32
      %mul3A_874 = arith.muli %mul3A_873, %scan3A_617 : i32
      %add3A_875 = arith.constant 8 : i32
      %add3A_876 = arith.addi %mul3A_874, %add3A_875 : i32
      %sub3A_877 = arith.constant 10 : i32
      %sub3A_878 = arith.subi %add3A_876, %sub3A_877 : i32
      %dma_wait3A_879 = arith.constant 0 : i32
      %dma_wait3A_880 = tpu.memref_slice %arg7[%sub3A_878, %dma_wait3A_879] : memref<80x128xi32, #tpu.memory_space<vmem>> -> memref<1x128xi32, #tpu.memory_space<vmem>>
      %dma_wait3A_881 = tpu.memref_squeeze %dma_wait3A_880 : memref<1x128xi32, #tpu.memory_space<vmem>> -> memref<128xi32, #tpu.memory_space<vmem>>
      %dma_wait3A_882 = arith.constant 0 : i32
      %dma_wait3A_883 = arith.constant 0 : i32
      %dma_wait3A_884 = tpu.memref_slice %arg21[%dma_wait3A_882, %dma_wait3A_883] : memref<10240x64xbf16, #tpu.memory_space<vmem_shared>> -> memref<10240x64xbf16, #tpu.memory_space<vmem_shared>>
      tpu.wait_indirect_dma semaphore(%arg40 : memref<!tpu.dma_semaphore, #tpu.memory_space<semaphore_mem>>) src(%arg17 : memref<128x64xbf16, #tpu.memory_space<vmem>>) dst(%dma_wait3A_884 : memref<10240x64xbf16, #tpu.memory_space<vmem_shared>>)
      %dma_start3A_885 = arith.constant 0 : i32
      %dma_start3A_886 = tpu.memref_slice %arg8[%add3A_876, %dma_start3A_885] : memref<80x128xi32, #tpu.memory_space<vmem>> -> memref<1x128xi32, #tpu.memory_space<vmem>>
      %dma_start3A_887 = tpu.memref_squeeze %dma_start3A_886 : memref<1x128xi32, #tpu.memory_space<vmem>> -> memref<128xi32, #tpu.memory_space<vmem>>
      %dma_start3A_888 = arith.constant 0 : i32
      %dma_start3A_889 = arith.constant 0 : i32
      %dma_start3A_890 = tpu.memref_slice %arg2[%dma_start3A_888, %dma_start3A_889] : memref<20000x64xbf16, #tpu.memory_space<hbm>> -> memref<20000x64xbf16, #tpu.memory_space<hbm>>
      tpu.enqueue_indirect_dma source(%dma_start3A_890 : memref<20000x64xbf16, #tpu.memory_space<hbm>>) target(%arg17 : memref<128x64xbf16, #tpu.memory_space<vmem>>) offsets(%dma_start3A_887 : memref<128xi32, #tpu.memory_space<vmem>>) semaphore(%arg30 : memref<!tpu.dma_semaphore, #tpu.memory_space<semaphore_mem>>)
      %sub3A_891 = arith.constant 5 : i32
      %sub3A_892 = arith.subi %add3A_876, %sub3A_891 : i32
      %dma_wait3A_893 = arith.constant 0 : i32
      %dma_wait3A_894 = tpu.memref_slice %arg8[%sub3A_892, %dma_wait3A_893] : memref<80x128xi32, #tpu.memory_space<vmem>> -> memref<1x128xi32, #tpu.memory_space<vmem>>
      %dma_wait3A_895 = tpu.memref_squeeze %dma_wait3A_894 : memref<1x128xi32, #tpu.memory_space<vmem>> -> memref<128xi32, #tpu.memory_space<vmem>>
      %dma_wait3A_896 = arith.constant 0 : i32
      %dma_wait3A_897 = arith.constant 0 : i32
      %dma_wait3A_898 = tpu.memref_slice %arg2[%dma_wait3A_896, %dma_wait3A_897] : memref<20000x64xbf16, #tpu.memory_space<hbm>> -> memref<20000x64xbf16, #tpu.memory_space<hbm>>
      tpu.wait_indirect_dma semaphore(%arg25 : memref<!tpu.dma_semaphore, #tpu.memory_space<semaphore_mem>>) src(%dma_wait3A_898 : memref<20000x64xbf16, #tpu.memory_space<hbm>>) dst(%arg12 : memref<128x64xbf16, #tpu.memory_space<vmem>>)
      %dma_start3A_899 = arith.constant 0 : i32
      %dma_start3A_900 = tpu.memref_slice %arg7[%sub3A_892, %dma_start3A_899] : memref<80x128xi32, #tpu.memory_space<vmem>> -> memref<1x128xi32, #tpu.memory_space<vmem>>
      %dma_start3A_901 = tpu.memref_squeeze %dma_start3A_900 : memref<1x128xi32, #tpu.memory_space<vmem>> -> memref<128xi32, #tpu.memory_space<vmem>>
      %dma_start3A_902 = arith.constant 0 : i32
      %dma_start3A_903 = arith.constant 0 : i32
      %dma_start3A_904 = tpu.memref_slice %arg21[%dma_start3A_902, %dma_start3A_903] : memref<10240x64xbf16, #tpu.memory_space<vmem_shared>> -> memref<10240x64xbf16, #tpu.memory_space<vmem_shared>>
      tpu.enqueue_indirect_dma source(%arg12 : memref<128x64xbf16, #tpu.memory_space<vmem>>) target(%dma_start3A_904 : memref<10240x64xbf16, #tpu.memory_space<vmem_shared>>) offsets(%dma_start3A_901 : memref<128xi32, #tpu.memory_space<vmem>>) semaphore(%arg35 : memref<!tpu.dma_semaphore, #tpu.memory_space<semaphore_mem>>) {add = true}
      %mul3A_905 = arith.constant 10 : i32
      %mul3A_906 = arith.muli %mul3A_905, %scan3A_617 : i32
      %add3A_907 = arith.constant 9 : i32
      %add3A_908 = arith.addi %mul3A_906, %add3A_907 : i32
      %sub3A_909 = arith.constant 10 : i32
      %sub3A_910 = arith.subi %add3A_908, %sub3A_909 : i32
      %dma_wait3A_911 = arith.constant 0 : i32
      %dma_wait3A_912 = tpu.memref_slice %arg7[%sub3A_910, %dma_wait3A_911] : memref<80x128xi32, #tpu.memory_space<vmem>> -> memref<1x128xi32, #tpu.memory_space<vmem>>
      %dma_wait3A_913 = tpu.memref_squeeze %dma_wait3A_912 : memref<1x128xi32, #tpu.memory_space<vmem>> -> memref<128xi32, #tpu.memory_space<vmem>>
      %dma_wait3A_914 = arith.constant 0 : i32
      %dma_wait3A_915 = arith.constant 0 : i32
      %dma_wait3A_916 = tpu.memref_slice %arg21[%dma_wait3A_914, %dma_wait3A_915] : memref<10240x64xbf16, #tpu.memory_space<vmem_shared>> -> memref<10240x64xbf16, #tpu.memory_space<vmem_shared>>
      tpu.wait_indirect_dma semaphore(%arg41 : memref<!tpu.dma_semaphore, #tpu.memory_space<semaphore_mem>>) src(%arg18 : memref<128x64xbf16, #tpu.memory_space<vmem>>) dst(%dma_wait3A_916 : memref<10240x64xbf16, #tpu.memory_space<vmem_shared>>)
      %dma_start3A_917 = arith.constant 0 : i32
      %dma_start3A_918 = tpu.memref_slice %arg8[%add3A_908, %dma_start3A_917] : memref<80x128xi32, #tpu.memory_space<vmem>> -> memref<1x128xi32, #tpu.memory_space<vmem>>
      %dma_start3A_919 = tpu.memref_squeeze %dma_start3A_918 : memref<1x128xi32, #tpu.memory_space<vmem>> -> memref<128xi32, #tpu.memory_space<vmem>>
      %dma_start3A_920 = arith.constant 0 : i32
      %dma_start3A_921 = arith.constant 0 : i32
      %dma_start3A_922 = tpu.memref_slice %arg2[%dma_start3A_920, %dma_start3A_921] : memref<20000x64xbf16, #tpu.memory_space<hbm>> -> memref<20000x64xbf16, #tpu.memory_space<hbm>>
      tpu.enqueue_indirect_dma source(%dma_start3A_922 : memref<20000x64xbf16, #tpu.memory_space<hbm>>) target(%arg18 : memref<128x64xbf16, #tpu.memory_space<vmem>>) offsets(%dma_start3A_919 : memref<128xi32, #tpu.memory_space<vmem>>) semaphore(%arg31 : memref<!tpu.dma_semaphore, #tpu.memory_space<semaphore_mem>>)
      %sub3A_923 = arith.constant 5 : i32
      %sub3A_924 = arith.subi %add3A_908, %sub3A_923 : i32
      %dma_wait3A_925 = arith.constant 0 : i32
      %dma_wait3A_926 = tpu.memref_slice %arg8[%sub3A_924, %dma_wait3A_925] : memref<80x128xi32, #tpu.memory_space<vmem>> -> memref<1x128xi32, #tpu.memory_space<vmem>>
      %dma_wait3A_927 = tpu.memref_squeeze %dma_wait3A_926 : memref<1x128xi32, #tpu.memory_space<vmem>> -> memref<128xi32, #tpu.memory_space<vmem>>
      %dma_wait3A_928 = arith.constant 0 : i32
      %dma_wait3A_929 = arith.constant 0 : i32
      %dma_wait3A_930 = tpu.memref_slice %arg2[%dma_wait3A_928, %dma_wait3A_929] : memref<20000x64xbf16, #tpu.memory_space<hbm>> -> memref<20000x64xbf16, #tpu.memory_space<hbm>>
      tpu.wait_indirect_dma semaphore(%arg26 : memref<!tpu.dma_semaphore, #tpu.memory_space<semaphore_mem>>) src(%dma_wait3A_930 : memref<20000x64xbf16, #tpu.memory_space<hbm>>) dst(%arg13 : memref<128x64xbf16, #tpu.memory_space<vmem>>)
      %dma_start3A_931 = arith.constant 0 : i32
      %dma_start3A_932 = tpu.memref_slice %arg7[%sub3A_924, %dma_start3A_931] : memref<80x128xi32, #tpu.memory_space<vmem>> -> memref<1x128xi32, #tpu.memory_space<vmem>>
      %dma_start3A_933 = tpu.memref_squeeze %dma_start3A_932 : memref<1x128xi32, #tpu.memory_space<vmem>> -> memref<128xi32, #tpu.memory_space<vmem>>
      %dma_start3A_934 = arith.constant 0 : i32
      %dma_start3A_935 = arith.constant 0 : i32
      %dma_start3A_936 = tpu.memref_slice %arg21[%dma_start3A_934, %dma_start3A_935] : memref<10240x64xbf16, #tpu.memory_space<vmem_shared>> -> memref<10240x64xbf16, #tpu.memory_space<vmem_shared>>
      tpu.enqueue_indirect_dma source(%arg13 : memref<128x64xbf16, #tpu.memory_space<vmem>>) target(%dma_start3A_936 : memref<10240x64xbf16, #tpu.memory_space<vmem_shared>>) offsets(%dma_start3A_933 : memref<128xi32, #tpu.memory_space<vmem>>) semaphore(%arg36 : memref<!tpu.dma_semaphore, #tpu.memory_space<semaphore_mem>>) {add = true}
    }
    %scan3A_464 = arith.constant 7 : i32
    %dma_wait3A_465 = arith.constant 75 : i32
    %dma_wait3A_466 = arith.constant 0 : i32
    %dma_wait3A_467 = tpu.memref_slice %arg8[%dma_wait3A_465, %dma_wait3A_466] : memref<80x128xi32, #tpu.memory_space<vmem>> -> memref<1x128xi32, #tpu.memory_space<vmem>>
    %dma_wait3A_468 = tpu.memref_squeeze %dma_wait3A_467 : memref<1x128xi32, #tpu.memory_space<vmem>> -> memref<128xi32, #tpu.memory_space<vmem>>
    %dma_wait3A_469 = arith.constant 0 : i32
    %dma_wait3A_470 = arith.constant 0 : i32
    %dma_wait3A_471 = tpu.memref_slice %arg2[%dma_wait3A_469, %dma_wait3A_470] : memref<20000x64xbf16, #tpu.memory_space<hbm>> -> memref<20000x64xbf16, #tpu.memory_space<hbm>>
    tpu.wait_indirect_dma semaphore(%arg27 : memref<!tpu.dma_semaphore, #tpu.memory_space<semaphore_mem>>) src(%dma_wait3A_471 : memref<20000x64xbf16, #tpu.memory_space<hbm>>) dst(%arg14 : memref<128x64xbf16, #tpu.memory_space<vmem>>)
    %dma_start3A_472 = arith.constant 75 : i32
    %dma_start3A_473 = arith.constant 0 : i32
    %dma_start3A_474 = tpu.memref_slice %arg7[%dma_start3A_472, %dma_start3A_473] : memref<80x128xi32, #tpu.memory_space<vmem>> -> memref<1x128xi32, #tpu.memory_space<vmem>>
    %dma_start3A_475 = tpu.memref_squeeze %dma_start3A_474 : memref<1x128xi32, #tpu.memory_space<vmem>> -> memref<128xi32, #tpu.memory_space<vmem>>
    %dma_start3A_476 = arith.constant 0 : i32
    %dma_start3A_477 = arith.constant 0 : i32
    %dma_start3A_478 = tpu.memref_slice %arg21[%dma_start3A_476, %dma_start3A_477] : memref<10240x64xbf16, #tpu.memory_space<vmem_shared>> -> memref<10240x64xbf16, #tpu.memory_space<vmem_shared>>
    tpu.enqueue_indirect_dma source(%arg14 : memref<128x64xbf16, #tpu.memory_space<vmem>>) target(%dma_start3A_478 : memref<10240x64xbf16, #tpu.memory_space<vmem_shared>>) offsets(%dma_start3A_475 : memref<128xi32, #tpu.memory_space<vmem>>) semaphore(%arg37 : memref<!tpu.dma_semaphore, #tpu.memory_space<semaphore_mem>>) {add = true}
    %dma_wait3A_479 = arith.constant 76 : i32
    %dma_wait3A_480 = arith.constant 0 : i32
    %dma_wait3A_481 = tpu.memref_slice %arg8[%dma_wait3A_479, %dma_wait3A_480] : memref<80x128xi32, #tpu.memory_space<vmem>> -> memref<1x128xi32, #tpu.memory_space<vmem>>
    %dma_wait3A_482 = tpu.memref_squeeze %dma_wait3A_481 : memref<1x128xi32, #tpu.memory_space<vmem>> -> memref<128xi32, #tpu.memory_space<vmem>>
    %dma_wait3A_483 = arith.constant 0 : i32
    %dma_wait3A_484 = arith.constant 0 : i32
    %dma_wait3A_485 = tpu.memref_slice %arg2[%dma_wait3A_483, %dma_wait3A_484] : memref<20000x64xbf16, #tpu.memory_space<hbm>> -> memref<20000x64xbf16, #tpu.memory_space<hbm>>
    tpu.wait_indirect_dma semaphore(%arg28 : memref<!tpu.dma_semaphore, #tpu.memory_space<semaphore_mem>>) src(%dma_wait3A_485 : memref<20000x64xbf16, #tpu.memory_space<hbm>>) dst(%arg15 : memref<128x64xbf16, #tpu.memory_space<vmem>>)
    %dma_start3A_486 = arith.constant 76 : i32
    %dma_start3A_487 = arith.constant 0 : i32
    %dma_start3A_488 = tpu.memref_slice %arg7[%dma_start3A_486, %dma_start3A_487] : memref<80x128xi32, #tpu.memory_space<vmem>> -> memref<1x128xi32, #tpu.memory_space<vmem>>
    %dma_start3A_489 = tpu.memref_squeeze %dma_start3A_488 : memref<1x128xi32, #tpu.memory_space<vmem>> -> memref<128xi32, #tpu.memory_space<vmem>>
    %dma_start3A_490 = arith.constant 0 : i32
    %dma_start3A_491 = arith.constant 0 : i32
    %dma_start3A_492 = tpu.memref_slice %arg21[%dma_start3A_490, %dma_start3A_491] : memref<10240x64xbf16, #tpu.memory_space<vmem_shared>> -> memref<10240x64xbf16, #tpu.memory_space<vmem_shared>>
    tpu.enqueue_indirect_dma source(%arg15 : memref<128x64xbf16, #tpu.memory_space<vmem>>) target(%dma_start3A_492 : memref<10240x64xbf16, #tpu.memory_space<vmem_shared>>) offsets(%dma_start3A_489 : memref<128xi32, #tpu.memory_space<vmem>>) semaphore(%arg38 : memref<!tpu.dma_semaphore, #tpu.memory_space<semaphore_mem>>) {add = true}
    %dma_wait3A_493 = arith.constant 77 : i32
    %dma_wait3A_494 = arith.constant 0 : i32
    %dma_wait3A_495 = tpu.memref_slice %arg8[%dma_wait3A_493, %dma_wait3A_494] : memref<80x128xi32, #tpu.memory_space<vmem>> -> memref<1x128xi32, #tpu.memory_space<vmem>>
    %dma_wait3A_496 = tpu.memref_squeeze %dma_wait3A_495 : memref<1x128xi32, #tpu.memory_space<vmem>> -> memref<128xi32, #tpu.memory_space<vmem>>
    %dma_wait3A_497 = arith.constant 0 : i32
    %dma_wait3A_498 = arith.constant 0 : i32
    %dma_wait3A_499 = tpu.memref_slice %arg2[%dma_wait3A_497, %dma_wait3A_498] : memref<20000x64xbf16, #tpu.memory_space<hbm>> -> memref<20000x64xbf16, #tpu.memory_space<hbm>>
    tpu.wait_indirect_dma semaphore(%arg29 : memref<!tpu.dma_semaphore, #tpu.memory_space<semaphore_mem>>) src(%dma_wait3A_499 : memref<20000x64xbf16, #tpu.memory_space<hbm>>) dst(%arg16 : memref<128x64xbf16, #tpu.memory_space<vmem>>)
    %dma_start3A_500 = arith.constant 77 : i32
    %dma_start3A_501 = arith.constant 0 : i32
    %dma_start3A_502 = tpu.memref_slice %arg7[%dma_start3A_500, %dma_start3A_501] : memref<80x128xi32, #tpu.memory_space<vmem>> -> memref<1x128xi32, #tpu.memory_space<vmem>>
    %dma_start3A_503 = tpu.memref_squeeze %dma_start3A_502 : memref<1x128xi32, #tpu.memory_space<vmem>> -> memref<128xi32, #tpu.memory_space<vmem>>
    %dma_start3A_504 = arith.constant 0 : i32
    %dma_start3A_505 = arith.constant 0 : i32
    %dma_start3A_506 = tpu.memref_slice %arg21[%dma_start3A_504, %dma_start3A_505] : memref<10240x64xbf16, #tpu.memory_space<vmem_shared>> -> memref<10240x64xbf16, #tpu.memory_space<vmem_shared>>
    tpu.enqueue_indirect_dma source(%arg16 : memref<128x64xbf16, #tpu.memory_space<vmem>>) target(%dma_start3A_506 : memref<10240x64xbf16, #tpu.memory_space<vmem_shared>>) offsets(%dma_start3A_503 : memref<128xi32, #tpu.memory_space<vmem>>) semaphore(%arg39 : memref<!tpu.dma_semaphore, #tpu.memory_space<semaphore_mem>>) {add = true}
    %dma_wait3A_507 = arith.constant 78 : i32
    %dma_wait3A_508 = arith.constant 0 : i32
    %dma_wait3A_509 = tpu.memref_slice %arg8[%dma_wait3A_507, %dma_wait3A_508] : memref<80x128xi32, #tpu.memory_space<vmem>> -> memref<1x128xi32, #tpu.memory_space<vmem>>
    %dma_wait3A_510 = tpu.memref_squeeze %dma_wait3A_509 : memref<1x128xi32, #tpu.memory_space<vmem>> -> memref<128xi32, #tpu.memory_space<vmem>>
    %dma_wait3A_511 = arith.constant 0 : i32
    %dma_wait3A_512 = arith.constant 0 : i32
    %dma_wait3A_513 = tpu.memref_slice %arg2[%dma_wait3A_511, %dma_wait3A_512] : memref<20000x64xbf16, #tpu.memory_space<hbm>> -> memref<20000x64xbf16, #tpu.memory_space<hbm>>
    tpu.wait_indirect_dma semaphore(%arg30 : memref<!tpu.dma_semaphore, #tpu.memory_space<semaphore_mem>>) src(%dma_wait3A_513 : memref<20000x64xbf16, #tpu.memory_space<hbm>>) dst(%arg17 : memref<128x64xbf16, #tpu.memory_space<vmem>>)
    %dma_start3A_514 = arith.constant 78 : i32
    %dma_start3A_515 = arith.constant 0 : i32
    %dma_start3A_516 = tpu.memref_slice %arg7[%dma_start3A_514, %dma_start3A_515] : memref<80x128xi32, #tpu.memory_space<vmem>> -> memref<1x128xi32, #tpu.memory_space<vmem>>
    %dma_start3A_517 = tpu.memref_squeeze %dma_start3A_516 : memref<1x128xi32, #tpu.memory_space<vmem>> -> memref<128xi32, #tpu.memory_space<vmem>>
    %dma_start3A_518 = arith.constant 0 : i32
    %dma_start3A_519 = arith.constant 0 : i32
    %dma_start3A_520 = tpu.memref_slice %arg21[%dma_start3A_518, %dma_start3A_519] : memref<10240x64xbf16, #tpu.memory_space<vmem_shared>> -> memref<10240x64xbf16, #tpu.memory_space<vmem_shared>>
    tpu.enqueue_indirect_dma source(%arg17 : memref<128x64xbf16, #tpu.memory_space<vmem>>) target(%dma_start3A_520 : memref<10240x64xbf16, #tpu.memory_space<vmem_shared>>) offsets(%dma_start3A_517 : memref<128xi32, #tpu.memory_space<vmem>>) semaphore(%arg40 : memref<!tpu.dma_semaphore, #tpu.memory_space<semaphore_mem>>) {add = true}
    %dma_wait3A_521 = arith.constant 79 : i32
    %dma_wait3A_522 = arith.constant 0 : i32
    %dma_wait3A_523 = tpu.memref_slice %arg8[%dma_wait3A_521, %dma_wait3A_522] : memref<80x128xi32, #tpu.memory_space<vmem>> -> memref<1x128xi32, #tpu.memory_space<vmem>>
    %dma_wait3A_524 = tpu.memref_squeeze %dma_wait3A_523 : memref<1x128xi32, #tpu.memory_space<vmem>> -> memref<128xi32, #tpu.memory_space<vmem>>
    %dma_wait3A_525 = arith.constant 0 : i32
    %dma_wait3A_526 = arith.constant 0 : i32
    %dma_wait3A_527 = tpu.memref_slice %arg2[%dma_wait3A_525, %dma_wait3A_526] : memref<20000x64xbf16, #tpu.memory_space<hbm>> -> memref<20000x64xbf16, #tpu.memory_space<hbm>>
    tpu.wait_indirect_dma semaphore(%arg31 : memref<!tpu.dma_semaphore, #tpu.memory_space<semaphore_mem>>) src(%dma_wait3A_527 : memref<20000x64xbf16, #tpu.memory_space<hbm>>) dst(%arg18 : memref<128x64xbf16, #tpu.memory_space<vmem>>)
    %dma_start3A_528 = arith.constant 79 : i32
    %dma_start3A_529 = arith.constant 0 : i32
    %dma_start3A_530 = tpu.memref_slice %arg7[%dma_start3A_528, %dma_start3A_529] : memref<80x128xi32, #tpu.memory_space<vmem>> -> memref<1x128xi32, #tpu.memory_space<vmem>>
    %dma_start3A_531 = tpu.memref_squeeze %dma_start3A_530 : memref<1x128xi32, #tpu.memory_space<vmem>> -> memref<128xi32, #tpu.memory_space<vmem>>
    %dma_start3A_532 = arith.constant 0 : i32
    %dma_start3A_533 = arith.constant 0 : i32
    %dma_start3A_534 = tpu.memref_slice %arg21[%dma_start3A_532, %dma_start3A_533] : memref<10240x64xbf16, #tpu.memory_space<vmem_shared>> -> memref<10240x64xbf16, #tpu.memory_space<vmem_shared>>
    tpu.enqueue_indirect_dma source(%arg18 : memref<128x64xbf16, #tpu.memory_space<vmem>>) target(%dma_start3A_534 : memref<10240x64xbf16, #tpu.memory_space<vmem_shared>>) offsets(%dma_start3A_531 : memref<128xi32, #tpu.memory_space<vmem>>) semaphore(%arg41 : memref<!tpu.dma_semaphore, #tpu.memory_space<semaphore_mem>>) {add = true}
    %dma_wait3A_535 = arith.constant 70 : i32
    %dma_wait3A_536 = arith.constant 0 : i32
    %dma_wait3A_537 = tpu.memref_slice %arg7[%dma_wait3A_535, %dma_wait3A_536] : memref<80x128xi32, #tpu.memory_space<vmem>> -> memref<1x128xi32, #tpu.memory_space<vmem>>
    %dma_wait3A_538 = tpu.memref_squeeze %dma_wait3A_537 : memref<1x128xi32, #tpu.memory_space<vmem>> -> memref<128xi32, #tpu.memory_space<vmem>>
    %dma_wait3A_539 = arith.constant 0 : i32
    %dma_wait3A_540 = arith.constant 0 : i32
    %dma_wait3A_541 = tpu.memref_slice %arg21[%dma_wait3A_539, %dma_wait3A_540] : memref<10240x64xbf16, #tpu.memory_space<vmem_shared>> -> memref<10240x64xbf16, #tpu.memory_space<vmem_shared>>
    tpu.wait_indirect_dma semaphore(%arg32 : memref<!tpu.dma_semaphore, #tpu.memory_space<semaphore_mem>>) src(%arg9 : memref<128x64xbf16, #tpu.memory_space<vmem>>) dst(%dma_wait3A_541 : memref<10240x64xbf16, #tpu.memory_space<vmem_shared>>)
    %dma_wait3A_542 = arith.constant 71 : i32
    %dma_wait3A_543 = arith.constant 0 : i32
    %dma_wait3A_544 = tpu.memref_slice %arg7[%dma_wait3A_542, %dma_wait3A_543] : memref<80x128xi32, #tpu.memory_space<vmem>> -> memref<1x128xi32, #tpu.memory_space<vmem>>
    %dma_wait3A_545 = tpu.memref_squeeze %dma_wait3A_544 : memref<1x128xi32, #tpu.memory_space<vmem>> -> memref<128xi32, #tpu.memory_space<vmem>>
    %dma_wait3A_546 = arith.constant 0 : i32
    %dma_wait3A_547 = arith.constant 0 : i32
    %dma_wait3A_548 = tpu.memref_slice %arg21[%dma_wait3A_546, %dma_wait3A_547] : memref<10240x64xbf16, #tpu.memory_space<vmem_shared>> -> memref<10240x64xbf16, #tpu.memory_space<vmem_shared>>
    tpu.wait_indirect_dma semaphore(%arg33 : memref<!tpu.dma_semaphore, #tpu.memory_space<semaphore_mem>>) src(%arg10 : memref<128x64xbf16, #tpu.memory_space<vmem>>) dst(%dma_wait3A_548 : memref<10240x64xbf16, #tpu.memory_space<vmem_shared>>)
    %dma_wait3A_549 = arith.constant 72 : i32
    %dma_wait3A_550 = arith.constant 0 : i32
    %dma_wait3A_551 = tpu.memref_slice %arg7[%dma_wait3A_549, %dma_wait3A_550] : memref<80x128xi32, #tpu.memory_space<vmem>> -> memref<1x128xi32, #tpu.memory_space<vmem>>
    %dma_wait3A_552 = tpu.memref_squeeze %dma_wait3A_551 : memref<1x128xi32, #tpu.memory_space<vmem>> -> memref<128xi32, #tpu.memory_space<vmem>>
    %dma_wait3A_553 = arith.constant 0 : i32
    %dma_wait3A_554 = arith.constant 0 : i32
    %dma_wait3A_555 = tpu.memref_slice %arg21[%dma_wait3A_553, %dma_wait3A_554] : memref<10240x64xbf16, #tpu.memory_space<vmem_shared>> -> memref<10240x64xbf16, #tpu.memory_space<vmem_shared>>
    tpu.wait_indirect_dma semaphore(%arg34 : memref<!tpu.dma_semaphore, #tpu.memory_space<semaphore_mem>>) src(%arg11 : memref<128x64xbf16, #tpu.memory_space<vmem>>) dst(%dma_wait3A_555 : memref<10240x64xbf16, #tpu.memory_space<vmem_shared>>)
    %dma_wait3A_556 = arith.constant 73 : i32
    %dma_wait3A_557 = arith.constant 0 : i32
    %dma_wait3A_558 = tpu.memref_slice %arg7[%dma_wait3A_556, %dma_wait3A_557] : memref<80x128xi32, #tpu.memory_space<vmem>> -> memref<1x128xi32, #tpu.memory_space<vmem>>
    %dma_wait3A_559 = tpu.memref_squeeze %dma_wait3A_558 : memref<1x128xi32, #tpu.memory_space<vmem>> -> memref<128xi32, #tpu.memory_space<vmem>>
    %dma_wait3A_560 = arith.constant 0 : i32
    %dma_wait3A_561 = arith.constant 0 : i32
    %dma_wait3A_562 = tpu.memref_slice %arg21[%dma_wait3A_560, %dma_wait3A_561] : memref<10240x64xbf16, #tpu.memory_space<vmem_shared>> -> memref<10240x64xbf16, #tpu.memory_space<vmem_shared>>
    tpu.wait_indirect_dma semaphore(%arg35 : memref<!tpu.dma_semaphore, #tpu.memory_space<semaphore_mem>>) src(%arg12 : memref<128x64xbf16, #tpu.memory_space<vmem>>) dst(%dma_wait3A_562 : memref<10240x64xbf16, #tpu.memory_space<vmem_shared>>)
    %dma_wait3A_563 = arith.constant 74 : i32
    %dma_wait3A_564 = arith.constant 0 : i32
    %dma_wait3A_565 = tpu.memref_slice %arg7[%dma_wait3A_563, %dma_wait3A_564] : memref<80x128xi32, #tpu.memory_space<vmem>> -> memref<1x128xi32, #tpu.memory_space<vmem>>
    %dma_wait3A_566 = tpu.memref_squeeze %dma_wait3A_565 : memref<1x128xi32, #tpu.memory_space<vmem>> -> memref<128xi32, #tpu.memory_space<vmem>>
    %dma_wait3A_567 = arith.constant 0 : i32
    %dma_wait3A_568 = arith.constant 0 : i32
    %dma_wait3A_569 = tpu.memref_slice %arg21[%dma_wait3A_567, %dma_wait3A_568] : memref<10240x64xbf16, #tpu.memory_space<vmem_shared>> -> memref<10240x64xbf16, #tpu.memory_space<vmem_shared>>
    tpu.wait_indirect_dma semaphore(%arg36 : memref<!tpu.dma_semaphore, #tpu.memory_space<semaphore_mem>>) src(%arg13 : memref<128x64xbf16, #tpu.memory_space<vmem>>) dst(%dma_wait3A_569 : memref<10240x64xbf16, #tpu.memory_space<vmem_shared>>)
    %dma_wait3A_570 = arith.constant 75 : i32
    %dma_wait3A_571 = arith.constant 0 : i32
    %dma_wait3A_572 = tpu.memref_slice %arg7[%dma_wait3A_570, %dma_wait3A_571] : memref<80x128xi32, #tpu.memory_space<vmem>> -> memref<1x128xi32, #tpu.memory_space<vmem>>
    %dma_wait3A_573 = tpu.memref_squeeze %dma_wait3A_572 : memref<1x128xi32, #tpu.memory_space<vmem>> -> memref<128xi32, #tpu.memory_space<vmem>>
    %dma_wait3A_574 = arith.constant 0 : i32
    %dma_wait3A_575 = arith.constant 0 : i32
    %dma_wait3A_576 = tpu.memref_slice %arg21[%dma_wait3A_574, %dma_wait3A_575] : memref<10240x64xbf16, #tpu.memory_space<vmem_shared>> -> memref<10240x64xbf16, #tpu.memory_space<vmem_shared>>
    tpu.wait_indirect_dma semaphore(%arg37 : memref<!tpu.dma_semaphore, #tpu.memory_space<semaphore_mem>>) src(%arg14 : memref<128x64xbf16, #tpu.memory_space<vmem>>) dst(%dma_wait3A_576 : memref<10240x64xbf16, #tpu.memory_space<vmem_shared>>)
    %dma_wait3A_577 = arith.constant 76 : i32
    %dma_wait3A_578 = arith.constant 0 : i32
    %dma_wait3A_579 = tpu.memref_slice %arg7[%dma_wait3A_577, %dma_wait3A_578] : memref<80x128xi32, #tpu.memory_space<vmem>> -> memref<1x128xi32, #tpu.memory_space<vmem>>
    %dma_wait3A_580 = tpu.memref_squeeze %dma_wait3A_579 : memref<1x128xi32, #tpu.memory_space<vmem>> -> memref<128xi32, #tpu.memory_space<vmem>>
    %dma_wait3A_581 = arith.constant 0 : i32
    %dma_wait3A_582 = arith.constant 0 : i32
    %dma_wait3A_583 = tpu.memref_slice %arg21[%dma_wait3A_581, %dma_wait3A_582] : memref<10240x64xbf16, #tpu.memory_space<vmem_shared>> -> memref<10240x64xbf16, #tpu.memory_space<vmem_shared>>
    tpu.wait_indirect_dma semaphore(%arg38 : memref<!tpu.dma_semaphore, #tpu.memory_space<semaphore_mem>>) src(%arg15 : memref<128x64xbf16, #tpu.memory_space<vmem>>) dst(%dma_wait3A_583 : memref<10240x64xbf16, #tpu.memory_space<vmem_shared>>)
    %dma_wait3A_584 = arith.constant 77 : i32
    %dma_wait3A_585 = arith.constant 0 : i32
    %dma_wait3A_586 = tpu.memref_slice %arg7[%dma_wait3A_584, %dma_wait3A_585] : memref<80x128xi32, #tpu.memory_space<vmem>> -> memref<1x128xi32, #tpu.memory_space<vmem>>
    %dma_wait3A_587 = tpu.memref_squeeze %dma_wait3A_586 : memref<1x128xi32, #tpu.memory_space<vmem>> -> memref<128xi32, #tpu.memory_space<vmem>>
    %dma_wait3A_588 = arith.constant 0 : i32
    %dma_wait3A_589 = arith.constant 0 : i32
    %dma_wait3A_590 = tpu.memref_slice %arg21[%dma_wait3A_588, %dma_wait3A_589] : memref<10240x64xbf16, #tpu.memory_space<vmem_shared>> -> memref<10240x64xbf16, #tpu.memory_space<vmem_shared>>
    tpu.wait_indirect_dma semaphore(%arg39 : memref<!tpu.dma_semaphore, #tpu.memory_space<semaphore_mem>>) src(%arg16 : memref<128x64xbf16, #tpu.memory_space<vmem>>) dst(%dma_wait3A_590 : memref<10240x64xbf16, #tpu.memory_space<vmem_shared>>)
    %dma_wait3A_591 = arith.constant 78 : i32
    %dma_wait3A_592 = arith.constant 0 : i32
    %dma_wait3A_593 = tpu.memref_slice %arg7[%dma_wait3A_591, %dma_wait3A_592] : memref<80x128xi32, #tpu.memory_space<vmem>> -> memref<1x128xi32, #tpu.memory_space<vmem>>
    %dma_wait3A_594 = tpu.memref_squeeze %dma_wait3A_593 : memref<1x128xi32, #tpu.memory_space<vmem>> -> memref<128xi32, #tpu.memory_space<vmem>>
    %dma_wait3A_595 = arith.constant 0 : i32
    %dma_wait3A_596 = arith.constant 0 : i32
    %dma_wait3A_597 = tpu.memref_slice %arg21[%dma_wait3A_595, %dma_wait3A_596] : memref<10240x64xbf16, #tpu.memory_space<vmem_shared>> -> memref<10240x64xbf16, #tpu.memory_space<vmem_shared>>
    tpu.wait_indirect_dma semaphore(%arg40 : memref<!tpu.dma_semaphore, #tpu.memory_space<semaphore_mem>>) src(%arg17 : memref<128x64xbf16, #tpu.memory_space<vmem>>) dst(%dma_wait3A_597 : memref<10240x64xbf16, #tpu.memory_space<vmem_shared>>)
    %dma_wait3A_598 = arith.constant 79 : i32
    %dma_wait3A_599 = arith.constant 0 : i32
    %dma_wait3A_600 = tpu.memref_slice %arg7[%dma_wait3A_598, %dma_wait3A_599] : memref<80x128xi32, #tpu.memory_space<vmem>> -> memref<1x128xi32, #tpu.memory_space<vmem>>
    %dma_wait3A_601 = tpu.memref_squeeze %dma_wait3A_600 : memref<1x128xi32, #tpu.memory_space<vmem>> -> memref<128xi32, #tpu.memory_space<vmem>>
    %dma_wait3A_602 = arith.constant 0 : i32
    %dma_wait3A_603 = arith.constant 0 : i32
    %dma_wait3A_604 = tpu.memref_slice %arg21[%dma_wait3A_602, %dma_wait3A_603] : memref<10240x64xbf16, #tpu.memory_space<vmem_shared>> -> memref<10240x64xbf16, #tpu.memory_space<vmem_shared>>
    tpu.wait_indirect_dma semaphore(%arg41 : memref<!tpu.dma_semaphore, #tpu.memory_space<semaphore_mem>>) src(%arg18 : memref<128x64xbf16, #tpu.memory_space<vmem>>) dst(%dma_wait3A_604 : memref<10240x64xbf16, #tpu.memory_space<vmem_shared>>)
    %barrier3A_605 = arith.constant 0 : index
    tpu.barrier barrier_id(%barrier3A_605)
    %scan3A_606 = arith.constant 0 : i32
    %scan3A_607 = arith.constant 0 : i32
    %scan3A_608 = arith.constant 10 : i32
    %scan3A_609 = arith.addi %scan3A_607, %scan3A_608 : i32
    %scan3A_610 = arith.constant 1 : i32
    scf.for %scan3A_617 = %scan3A_607 to %scan3A_609 step %scan3A_610  : i32 {
      %mul3A_618 = arith.constant 64 : i32
      %mul3A_619 = arith.muli %scan3A_617, %mul3A_618 : i32
      %add3A_620 = arith.addi %mul3A_2, %mul3A_619 : i32
      "tpu.region"() ({
        %run_scoped3A = tpu.sem_alloc : memref<!tpu.dma_semaphore, #tpu.memory_space<semaphore_mem>>
        %dma_start3A_621 = arith.constant 0 : i32
        %dma_start3A_622 = tpu.memref_slice %arg21[%add3A_620, %dma_start3A_621] : memref<10240x64xbf16, #tpu.memory_space<vmem_shared>> -> memref<64x64xbf16, #tpu.memory_space<vmem_shared>>
        %dma_start3A_623 = arith.constant 0 : i32
        %dma_start3A_624 = tpu.memref_slice %arg21[%add3A_620, %dma_start3A_623] : memref<10240x64xbf16, #tpu.memory_space<vmem_shared>> -> memref<64x64xbf16, #tpu.memory_space<vmem_shared>>
        tpu.enqueue_dma source(%dma_start3A_624 : memref<64x64xbf16, #tpu.memory_space<vmem_shared>>) target(%arg20 : memref<64x64xbf16, #tpu.memory_space<vmem>>) target_semaphore(%run_scoped3A : memref<!tpu.dma_semaphore, #tpu.memory_space<semaphore_mem>>)
        %dma_wait3A_625 = arith.constant 0 : i32
        %dma_wait3A_626 = tpu.memref_slice %arg21[%add3A_620, %dma_wait3A_625] : memref<10240x64xbf16, #tpu.memory_space<vmem_shared>> -> memref<64x64xbf16, #tpu.memory_space<vmem_shared>>
        %dma_wait3A_627 = arith.constant 0 : i32
        %dma_wait3A_628 = tpu.memref_slice %arg21[%add3A_620, %dma_wait3A_627] : memref<10240x64xbf16, #tpu.memory_space<vmem_shared>> -> memref<64x64xbf16, #tpu.memory_space<vmem_shared>>
        tpu.wait_dma2 semaphore(%run_scoped3A : memref<!tpu.dma_semaphore, #tpu.memory_space<semaphore_mem>>) src(%dma_wait3A_628 : memref<64x64xbf16, #tpu.memory_space<vmem_shared>>) dst(%arg20 : memref<64x64xbf16, #tpu.memory_space<vmem>>)
        tpu.yield
      }) : () -> ()
      "tpu.region"() ({
        %run_scoped3A = tpu.sem_alloc : memref<!tpu.dma_semaphore, #tpu.memory_space<semaphore_mem>>
        %dma_start3A_621 = arith.constant 0 : i32
        %dma_start3A_622 = tpu.memref_slice %arg5[%arg0, %add3A_620, %dma_start3A_621] : memref<2x10240x64xbf16, #tpu.memory_space<hbm>> -> memref<1x64x64xbf16, #tpu.memory_space<hbm>>
        %dma_start3A_623 = tpu.memref_squeeze %dma_start3A_622 : memref<1x64x64xbf16, #tpu.memory_space<hbm>> -> memref<64x64xbf16, #tpu.memory_space<hbm>>
        %dma_start3A_624 = arith.constant 0 : i32
        %dma_start3A_625 = tpu.memref_slice %arg5[%arg0, %add3A_620, %dma_start3A_624] : memref<2x10240x64xbf16, #tpu.memory_space<hbm>> -> memref<1x64x64xbf16, #tpu.memory_space<hbm>>
        %dma_start3A_626 = tpu.memref_squeeze %dma_start3A_625 : memref<1x64x64xbf16, #tpu.memory_space<hbm>> -> memref<64x64xbf16, #tpu.memory_space<hbm>>
        tpu.enqueue_dma source(%arg20 : memref<64x64xbf16, #tpu.memory_space<vmem>>) target(%dma_start3A_626 : memref<64x64xbf16, #tpu.memory_space<hbm>>) target_semaphore(%run_scoped3A : memref<!tpu.dma_semaphore, #tpu.memory_space<semaphore_mem>>)
        %dma_wait3A_627 = arith.constant 0 : i32
        %dma_wait3A_628 = tpu.memref_slice %arg5[%arg0, %add3A_620, %dma_wait3A_627] : memref<2x10240x64xbf16, #tpu.memory_space<hbm>> -> memref<1x64x64xbf16, #tpu.memory_space<hbm>>
        %dma_wait3A_629 = tpu.memref_squeeze %dma_wait3A_628 : memref<1x64x64xbf16, #tpu.memory_space<hbm>> -> memref<64x64xbf16, #tpu.memory_space<hbm>>
        %dma_wait3A_630 = arith.constant 0 : i32
        %dma_wait3A_631 = tpu.memref_slice %arg5[%arg0, %add3A_620, %dma_wait3A_630] : memref<2x10240x64xbf16, #tpu.memory_space<hbm>> -> memref<1x64x64xbf16, #tpu.memory_space<hbm>>
        %dma_wait3A_632 = tpu.memref_squeeze %dma_wait3A_631 : memref<1x64x64xbf16, #tpu.memory_space<hbm>> -> memref<64x64xbf16, #tpu.memory_space<hbm>>
        tpu.wait_dma2 semaphore(%run_scoped3A : memref<!tpu.dma_semaphore, #tpu.memory_space<semaphore_mem>>) src(%arg20 : memref<64x64xbf16, #tpu.memory_space<vmem>>) dst(%dma_wait3A_632 : memref<64x64xbf16, #tpu.memory_space<hbm>>)
        tpu.yield
      }) : () -> ()
    }
    %scan3A_611 = arith.constant 10 : i32
    %eq3A_612 = arith.constant 0 : i32
    %eq3A_613 = arith.cmpi eq, %arg0, %eq3A_612 : i32
    %convert_element_type3A_614 = arith.extui %eq3A_613 : i1 to i32
    %cond3A_615 = arith.constant 0 : i32
    %cond3A_616 = arith.cmpi ne, %convert_element_type3A_614, %cond3A_615 : i32
    scf.if %cond3A_616 {
      "tpu.region"() ({
        %run_scoped3A = tpu.sem_alloc : memref<!tpu.dma_semaphore, #tpu.memory_space<semaphore_mem>>
        %dma_start3A_617 = arith.constant 0 : i32
        %dma_start3A_618 = tpu.memref_slice %arg6[%arg1, %dma_start3A_617] : memref<16x10240xf32, #tpu.memory_space<hbm>> -> memref<1x10240xf32, #tpu.memory_space<hbm>>
        %dma_start3A_619 = tpu.memref_squeeze %dma_start3A_618 : memref<1x10240xf32, #tpu.memory_space<hbm>> -> memref<10240xf32, #tpu.memory_space<hbm>>
        %dma_start3A_620 = arith.constant 0 : i32
        %dma_start3A_621 = tpu.memref_slice %arg6[%arg1, %dma_start3A_620] : memref<16x10240xf32, #tpu.memory_space<hbm>> -> memref<1x10240xf32, #tpu.memory_space<hbm>>
        %dma_start3A_622 = tpu.memref_squeeze %dma_start3A_621 : memref<1x10240xf32, #tpu.memory_space<hbm>> -> memref<10240xf32, #tpu.memory_space<hbm>>
        tpu.enqueue_dma source(%arg19 : memref<10240xf32, #tpu.memory_space<vmem>>) target(%dma_start3A_622 : memref<10240xf32, #tpu.memory_space<hbm>>) target_semaphore(%run_scoped3A : memref<!tpu.dma_semaphore, #tpu.memory_space<semaphore_mem>>)
        %dma_wait3A_623 = arith.constant 0 : i32
        %dma_wait3A_624 = tpu.memref_slice %arg6[%arg1, %dma_wait3A_623] : memref<16x10240xf32, #tpu.memory_space<hbm>> -> memref<1x10240xf32, #tpu.memory_space<hbm>>
        %dma_wait3A_625 = tpu.memref_squeeze %dma_wait3A_624 : memref<1x10240xf32, #tpu.memory_space<hbm>> -> memref<10240xf32, #tpu.memory_space<hbm>>
        %dma_wait3A_626 = arith.constant 0 : i32
        %dma_wait3A_627 = tpu.memref_slice %arg6[%arg1, %dma_wait3A_626] : memref<16x10240xf32, #tpu.memory_space<hbm>> -> memref<1x10240xf32, #tpu.memory_space<hbm>>
        %dma_wait3A_628 = tpu.memref_squeeze %dma_wait3A_627 : memref<1x10240xf32, #tpu.memory_space<hbm>> -> memref<10240xf32, #tpu.memory_space<hbm>>
        tpu.wait_dma2 semaphore(%run_scoped3A : memref<!tpu.dma_semaphore, #tpu.memory_space<semaphore_mem>>) src(%arg19 : memref<10240xf32, #tpu.memory_space<vmem>>) dst(%dma_wait3A_628 : memref<10240xf32, #tpu.memory_space<hbm>>)
        tpu.yield
      }) : () -> ()
    } else {
    }
    return
  }
}

module attributes {stable_mosaic.version = 14 : i64} {
  func.func @_mm_body(%arg0: i32, %arg1: i32, %arg2: memref<1000x128xf32, #tpu.memory_space<vmem>>, %arg3: memref<1x64x128xf32, #tpu.memory_space<vmem>>, %arg4: memref<1x1000x64xbf16, #tpu.memory_space<vmem>>) attributes {dimension_semantics = [#tpu.dimension_semantics<arbitrary>, #tpu.dimension_semantics<arbitrary>], iteration_bounds = array<i64: 2, 10>, scalar_prefetch = 0 : i64, scratch_operands = 0 : i64, tpu.core_type = #tpu.core_type<tc>, window_params = [{transform_indices = @transform_0, window_bounds = array<i64: 1000, 128>}, {transform_indices = @transform_1, window_bounds = array<i64: 1, 64, 128>}, {transform_indices = @transform_2, window_bounds = array<i64: 1, 1000, 64>}]} {
    %get3A = arith.constant 0 : index
    %get3A_0 = arith.constant 0 : index
    %get3A_1 = vector.load %arg2[%get3A, %get3A_0] : memref<1000x128xf32, #tpu.memory_space<vmem>>, vector<1000x128xf32>
    %get3A_2 = arith.constant 0 : index
    %get3A_3 = arith.constant 0 : index
    %get3A_4 = arith.constant 0 : index
    %get3A_5 = vector.load %arg3[%get3A_2, %get3A_3, %get3A_4] : memref<1x64x128xf32, #tpu.memory_space<vmem>>, vector<1x64x128xf32>
    %get3A_6 = vector.shape_cast %get3A_5 : vector<1x64x128xf32> to vector<64x128xf32>
    %dot_general3A = arith.constant dense<0.000000e+00> : vector<1000x64xf32>
    %dot_general3A_7 = tpu.matmul %get3A_1, %get3A_6, %dot_general3A {dimension_numbers = #tpu.dot_dimension_numbers<[1], [1], [0], [0], [0, 0, 1, 0], [], []>, transpose_lhs_hint = false} : vector<1000x128xf32>, vector<64x128xf32>, vector<1000x64xf32> -> vector<1000x64xf32>
    %convert_element_type3A = arith.truncf %dot_general3A_7 : vector<1000x64xf32> to vector<1000x64xbf16>
    %swap3A = arith.constant 0 : index
    %swap3A_8 = arith.constant 0 : index
    %swap3A_9 = arith.constant 0 : index
    %swap3A_10 = vector.load %arg4[%swap3A, %swap3A_8, %swap3A_9] : memref<1x1000x64xbf16, #tpu.memory_space<vmem>>, vector<1x1000x64xbf16>
    %swap3A_11 = vector.shape_cast %swap3A_10 : vector<1x1000x64xbf16> to vector<1000x64xbf16>
    %swap3A_12 = vector.shape_cast %convert_element_type3A : vector<1000x64xbf16> to vector<1x1000x64xbf16>
    tpu.vector_store %arg4[%swap3A, %swap3A_8, %swap3A_9], %swap3A_12 {strides = array<i32>} : memref<1x1000x64xbf16, #tpu.memory_space<vmem>>, vector<1x1000x64xbf16>,
    return
  }
  func.func @transform_0(%arg0: i32, %arg1: i32) -> (i32, i32) {
    %c0_i32 = arith.constant 0 : i32
    %c0_i32_0 = arith.constant 0 : i32
    return %arg1, %c0_i32 : i32, i32
  }
  func.func @transform_1(%arg0: i32, %arg1: i32) -> (i32, i32, i32) {
    %c0_i32 = arith.constant 0 : i32
    %c0_i32_0 = arith.constant 0 : i32
    %c0_i32_1 = arith.constant 0 : i32
    return %arg0, %c0_i32, %c0_i32_0 : i32, i32, i32
  }
  func.func @transform_2(%arg0: i32, %arg1: i32) -> (i32, i32, i32) {
    %c0_i32 = arith.constant 0 : i32
    %c0_i32_0 = arith.constant 0 : i32
    return %arg0, %arg1, %c0_i32 : i32, i32, i32
  }
}

module attributes {stable_mosaic.version = 14 : i64} {
  func.func @_cnt_body(%arg0: memref<16x10240xf32, #tpu.memory_space<vmem>>, %arg1: memref<10240x1xf32, #tpu.memory_space<vmem>>) attributes {dimension_semantics = [], scalar_prefetch = 0 : i64, scratch_operands = 0 : i64, tpu.core_type = #tpu.core_type<tc>} {
    %get3A = arith.constant 0 : index
    %get3A_0 = arith.constant 0 : index
    %get3A_1 = vector.load %arg0[%get3A, %get3A_0] : memref<16x10240xf32, #tpu.memory_space<vmem>>, vector<16x10240xf32>
    %reduce_sum3A = arith.constant dense<0.000000e+00> : vector<10240xf32>
    %reduce_sum3A_2 = vector.multi_reduction <add>, %get3A_1, %reduce_sum3A [0] : vector<16x10240xf32> to vector<10240xf32>
    %broadcast_in_dim3A = vector.shape_cast %reduce_sum3A_2 : vector<10240xf32> to vector<10240x1xf32>
    %swap3A = arith.constant 0 : index
    %swap3A_3 = arith.constant 0 : index
    %swap3A_4 = vector.load %arg1[%swap3A, %swap3A_3] : memref<10240x1xf32, #tpu.memory_space<vmem>>, vector<10240x1xf32>
    tpu.vector_store %arg1[%swap3A, %swap3A_3], %broadcast_in_dim3A {strides = array<i32>} : memref<10240x1xf32, #tpu.memory_space<vmem>>, vector<10240x1xf32>,
    return
  }
}

module attributes {stable_mosaic.version = 14 : i64} {
  func.func @_fin_body(%arg0: i32, %arg1: memref<1000x128xf32, #tpu.memory_space<vmem>>, %arg2: memref<128x128xf32, #tpu.memory_space<vmem>>, %arg3: memref<2x1000x64xbf16, #tpu.memory_space<vmem>>, %arg4: memref<1000x1xf32, #tpu.memory_space<vmem>>, %arg5: memref<1000x128xf32, #tpu.memory_space<vmem>>) attributes {dimension_semantics = [#tpu.dimension_semantics<arbitrary>], iteration_bounds = array<i64: 10>, scalar_prefetch = 0 : i64, scratch_operands = 0 : i64, tpu.core_type = #tpu.core_type<tc>, window_params = [{transform_indices = @transform_0, window_bounds = array<i64: 1000, 128>}, {pipeline_mode = #tpu.pipeline_mode<synchronous>, transform_indices = @transform_1, window_bounds = array<i64: 128, 128>}, {transform_indices = @transform_2, window_bounds = array<i64: 2, 1000, 64>}, {transform_indices = @transform_3, window_bounds = array<i64: 1000, 1>}, {transform_indices = @transform_4, window_bounds = array<i64: 1000, 128>}]} {
    %get3A = arith.constant 0 : index
    %get3A_0 = arith.constant 0 : index
    %get3A_1 = vector.load %arg1[%get3A, %get3A_0] : memref<1000x128xf32, #tpu.memory_space<vmem>>, vector<1000x128xf32>
    %get3A_2 = arith.constant 0 : index
    %get3A_3 = arith.constant 0 : index
    %get3A_4 = vector.load %arg2[%get3A_2, %get3A_3] : memref<128x128xf32, #tpu.memory_space<vmem>>, vector<128x128xf32>
    %dot_general3A = arith.constant dense<0.000000e+00> : vector<1000x128xf32>
    %dot_general3A_5 = tpu.matmul %get3A_1, %get3A_4, %dot_general3A {dimension_numbers = #tpu.dot_dimension_numbers<[1], [1], [0], [0], [0, 0, 1, 0], [], []>, transpose_lhs_hint = false} : vector<1000x128xf32>, vector<128x128xf32>, vector<1000x128xf32> -> vector<1000x128xf32>
    %get3A_6 = arith.constant 0 : index
    %get3A_7 = arith.constant 0 : index
    %get3A_8 = arith.constant 0 : index
    %get3A_9 = vector.load %arg3[%get3A_6, %get3A_7, %get3A_8] : memref<2x1000x64xbf16, #tpu.memory_space<vmem>>, vector<1x1000x64xbf16>
    %get3A_10 = vector.shape_cast %get3A_9 : vector<1x1000x64xbf16> to vector<1000x64xbf16>
    %get3A_11 = arith.constant 1 : index
    %get3A_12 = arith.constant 0 : index
    %get3A_13 = arith.constant 0 : index
    %get3A_14 = vector.load %arg3[%get3A_11, %get3A_12, %get3A_13] : memref<2x1000x64xbf16, #tpu.memory_space<vmem>>, vector<1x1000x64xbf16>
    %get3A_15 = vector.shape_cast %get3A_14 : vector<1x1000x64xbf16> to vector<1000x64xbf16>
    %concatenate3A = tpu.concatenate %get3A_10, %get3A_15 in 1 : vector<1000x64xbf16>, vector<1000x64xbf16> -> vector<1000x128xbf16>
    %convert_element_type3A = arith.extf %concatenate3A : vector<1000x128xbf16> to vector<1000x128xf32>
    %get3A_16 = arith.constant 0 : index
    %get3A_17 = arith.constant 0 : index
    %get3A_18 = vector.load %arg4[%get3A_16, %get3A_17] : memref<1000x1xf32, #tpu.memory_space<vmem>>, vector<1000x1xf32>
    %max3A = arith.constant 1.000000e+00 : f32
    %max3A_19 = vector.broadcast %max3A : f32 to vector<1000x1xf32>
    %max3A_20 = arith.maximumf %get3A_18, %max3A_19 : vector<1000x1xf32>
    %div3A = vector.broadcast %max3A_20 : vector<1000x1xf32> to vector<1000x128xf32>
    %div3A_21 = arith.divf %convert_element_type3A, %div3A : vector<1000x128xf32>
    %ge3A = arith.constant 0.000000e+00 : f32
    %ge3A_22 = vector.broadcast %ge3A : f32 to vector<1000x128xf32>
    %ge3A_23 = arith.cmpf oge, %div3A_21, %ge3A_22 : vector<1000x128xf32>
    %mul3A = arith.constant 2.000000e-01 : f32
    %mul3A_24 = vector.broadcast %mul3A : f32 to vector<1000x128xf32>
    %mul3A_25 = arith.mulf %mul3A_24, %div3A_21 : vector<1000x128xf32>
    %select_n3A = arith.select %ge3A_23, %div3A_21, %mul3A_25 : vector<1000x128xi1>, vector<1000x128xf32>
    %add3A = arith.addf %dot_general3A_5, %select_n3A : vector<1000x128xf32>
    %ge3A_26 = arith.constant 0.000000e+00 : f32
    %ge3A_27 = vector.broadcast %ge3A_26 : f32 to vector<1000x128xf32>
    %ge3A_28 = arith.cmpf oge, %add3A, %ge3A_27 : vector<1000x128xf32>
    %mul3A_29 = arith.constant 2.000000e-01 : f32
    %mul3A_30 = vector.broadcast %mul3A_29 : f32 to vector<1000x128xf32>
    %mul3A_31 = arith.mulf %mul3A_30, %add3A : vector<1000x128xf32>
    %select_n3A_32 = arith.select %ge3A_28, %add3A, %mul3A_31 : vector<1000x128xi1>, vector<1000x128xf32>
    %mul3A_33 = arith.mulf %select_n3A_32, %select_n3A_32 : vector<1000x128xf32>
    %reduce_sum3A = arith.constant dense<0.000000e+00> : vector<1000xf32>
    %reduce_sum3A_34 = vector.multi_reduction <add>, %mul3A_33, %reduce_sum3A [1] : vector<1000x128xf32> to vector<1000xf32>
    %broadcast_in_dim3A = vector.shape_cast %reduce_sum3A_34 : vector<1000xf32> to vector<1000x1xf32>
    %sqrt3A = math.sqrt %broadcast_in_dim3A : vector<1000x1xf32>
    %max3A_35 = arith.constant 9.99999996E-13 : f32
    %max3A_36 = vector.broadcast %max3A_35 : f32 to vector<1000x1xf32>
    %max3A_37 = arith.maximumf %sqrt3A, %max3A_36 : vector<1000x1xf32>
    %div3A_38 = vector.broadcast %max3A_37 : vector<1000x1xf32> to vector<1000x128xf32>
    %div3A_39 = arith.divf %select_n3A_32, %div3A_38 : vector<1000x128xf32>
    %swap3A = arith.constant 0 : index
    %swap3A_40 = arith.constant 0 : index
    %swap3A_41 = vector.load %arg5[%swap3A, %swap3A_40] : memref<1000x128xf32, #tpu.memory_space<vmem>>, vector<1000x128xf32>
    tpu.vector_store %arg5[%swap3A, %swap3A_40], %div3A_39 {strides = array<i32>} : memref<1000x128xf32, #tpu.memory_space<vmem>>, vector<1000x128xf32>,
    return
  }
  func.func @transform_0(%arg0: i32) -> (i32, i32) {
    %c0_i32 = arith.constant 0 : i32
    %c0_i32_0 = arith.constant 0 : i32
    return %arg0, %c0_i32 : i32, i32
  }
  func.func @transform_1(%arg0: i32) -> (i32, i32) {
    %c0_i32 = arith.constant 0 : i32
    %c0_i32_0 = arith.constant 0 : i32
    %c0_i32_1 = arith.constant 0 : i32
    return %c0_i32, %c0_i32_0 : i32, i32
  }
  func.func @transform_2(%arg0: i32) -> (i32, i32, i32) {
    %c0_i32 = arith.constant 0 : i32
    %c0_i32_0 = arith.constant 0 : i32
    %c0_i32_1 = arith.constant 0 : i32
    return %c0_i32, %arg0, %c0_i32_0 : i32, i32, i32
  }
  func.func @transform_3(%arg0: i32) -> (i32, i32) {
    %c0_i32 = arith.constant 0 : i32
    %c0_i32_0 = arith.constant 0 : i32
    return %arg0, %c0_i32 : i32, i32
  }
  func.func @transform_4(%arg0: i32) -> (i32, i32) {
    %c0_i32 = arith.constant 0 : i32
    %c0_i32_0 = arith.constant 0 : i32
    return %arg0, %c0_i32 : i32, i32
  }
}

</mosaic_0001>

<sc_bundles>
// kernel: kernel.6.cloned.1.call-start
scs
__scs_entry_jumppad:
0x0: {  	(pc) =	sbr.rel $0x88, $3  }
0x1: {  	(tag) =	ssettag $0x0;
	lr =	simm.s32 $0x1  }
0x2: {  	[smem:$0x3F9D] =	sst lr;
	_ =	strace $0xD0000000  }
0x3: {  	_ = 	snop  }
0x4: {  	_ = 	snop  }
0x5: {  	_ = 	snop  }
0x6: {  	_ = 	snop  }
0x7: {  	_ = 	snop  }
__scs_overlays_trampoline_lowered:
0x8: {  	[smem:$0x3FAC] =	sst s0  }
0x9: {  	[smem:$0x3FAD] =	sst s1  }
0xa: {  	[smem:$0x3FAE] =	sst s2  }
0xb: {  	[smem:$0x3FAF] =	sst s3  }
0xc: {  	[smem:$0x3FB0] =	sst s4  }
0xd: {  	[smem:$0x3FB1] =	sst s5  }
0xe: {  	[smem:$0x3FB2] =	sst s6  }
0xf: {  	[smem:$0x3FB3] =	sst s7  }
0x10: {  	[smem:$0x3FB4] =	sst s8  }
0x11: {  	[smem:$0x3FB5] =	sst s9;
	s0 =	simm.s32 @!p0 $0x0  }
0x12: {  	s1 =	sld [smem:$0x3F9B];
	s0 =	simm.s32 @p0 $0x1  }
0x13: {  	[smem:$0x3FB6] =	sst s0;
	s0 =	simm.s32 @!p1 $0x0  }
0x14: {  	s2 =	sld [smem:$0x3F9A];
	s0 =	simm.s32 @p1 $0x1  }
0x15: {  	[smem:$0x3FB7] =	sst s0;
	s0 =	simm.s32 @!p2 $0x0  }
0x16: {  	s3 =	sld [smem:$0x3FDB];
	s0 =	simm.s32 @p2 $0x1  }
0x17: {  	s4 =	simm.s32 $0x1BF5;
	[smem:$0x3FB9] =	sst s0  }
0x18: {  	s0 =	sld [smem:$0x3F9C];
	_ =	swait.ge [sflag:s4], $0x0  }
0x19: {  	s7 =	sld [smem:$0x3F9D]  }
0x1a: {  	s8 =	sadd.s32 $0xFFFFE003, lr  }
0x1b: {  	s9 =	sadd.s32 $0xFFFFFEF7, lr;
	s5 =	simm.s32 $0xFFFFFFFF;
	p2 =	slt.u32 s8, $0xFFFFF086  }
0x1c: {  	p1 =	slt.u32 s9, $0xF7A;
	s5 =	simm.s32 @!p2 $0x0  }
0x1d: {  	s5 =	simm.s32 @p1 $0x1;
	p0 =	seq.s32 s7, s2  }
0x1e: {  	s7 =	smul.u32 @!p0 $0xF7A, s2;
	p2 =	seq.s32 @!p0 s5, $0x0  }
0x1f: {  	s9 =	smul.u32 $0xF7A, s1;
	s8 =	simm.s32 @!p0 $0x1BF5;
	p2 =	por !p2, p0  }
0x20: {  	[sflag:s8] =	ssyncset.s32 @!p0 $0xFFFFF086;
	s6 =	sadd.s32 @!p0 s3, s7;
	s7 =	simm.s32 @!p0 $0x108  }
0x21: {  	s3 =	sadd.s32 s3, s9;
	s6 =	sadd.s32 @!p0 $0x88, s6;
	s7 =	simm.s32 @p2 $0x1082  }
0x22: {  	[simem:s7], [sflag:s8] =	dma.local @!p0 [hbm:s6], $0xF7A  }
0x23: {  	s9 =	sor.u32 $0xD0000000, s2;
	s6 =	simm.s32 $0x108;
	_ =	swait.ge @!p0 [sflag:s8], $0x0  }
0x24: {  	s3 =	sadd.s32 $0x88, s3;
	s6 =	simm.s32 @!p1 $0x1082;
	[sflag:s4] =	ssyncset.s32 $0xFFFFF086  }
0x25: {  	[simem:s6], [sflag:s4] =	dma.local [hbm:s3], $0xF7A  }
0x26: {  	[smem:$0x3F9D] =	sst s1;
	(tag) =	ssettag s2;
	_ =	strace s9  }
0x27: {  	s1 =	sld [smem:$0x3FAD]  }
0x28: {  	s2 =	sld [smem:$0x3FAE]  }
0x29: {  	s4 =	sld [smem:$0x3FB0]  }
0x2a: {  	p0 =	seq.s32 s5, $0x0;
	s5 =	sld [smem:$0x3FB1]  }
0x2b: {  	s6 =	sld [smem:$0x3FB2]  }
0x2c: {  	s7 =	sld [smem:$0x3FB3]  }
0x2d: {  	s3 =	simm.s32 $0x108;
	s8 =	sld [smem:$0x3FB4]  }
0x2e: {  	s3 =	simm.s32 @!p0 $0x1082;
	s9 =	sld [smem:$0x3FB5]  }
0x2f: {  	lr =	sadd.s32 s0, s3;
	s0 =	sld [smem:$0x3FAC]  }
0x30: {  	s3 =	sld [smem:$0x3FAF]  }
0x31: {  	[smem:$0x3FB8] =	sst s10  }
0x32: {  	s10 =	sld [smem:$0x3FB6];
	_ =	sdelay $0x3  }
0x33: {  	p0 =	seq.s32 s10, $0x1;
	s10 =	sld [smem:$0x3FB8];
	_ =	sdelay $0x3  }
0x34: {  	[smem:$0x3FB8] =	sst s10  }
0x35: {  	s10 =	sld [smem:$0x3FB7];
	_ =	sdelay $0x3  }
0x36: {  	p1 =	seq.s32 s10, $0x1;
	s10 =	sld [smem:$0x3FB8];
	_ =	sdelay $0x3  }
0x37: {  	[smem:$0x3FB8] =	sst s10  }
0x38: {  	s10 =	sld [smem:$0x3FB9]  }
0x39: {  	_ = 	snop;
	(pc) =	sbr.ind lr, $3  }
0x3a: {  	_ = 	snop  }
0x3b: {  	_ = 	snop  }
0x3c: {  	p2 =	seq.s32 s10, $0x1;
	s10 =	sld [smem:$0x3FB8]  }
0x3d: {  	_ =	shalt  }
0x3e: {  	_ =	shalt  }
0x3f: {  	_ =	shalt  }
0x40: {  	_ =	shalt  }
0x41: {  	_ =	shalt  }
0x42: {  	_ =	shalt  }
0x43: {  	_ =	shalt  }
0x44: {  	_ =	shalt  }
0x45: {  	_ =	shalt  }
0x46: {  	_ =	shalt  }
0x47: {  	_ =	shalt  }
0x48: {  	_ =	shalt  }
0x49: {  	_ =	shalt  }
0x4a: {  	_ =	shalt  }
0x4b: {  	_ =	shalt  }
0x4c: {  	_ =	shalt  }
0x4d: {  	_ =	shalt  }
0x4e: {  	_ =	shalt  }
0x4f: {  	_ =	shalt  }
0x50: {  	_ =	shalt  }
0x51: {  	_ =	shalt  }
0x52: {  	_ =	shalt  }
0x53: {  	_ =	shalt  }
0x54: {  	_ =	shalt  }
0x55: {  	_ =	shalt  }
0x56: {  	_ =	shalt  }
0x57: {  	_ =	shalt  }
0x58: {  	_ =	shalt  }
0x59: {  	_ =	shalt  }
0x5a: {  	_ =	shalt  }
0x5b: {  	_ =	shalt  }
0x5c: {  	_ =	shalt  }
0x5d: {  	_ =	shalt  }
0x5e: {  	_ =	shalt  }
0x5f: {  	_ =	shalt  }
0x60: {  	_ =	shalt  }
0x61: {  	_ =	shalt  }
0x62: {  	_ =	shalt  }
0x63: {  	_ =	shalt  }
0x64: {  	_ =	shalt  }
0x65: {  	_ =	shalt  }
0x66: {  	_ =	shalt  }
0x67: {  	_ =	shalt  }
0x68: {  	_ =	shalt  }
0x69: {  	_ =	shalt  }
0x6a: {  	_ =	shalt  }
0x6b: {  	_ =	shalt  }
0x6c: {  	_ =	shalt  }
0x6d: {  	_ =	shalt  }
0x6e: {  	_ =	shalt  }
0x6f: {  	_ =	shalt  }
0x70: {  	_ =	shalt  }
0x71: {  	_ =	shalt  }
0x72: {  	_ =	shalt  }
0x73: {  	_ =	shalt  }
0x74: {  	_ =	shalt  }
0x75: {  	_ =	shalt  }
0x76: {  	_ =	shalt  }
0x77: {  	_ =	shalt  }
0x78: {  	_ =	shalt  }
0x79: {  	_ =	shalt  }
0x7a: {  	_ =	shalt  }
0x7b: {  	_ =	shalt  }
0x7c: {  	_ =	shalt  }
0x7d: {  	_ =	shalt  }
0x7e: {  	_ =	shalt  }
0x7f: {  	_ =	shalt  }
0x80: {  	_ =	shalt  }
0x81: {  	_ =	shalt  }
0x82: {  	_ =	shalt  }
0x83: {  	_ =	shalt  }
0x84: {  	_ =	shalt  }
0x85: {  	_ =	shalt  }
0x86: {  	_ =	shalt  }
0x87: {  	_ =	shalt  }
.Lfunc_end0:
.L_simem_size_0:
called_computation_lowered:
.L_overlay_start_0:
0x88: {  	s2 =	sld [smem:$0x3FD9]  }
0x89: {  	s3 =	sld [smem:$0x3FFE];
	_ =	sdelay $0x1  }
0x8a: {  	s1 =	srdreg.scid  }
0x8b: {  	s0 =	sand.u32 $0x1, s1  }
0x8c: {  	s17 =	sshll.u32 s0, $0xA;
	s2 =	sadd.s32 s3, s2  }
0x8d: {  	s2 =	sadd.s32 s2, s17  }
0x8e: {  	[smem:$0x3FC4] =	sst s2  }
0x8f: {  	_ = 	snop  }
0x90: {  	s2 =	sld [smem:$0x3FD0];
	(tm) =	ssettm $0x1  }
0x91: {  	s18 =	sld [smem:$0x3FFB];
	_ =	sdelay $0x3  }
0x92: {  	_ =	strace s18  }
0x93: {  	s3 =	sld [smem:$0x3FFC];
	_ =	sdelay $0x3  }
0x94: {  	_ =	strace s3  }
0x95: {  	s3 =	sld [smem:$0x3FFD];
	_ =	sdelay $0x3  }
0x96: {  	_ =	strace s3  }
0x97: {  	_ =	strace $0x8FFFFFFF  }
0x98: {  	s19 =	sld [smem:$0x3FDB];
	_ =	sdelay $0x1  }
0x99: {  	s4 =	simm.s32 $_scs_section_size  }
0x9a: {  	s5 =	simm.s32 $_size__tile_overlayer_lowered;
	s6 =	simm.s32 $_tile_overlayer_lowered  }
0x9b: {  	s22 =	simm.s32 $0x1BFF;
	s21 =	sshll.u32 s6, $0x1;
	s3 =	sadd.s32 s4, s19  }
0x9c: {  	s7 =	simm.s32 $0x0;
	s20 =	sshll.u32 s5, $0x1;
	s5 =	sadd.s32 s21, s3  }
0x9d: {  	[timem:s7], [sflag:s22] =	dma.local [hbm:s5], s20  }
0x9e: {  	_ =	swait.ge [sflag:s22], s20  }
0x9f: {  	s4 =	ssub.s32 $0x0, s20;
	[sflag:s22] =	ssyncset.done $0x0  }
0xa0: {  	[sflag:s22] =	ssyncadd.s32 s4;
	_ =	sdelay $0x1  }
0xa1: {  	s23 =	simm.s32 $0x1B8B  }
0xa2: {  	_ =	swait.ge [sflag:s23], $0x1  }
0xa3: {  	[sflag:s23] =	ssyncset.done $0x0  }
0xa4: {  	s25 =	simm.s32 $0x1B8E;
	s24 =	sld [smem:$0x3FFE];
	[sflag:s23] =	ssyncadd.s32 $0xFFFFFFFF  }
0xa5: {  	s26 =	simm.s32 $execute0_lowered;
	[smem:$0x3FD2] =	sst s25  }
0xa6: {  	s5 =	sshll.u32 s26, $0x1;
	_ =	strace $0x80000046;
	[dreg:$0x1] =	wrdreg $0xFFFFFFFF  }
0xa7: {  	s28 =	simm.s32 $_size_execute0_lowered;
	s3 =	sadd.s32 s3, s5;
	[dreg:$0x0] =	wrdreg $0x0  }
0xa8: {  	s5 =	sshll.u32 s28, $0x1;
	[dreg:$0x2] =	wrdreg s3  }
0xa9: {  	[dreg:$0x3] =	wrdreg s5  }
0xaa: {  	[dreg:$0x4] =	wrdreg $0xC0  }
0xab: {  	_ =	task [dreg:s7], $0x5FFFF  }
0xac: {  	[dreg:$0x1] =	wrdreg $0xFFFFFFFF  }
0xad: {  	[dreg:$0x0] =	wrdreg $0x60  }
0xae: {  	[dreg:$0x2] =	wrdreg s24  }
0xaf: {  	[dreg:$0x3] =	wrdreg s2  }
0xb0: {  	[dreg:$0x4] =	wrdreg $0x120000  }
0xb1: {  	[dreg:$0x5] =	wrdreg $0x9  }
0xb2: {  	_ =	task.clear_ibuf [dreg:s7], $0x6FFFF;
	_ =	strace $0x90000046  }
0xb3: {  	s29 =	simm.s32 $0x9;
	_ =	strace $0x80000048  }
0xb4: {  	_ =	swait.ge [sflag:s29], $0x1  }
0xb5: {  	[sflag:s29] =	ssyncadd.s32 $0xFFFFFFFF  }
0xb6: {  	_ =	strace $0x90000048  }
0xb7: {  	_ =	sfence  }
0xb8: {  	s30 =	sld [smem:$0x0];
	_ =	sdelay $0x2  }
0xb9: {  	s31 =	sshll.u32 s1, $0xD;
	s1 =	sshrl.u32 s1, $0x2  }
0xba: {  	s3 =	sand.u32 $0x4000, s31;
	s1 =	sadd.s32 s1, s30  }
0xbb: {  	s0 =	sor.u32 s3, s0;
	s1 =	sshll.u32 s1, $0x11  }
0xbc: {  	s0 =	sor.u32 s1, s0  }
0xbd: {  	s0 =	sadd.s32 $0x8F2B, s0  }
0xbe: {  	[sflag:s0] =	ssyncadd.remote.s32 $0x1  }
0xbf: {  	_ =	sfence.sel $0xFFFF  }
0xc0: {  	[dreg:$0x0] =	wrdreg $0xFFFFFFFF;
	(pc) =	sbr.abs _section_cstart, $3  }
0xc1: {  	[dreg:$0x1] =	wrdreg $0xFFFFFFFF  }
0xc2: {  	_ =	task.clear_ibuf [dreg:s7], $0x2FFFF;
	_ =	strace $0x9FFFFFFF  }
0xc3: {  	(tm) =	ssettm $0x7FFFFFFF  }
tec
execute0_lowered:
.L_overlay_start_1:
0x0: {  	(tag) =	ssettag $0x1  }
0x1: {  	s0 =	rddreg [dreg:$0x0];
	s18 =	stileid.u32  }
0x2: {  	s3 =	rddreg [dreg:$0x1];
	s4 =	smul.u32 $0x5000, s18  }
0x3: {  	s1 =	srdreg.scid;
	s2 =	simm.s32 $0x0;
	s24 =	smul.u32 $0x14000, s18  }
0x4: {  	s30 =	simm.s32 $0xB000;
	s1 =	sand.u32 $0x1, s1;
	s25 =	smul.u32 $0x500, s18  }
0x5: {  	[smem:$0x7FF] =	sst s2;
	s5 =	sadd.s32 $0x14400, s0;
	s8 =	smul.u32 $0x50000, s1  }
0x6: {  	s9 =	sadd.s32 $0x1E400, s0;
	s26 =	ssub.s32 $0x2, s1;
	s10 =	smul.u32 $0xA0000, s1  }
0x7: {  	p0 =	sne.s32 s1, $0x0;
	s6 =	sshrl.u32 s26, $0x1;
	s7 =	sshrl.u32 s4, $0x3  }
0x8: {  	s2 =	ssub.s32 s26, s6;
	s28 =	sadd.s32 s5, s7;
	s31 =	sadd.s32 s4, s8  }
0x9: {  	s4 =	sadd.s32 $0x2800, s4;
	s7 =	smul.u32 $0xA000, s18;
	s26 =	sshrl.u32 s24, $0x2  }
0xa: {  	s18 =	sadd.s32 $0xA00, s0;
	[dreg:$0x4] =	wrdreg s28;
	s6 =	sshrl.u32 s31, $0x3  }
0xb: {  	s8 =	sadd.s32 s8, s4;
	s4 =	sshrl.u32 s4, $0x3;
	s31 =	smax.u32 s2, $0x1  }
0xc: {  	s6 =	sadd.s32 s3, s6;
	s8 =	sshrl.u32 s8, $0x3;
	s4 =	sadd.s32 s5, s4  }
0xd: {  	s11 =	sadd.s32 s10, s7;
	s5 =	sadd.s32 $0x2000, s7;
	[dreg:$0x5] =	wrdreg s6  }
0xe: {  	s20 =	sadd.s32 $0x7000, s7;
	[dreg:$0x6] =	wrdreg s4;
	s3 =	sadd.s32 s3, s8  }
0xf: {  	s4 =	sor.u32 $0x1000, s7;
	s13 =	sadd.s32 s10, s5;
	s8 =	sadd.s32 $0x3000, s7  }
0x10: {  	s21 =	sadd.s32 s10, s20;
	[dreg:$0x7] =	wrdreg s3;
	s3 =	sshrl.u32 s11, $0x4  }
0x11: {  	s12 =	sadd.s32 s10, s4;
	s6 =	sshrl.u32 s13, $0x4;
	s15 =	sadd.s32 s10, s8  }
0x12: {  	s11 =	sadd.s32 $0x5000, s7;
	s13 =	sadd.s32 $0x6000, s7;
	s3 =	sadd.s32 s9, s3  }
0x13: {  	s14 =	sadd.s32 s9, s6;
	[dreg:$0x8] =	wrdreg s3;
	s3 =	sshrl.u32 s12, $0x4  }
0x14: {  	s6 =	sadd.s32 $0x4000, s7;
	[dreg:$0xa] =	wrdreg s14;
	s3 =	sadd.s32 s9, s3  }
0x15: {  	s19 =	sadd.s32 s10, s13;
	[dreg:$0x9] =	wrdreg s3;
	s3 =	sshrl.u32 s15, $0x4  }
0x16: {  	s16 =	sadd.s32 s10, s6;
	s12 =	sadd.s32 s10, s11;
	s3 =	sadd.s32 s9, s3  }
0x17: {  	s12 =	sshrl.u32 s12, $0x4;
	[dreg:$0xb] =	wrdreg s3;
	s3 =	sshrl.u32 s16, $0x4  }
0x18: {  	s14 =	sadd.s32 $0x8000, s7;
	s17 =	sadd.s32 s9, s12;
	s3 =	sadd.s32 s9, s3  }
0x19: {  	s15 =	sadd.s32 s10, s14;
	[dreg:$0xc] =	wrdreg s3;
	s3 =	sshrl.u32 s19, $0x4  }
0x1a: {  	[dreg:$0xd] =	wrdreg s17;
	s15 =	sshrl.u32 s15, $0x4;
	s3 =	sadd.s32 s9, s3  }
0x1b: {  	s17 =	sadd.s32 $0x9000, s7;
	[dreg:$0xe] =	wrdreg s3;
	s3 =	sshrl.u32 s21, $0x4  }
0x1c: {  	s23 =	sadd.s32 s10, s17;
	s16 =	rddreg [dreg:$0x2];
	s3 =	sadd.s32 s9, s3  }
0x1d: {  	s22 =	sadd.s32 s9, s15;
	[dreg:$0xf] =	wrdreg s3;
	s3 =	sshrl.u32 s23, $0x4  }
0x1e: {  	s1 =	sshrl.u32 s7, $0x1;
	[dreg:$0x10] =	wrdreg s22;
	s3 =	sadd.s32 s9, s3  }
0x1f: {  	s14 =	sshrl.u32 s14, $0x1;
	[dreg:$0x11] =	wrdreg s3;
	s3 =	sadd.s32 s25, s0  }
0x20: {  	s0 =	sadd.s32 s1, s16;
	_ =	strace $0x80000047;
	[dreg:$0x14] =	wrdreg s31  }
0x21: {  	s15 =	sadd.s32 s14, s16;
	s9 =	sadd.s32 s26, s16;
	[dreg:$0x15] =	wrdreg s0  }
0x22: {  	s29 =	simm.s32 $0x5;
	s21 =	sadd.s32 $0x1000, s9;
	[dreg:$0x1d] =	wrdreg s15  }
0x23: {  	s2 =	sshrl.u32 s4, $0x1;
	s22 =	sadd.s32 $0x1800, s9;
	[smem:$0x7F6] =	sst s21  }
0x24: {  	s12 =	simm.s32 $0xF;
	s23 =	sadd.s32 $0x2000, s9;
	[smem:$0x7F7] =	sst s22  }
0x25: {  	s7 =	sshrl.u32 s6, $0x1;
	s24 =	sadd.s32 $0x2800, s9;
	[smem:$0x7F8] =	sst s23  }
0x26: {  	s6 =	simm.s32 $0x4;
	s25 =	sadd.s32 $0x3000, s9;
	[smem:$0x7F9] =	sst s24  }
0x27: {  	s19 =	sshrl.u32 s17, $0x1;
	s26 =	sadd.s32 $0x3800, s9;
	[smem:$0x7FA] =	sst s25  }
0x28: {  	s28 =	sadd.s32 $0x32400, s3;
	s3 =	sshrl.u32 s5, $0x1;
	[smem:$0x7FB] =	sst s26  }
0x29: {  	s0 =	sadd.s32 s2, s16;
	s5 =	sshrl.u32 s8, $0x1;
	[dreg:$0x12] =	wrdreg s9  }
0x2a: {  	s8 =	sshrl.u32 s11, $0x1;
	s11 =	sshrl.u32 s13, $0x1;
	[dreg:$0x13] =	wrdreg s28  }
0x2b: {  	s13 =	sshrl.u32 s20, $0x1;
	s20 =	sadd.s32 $0x800, s9;
	[dreg:$0x16] =	wrdreg s0  }
0x2c: {  	s31 =	sadd.s32 $0x4800, s9;
	s15 =	simm.s32 $0x80;
	[dreg:$0x1f] =	wrdreg s20  }
0x2d: {  	s22 =	simm.s32 $0x6;
	s4 =	sadd.s32 s3, s16;
	[smem:$0x7FD] =	sst s31  }
0x2e: {  	s26 =	simm.s32 $0xD;
	s0 =	sadd.s32 s5, s16;
	[dreg:$0x17] =	wrdreg s4  }
0x2f: {  	s21 =	simm.s32 $0x14;
	s10 =	sadd.s32 s8, s16;
	[dreg:$0x18] =	wrdreg s0  }
0x30: {  	s28 =	sadd.s32 $0x4000, s9;
	s20 =	simm.s32 $0xB;
	[dreg:$0x1a] =	wrdreg s10  }
0x31: {  	s9 =	simm.s32 $0xE;
	s0 =	sadd.s32 s7, s16;
	[smem:$0x7FC] =	sst s28  }
0x32: {  	s8 =	simm.s32 $0x13;
	[dreg:$0x19] =	wrdreg s0;
	s0 =	sadd.s32 s11, s16  }
0x33: {  	s10 =	simm.s32 $0x10;
	[dreg:$0x1b] =	wrdreg s0;
	s0 =	sadd.s32 s13, s16  }
0x34: {  	s11 =	simm.s32 $0x11;
	[dreg:$0x1c] =	wrdreg s0;
	s0 =	sadd.s32 s19, s16  }
0x35: {  	v0 =	vimm.bf16 $0.0e+00;
	v1 =	vimm.f32 $0.0e+00;
	v2 =	vimm.f32 $1.000000000e+00;
	s13 =	simm.s32 $0x12;
	[dreg:$0x1e] =	wrdreg s0;
	s0 =	simm.s32 $0x0  }
.LBB2_1:
0x36: {  	s23 =	simm.s32 $0x0  }
.LBB2_2:
0x37: {  	p1 =	sne.s32 s23, $0x1F80  }
.Ltmp0:
0x38: {  	_ = 	snop;
	(pc) =	sbr.rel @p1 .LBB2_2-.Ltmp0, $4  }
0x39: {  	_ = 	snop  }
0x3a: {  	s25 =	sshra.s32 s23, $0x2  }
0x3b: {  	[tilespmem:s25+$0x11800] =	vst v0  }
0x3c: {  	s23 =	sadd.s32 $0x80, s23;
	[tilespmem:s25+$0x11810] =	vst v0  }
0x3d: {  	s23 =	simm.s32 $0x40;
	s25 =	simm.s32 $0x0;
	s19 =	simm.s32 $0x8  }
.LBB2_4:
0x3e: {  	p1 =	sne.s32 s23, $0x9FC0;
	[tilespmem:s25+$0xF000] =	vst v1;
	s25 =	smov.u32 s23;
	s23 =	sadd.s32 $0x40, s23  }
.Ltmp1:
0x3f: {  	(pc) =	sbr.rel @p1 .LBB2_4-.Ltmp1, $2  }
0x40: {  	_ =	sdelay $0x2  }
0x41: {  	s25 =	sshra.s32 s25, $0x2  }
0x42: {  	[smem:$0x7F5] =	sst s0  }
0x43: {  	[tilespmem:s25+$0xF000] =	vst v1;
	s23 =	rddreg [dreg:$0x12];
	s24 =	simm.s32 $0x11800;
	s0 =	simm.s32 $0x15  }
0x44: {  	[spmem:s23] =	stream.linear.scatter [tilespmem:s24], [sflag:$0x15], $0x800, $0x38;
	[tilespmem:$0x17000] =	vst v63  }
0x45: {  	_ =	swait.ge [sflag:s0], $0x800  }
0x46: {  	[sflag:s0] =	ssyncset.done $0x0  }
0x47: {  	s31 =	rddreg [dreg:$0x1f];
	[sflag:s0] =	ssyncadd.s32 $0xFFFFF800  }
0x48: {  	[spmem:s31] =	stream.linear.scatter [tilespmem:s24], [sflag:$0x15], $0x800, $0x38;
	[tilespmem:$0x17000] =	vst v63  }
0x49: {  	_ =	swait.ge [sflag:s0], $0x800  }
0x4a: {  	s1 =	sld [smem:$0x7F6]  }
0x4b: {  	[sflag:s0] =	ssyncset.done $0x0  }
0x4c: {  	[sflag:s0] =	ssyncadd.s32 $0xFFFFF800  }
0x4d: {  	[spmem:s1] =	stream.linear.scatter [tilespmem:s24], [sflag:$0x15], $0x800, $0x38;
	[tilespmem:$0x17000] =	vst v63  }
0x4e: {  	_ =	swait.ge [sflag:s0], $0x800  }
0x4f: {  	s2 =	sld [smem:$0x7F7]  }
0x50: {  	[sflag:s0] =	ssyncset.done $0x0  }
0x51: {  	[sflag:s0] =	ssyncadd.s32 $0xFFFFF800  }
0x52: {  	[spmem:s2] =	stream.linear.scatter [tilespmem:s24], [sflag:$0x15], $0x800, $0x38;
	[tilespmem:$0x17000] =	vst v63  }
0x53: {  	_ =	swait.ge [sflag:s0], $0x800  }
0x54: {  	s3 =	sld [smem:$0x7F8]  }
0x55: {  	[sflag:s0] =	ssyncset.done $0x0  }
0x56: {  	[sflag:s0] =	ssyncadd.s32 $0xFFFFF800  }
0x57: {  	[spmem:s3] =	stream.linear.scatter [tilespmem:s24], [sflag:$0x15], $0x800, $0x38;
	[tilespmem:$0x17000] =	vst v63  }
0x58: {  	_ =	swait.ge [sflag:s0], $0x800  }
0x59: {  	s4 =	sld [smem:$0x7F9]  }
0x5a: {  	[sflag:s0] =	ssyncset.done $0x0  }
0x5b: {  	[sflag:s0] =	ssyncadd.s32 $0xFFFFF800  }
0x5c: {  	[spmem:s4] =	stream.linear.scatter [tilespmem:s24], [sflag:$0x15], $0x800, $0x38;
	[tilespmem:$0x17000] =	vst v63  }
0x5d: {  	_ =	swait.ge [sflag:s0], $0x800  }
0x5e: {  	s5 =	sld [smem:$0x7FA]  }
0x5f: {  	[sflag:s0] =	ssyncset.done $0x0  }
0x60: {  	[sflag:s0] =	ssyncadd.s32 $0xFFFFF800  }
0x61: {  	[spmem:s5] =	stream.linear.scatter [tilespmem:s24], [sflag:$0x15], $0x800, $0x38;
	[tilespmem:$0x17000] =	vst v63  }
0x62: {  	_ =	swait.ge [sflag:s0], $0x800  }
0x63: {  	s7 =	sld [smem:$0x7FB]  }
0x64: {  	[sflag:s0] =	ssyncset.done $0x0  }
0x65: {  	[sflag:s0] =	ssyncadd.s32 $0xFFFFF800  }
0x66: {  	[spmem:s7] =	stream.linear.scatter [tilespmem:s24], [sflag:$0x15], $0x800, $0x38;
	[tilespmem:$0x17000] =	vst v63  }
0x67: {  	_ =	swait.ge [sflag:s0], $0x800  }
0x68: {  	s14 =	sld [smem:$0x7FC]  }
0x69: {  	[sflag:s0] =	ssyncset.done $0x0  }
0x6a: {  	[sflag:s0] =	ssyncadd.s32 $0xFFFFF800  }
0x6b: {  	[spmem:s14] =	stream.linear.scatter [tilespmem:s24], [sflag:$0x15], $0x800, $0x38;
	[tilespmem:$0x17000] =	vst v63  }
0x6c: {  	_ =	swait.ge [sflag:s0], $0x800  }
0x6d: {  	s17 =	sld [smem:$0x7FD]  }
0x6e: {  	[sflag:s0] =	ssyncset.done $0x0  }
0x6f: {  	[sflag:s0] =	ssyncadd.s32 $0xFFFFF800  }
0x70: {  	[spmem:s17] =	stream.linear.scatter [tilespmem:s24], [sflag:$0x15], $0x800, $0x38;
	[tilespmem:$0x17000] =	vst v63  }
0x71: {  	_ =	swait.ge [sflag:s0], $0x800  }
0x72: {  	[sflag:s0] =	ssyncset.done $0x0  }
0x73: {  	[sflag:s0] =	ssyncadd.s32 $0xFFFFF800  }
0x74: {  	[bflag:$0x0] =	sbarrier.arrive $0xFFFF  }
0x75: {  	s23 =	simm.s32 $0x0;
	s24 =	rddreg [dreg:$0x4]  }
0x76: {  	[tilespmem:s23], [sflag:$0x15] =	stream.linear.gather [hbm4b:s24+s23], $0x2800, $0x38;
	[tilespmem:$0x17000] =	vst v63  }
0x77: {  	_ =	swait.ge [sflag:s0], $0x2800  }
0x78: {  	s28 =	simm.s32 $0x2800;
	[sflag:s0] =	ssyncset.done $0x0  }
.Ltmp2:
0x79: {  	s31 =	rddreg [dreg:$0x5];
	[sflag:s0] =	ssyncadd.s32 $0xFFFFD800;
	(pc) =	sbr.rel @p0 .LBB2_7-.Ltmp2, $4  }
0x7a: {  	[tilespmem:s28], [sflag:$0x15] =	stream.linear.gather [hbm4b:s31+s23], $0x2800, $0x38;
	[tilespmem:$0x17000] =	vst v63  }
0x7b: {  	_ =	swait.ge [sflag:s0], $0x2800  }
0x7c: {  	[sflag:s0] =	ssyncset.done $0x0  }
0x7d: {  	s28 =	simm.s32 $0xF000;
	[sflag:s0] =	ssyncadd.s32 $0xFFFFD800  }
.LBB2_6:
0x7e: {  	s25 =	sshra.s32 s23, $0x2  }
0x7f: {  	v3 =	vld [tilespmem:s25+$0x0];
	_ =	sdelay $0x7  }
0x80: {  	[tilespmem:v3+s28+$0x0] =	vst.idx.add.f32.msk $0xffff, v2  }
0x81: {  	v3 =	vld [tilespmem:s25+$0x10];
	_ =	sdelay $0x7  }
0x82: {  	[tilespmem:v3+s28+$0x0] =	vst.idx.add.f32.msk $0xffff, v2  }
0x83: {  	v3 =	vld [tilespmem:s25+$0x20];
	_ =	sdelay $0x7  }
0x84: {  	[tilespmem:v3+s28+$0x0] =	vst.idx.add.f32.msk $0xffff, v2  }
0x85: {  	v3 =	vld [tilespmem:s25+$0x30];
	_ =	sdelay $0x7  }
0x86: {  	[tilespmem:v3+s28+$0x0] =	vst.idx.add.f32.msk $0xffff, v2  }
0x87: {  	v3 =	vld [tilespmem:s25+$0x40];
	_ =	sdelay $0x7  }
0x88: {  	[tilespmem:v3+s28+$0x0] =	vst.idx.add.f32.msk $0xffff, v2  }
0x89: {  	v3 =	vld [tilespmem:s25+$0x50];
	_ =	sdelay $0x7  }
0x8a: {  	[tilespmem:v3+s28+$0x0] =	vst.idx.add.f32.msk $0xffff, v2  }
0x8b: {  	v3 =	vld [tilespmem:s25+$0x60];
	_ =	sdelay $0x7  }
0x8c: {  	[tilespmem:v3+s28+$0x0] =	vst.idx.add.f32.msk $0xffff, v2  }
0x8d: {  	v3 =	vld [tilespmem:s25+$0x70];
	_ =	sdelay $0x2  }
0x8e: {  	p1 =	sne.s32 s23, $0x9E00  }
.Ltmp3:
0x8f: {  	_ = 	snop;
	(pc) =	sbr.rel @p1 .LBB2_6-.Ltmp3, $2  }
0x90: {  	_ =	sdelay $0x2  }
0x91: {  	s23 =	sadd.s32 $0x200, s23;
	[tilespmem:v3+s28+$0x0] =	vst.idx.add.f32.msk $0xffff, v2  }
.LBB2_7:
0x92: {  	s23 =	simm.s32 $0x2800;
	s5 =	simm.s32 $0x5000  }
0x93: {  	[tilespmem:s5], [sflag:$0x1] =	stream.indirect.gather [hbm4b:s18+s15], $0x20, s23, s15, $0xb8;
	[tilespmem:$0x17000] =	vst v63  }
0x94: {  	s24 =	simm.s32 $0x2880;
	s14 =	simm.s32 $0x6000  }
0x95: {  	[tilespmem:s14], [sflag:$0x2] =	stream.indirect.gather [hbm4b:s18+s15], $0x20, s24, s15, $0xb8;
	[tilespmem:$0x17000] =	vst v63  }
0x96: {  	s25 =	simm.s32 $0x2900;
	s28 =	simm.s32 $0x7000  }
0x97: {  	[tilespmem:s28], [sflag:$0x3] =	stream.indirect.gather [hbm4b:s18+s15], $0x20, s25, s15, $0xb8;
	[tilespmem:$0x17000] =	vst v63  }
0x98: {  	s0 =	simm.s32 $0x2980;
	s31 =	simm.s32 $0x8000  }
0x99: {  	[tilespmem:s31], [sflag:$0x4] =	stream.indirect.gather [hbm4b:s18+s15], $0x20, s0, s15, $0xb8;
	[tilespmem:$0x17000] =	vst v63  }
0x9a: {  	s1 =	simm.s32 $0x2A00;
	s25 =	simm.s32 $0x9000  }
0x9b: {  	[tilespmem:s25], [sflag:$0x5] =	stream.indirect.gather [hbm4b:s18+s15], $0x20, s1, s15, $0xb8;
	[tilespmem:$0x17000] =	vst v63  }
0x9c: {  	s2 =	simm.s32 $0x2A80;
	s3 =	simm.s32 $0xA000;
	s17 =	simm.s32 $0x1  }
0x9d: {  	[tilespmem:s3], [sflag:$0x6] =	stream.indirect.gather [hbm4b:s18+s15], $0x20, s2, s15, $0xb8;
	[tilespmem:$0x17000] =	vst v63  }
0x9e: {  	_ =	swait.ge [sflag:s17], $0x1000  }
0x9f: {  	[sflag:s17] =	ssyncset.done $0x0  }
0xa0: {  	s4 =	simm.s32 $0x0;
	[sflag:s17] =	ssyncadd.s32 $0xFFFFF000  }
0xa1: {  	[spmem:s16] =	stream.indirect.scatter.add.bf16 [tilespmem:s5], [sflag:$0xB], $0x20, s4, s15, $0xb8;
	[tilespmem:$0x17000] =	vst v63  }
0xa2: {  	s7 =	simm.s32 $0x2B00;
	s1 =	simm.s32 $0x2  }
0xa3: {  	[tilespmem:s30], [sflag:$0x7] =	stream.indirect.gather [hbm4b:s18+s15], $0x20, s7, s15, $0xb8;
	[tilespmem:$0x17000] =	vst v63  }
0xa4: {  	_ =	swait.ge [sflag:s1], $0x1000  }
0xa5: {  	[sflag:s1] =	ssyncset.done $0x0  }
0xa6: {  	[sflag:s1] =	ssyncadd.s32 $0xFFFFF000  }
0xa7: {  	[spmem:s16] =	stream.indirect.scatter.add.bf16 [tilespmem:s14], [sflag:$0xC], $0x20, s15, s15, $0xb8;
	[tilespmem:$0x17000] =	vst v63  }
0xa8: {  	s24 =	simm.s32 $0x2B80;
	s30 =	simm.s32 $0xC000;
	s7 =	simm.s32 $0x3  }
0xa9: {  	[tilespmem:s30], [sflag:$0x8] =	stream.indirect.gather [hbm4b:s18+s15], $0x20, s24, s15, $0xb8;
	[tilespmem:$0x17000] =	vst v63  }
0xaa: {  	_ =	swait.ge [sflag:s7], $0x1000  }
0xab: {  	[sflag:s7] =	ssyncset.done $0x0  }
0xac: {  	s0 =	simm.s32 $0x100;
	[sflag:s7] =	ssyncadd.s32 $0xFFFFF000  }
0xad: {  	[spmem:s16] =	stream.indirect.scatter.add.bf16 [tilespmem:s28], [sflag:$0xD], $0x20, s0, s15, $0xb8;
	[tilespmem:$0x17000] =	vst v63  }
0xae: {  	s2 =	simm.s32 $0x2C00;
	s0 =	simm.s32 $0xD000  }
0xaf: {  	[tilespmem:s0], [sflag:$0x9] =	stream.indirect.gather [hbm4b:s18+s15], $0x20, s2, s15, $0xb8;
	[tilespmem:$0x17000] =	vst v63  }
0xb0: {  	_ =	swait.ge [sflag:s6], $0x1000  }
0xb1: {  	[sflag:s6] =	ssyncset.done $0x0  }
0xb2: {  	s24 =	simm.s32 $0x180;
	[sflag:s6] =	ssyncadd.s32 $0xFFFFF000  }
0xb3: {  	[spmem:s16] =	stream.indirect.scatter.add.bf16 [tilespmem:s31], [sflag:$0xE], $0x20, s24, s15, $0xb8;
	[tilespmem:$0x17000] =	vst v63  }
0xb4: {  	s2 =	simm.s32 $0x2C80;
	s24 =	simm.s32 $0xE000  }
0xb5: {  	[tilespmem:s24], [sflag:$0xA] =	stream.indirect.gather [hbm4b:s18+s15], $0x20, s2, s15, $0xb8;
	[tilespmem:$0x17000] =	vst v63  }
0xb6: {  	_ =	swait.ge [sflag:s29], $0x1000  }
0xb7: {  	[sflag:s29] =	ssyncset.done $0x0  }
0xb8: {  	s2 =	simm.s32 $0x200;
	[sflag:s29] =	ssyncadd.s32 $0xFFFFF000  }
0xb9: {  	[spmem:s16] =	stream.indirect.scatter.add.bf16 [tilespmem:s25], [sflag:$0xF], $0x20, s2, s15, $0xb8;
	[tilespmem:$0x17000] =	vst v63  }
0xba: {  	_ =	swait.ge [sflag:s20], $0x1000  }
0xbb: {  	[sflag:s20] =	ssyncset.done $0x0  }
0xbc: {  	s2 =	simm.s32 $0x2D00;
	[sflag:s20] =	ssyncadd.s32 $0xFFFFF000  }
0xbd: {  	[tilespmem:s5], [sflag:$0x1] =	stream.indirect.gather [hbm4b:s18+s15], $0x20, s2, s15, $0xb8;
	[tilespmem:$0x17000] =	vst v63  }
0xbe: {  	_ =	swait.ge [sflag:s22], $0x1000  }
0xbf: {  	[sflag:s22] =	ssyncset.done $0x0  }
0xc0: {  	s2 =	simm.s32 $0x280;
	[sflag:s22] =	ssyncadd.s32 $0xFFFFF000  }
0xc1: {  	[spmem:s16] =	stream.indirect.scatter.add.bf16 [tilespmem:s3], [sflag:$0x10], $0x20, s2, s15, $0xb8;
	[tilespmem:$0x17000] =	vst v63  }
0xc2: {  	s2 =	simm.s32 $0xC  }
0xc3: {  	_ =	swait.ge [sflag:s2], $0x1000  }
0xc4: {  	[sflag:s2] =	ssyncset.done $0x0  }
0xc5: {  	[sflag:s2] =	ssyncadd.s32 $0xFFFFF000;
	s2 =	simm.s32 $0x2D80  }
0xc6: {  	[tilespmem:s14], [sflag:$0x2] =	stream.indirect.gather [hbm4b:s18+s15], $0x20, s2, s15, $0xb8;
	[tilespmem:$0x17000] =	vst v63  }
0xc7: {  	s2 =	simm.s32 $0x7  }
0xc8: {  	_ =	swait.ge [sflag:s2], $0x1000  }
0xc9: {  	[sflag:s2] =	ssyncset.done $0x0  }
0xca: {  	s23 =	simm.s32 $0x300;
	s4 =	simm.s32 $0xB000;
	[sflag:s2] =	ssyncadd.s32 $0xFFFFF000  }
0xcb: {  	[spmem:s16] =	stream.indirect.scatter.add.bf16 [tilespmem:s4], [sflag:$0x11], $0x20, s23, s15, $0xb8;
	[tilespmem:$0x17000] =	vst v63  }
0xcc: {  	_ =	swait.ge [sflag:s26], $0x1000  }
0xcd: {  	[sflag:s26] =	ssyncset.done $0x0  }
0xce: {  	s23 =	simm.s32 $0x2E00;
	[sflag:s26] =	ssyncadd.s32 $0xFFFFF000  }
0xcf: {  	[tilespmem:s28], [sflag:$0x3] =	stream.indirect.gather [hbm4b:s18+s15], $0x20, s23, s15, $0xb8;
	[tilespmem:$0x17000] =	vst v63  }
0xd0: {  	_ =	swait.ge [sflag:s19], $0x1000  }
0xd1: {  	[sflag:s19] =	ssyncset.done $0x0  }
0xd2: {  	[sflag:s19] =	ssyncadd.s32 $0xFFFFF000;
	s19 =	simm.s32 $0x380  }
0xd3: {  	[spmem:s16] =	stream.indirect.scatter.add.bf16 [tilespmem:s30], [sflag:$0x12], $0x20, s19, s15, $0xb8;
	[tilespmem:$0x17000] =	vst v63  }
0xd4: {  	_ =	swait.ge [sflag:s9], $0x1000  }
0xd5: {  	[sflag:s9] =	ssyncset.done $0x0  }
0xd6: {  	s23 =	simm.s32 $0x9;
	s19 =	simm.s32 $0x2E80;
	[sflag:s9] =	ssyncadd.s32 $0xFFFFF000  }
0xd7: {  	[tilespmem:s31], [sflag:$0x4] =	stream.indirect.gather [hbm4b:s18+s15], $0x20, s19, s15, $0xb8;
	[tilespmem:$0x17000] =	vst v63  }
0xd8: {  	_ =	swait.ge [sflag:s23], $0x1000  }
0xd9: {  	[sflag:s23] =	ssyncset.done $0x0  }
0xda: {  	s19 =	simm.s32 $0x400;
	[sflag:s23] =	ssyncadd.s32 $0xFFFFF000  }
0xdb: {  	[spmem:s16] =	stream.indirect.scatter.add.bf16 [tilespmem:s0], [sflag:$0x13], $0x20, s19, s15, $0xb8;
	[tilespmem:$0x17000] =	vst v63  }
0xdc: {  	_ =	swait.ge [sflag:s12], $0x1000  }
0xdd: {  	[sflag:s12] =	ssyncset.done $0x0  }
0xde: {  	s23 =	simm.s32 $0xA;
	s19 =	simm.s32 $0x2F00;
	[sflag:s12] =	ssyncadd.s32 $0xFFFFF000  }
0xdf: {  	[tilespmem:s25], [sflag:$0x5] =	stream.indirect.gather [hbm4b:s18+s15], $0x20, s19, s15, $0xb8;
	[tilespmem:$0x17000] =	vst v63  }
0xe0: {  	_ =	swait.ge [sflag:s23], $0x1000  }
0xe1: {  	[sflag:s23] =	ssyncset.done $0x0  }
0xe2: {  	s25 =	simm.s32 $0x480;
	[sflag:s23] =	ssyncadd.s32 $0xFFFFF000  }
0xe3: {  	[spmem:s16] =	stream.indirect.scatter.add.bf16 [tilespmem:s24], [sflag:$0x14], $0x20, s25, s15, $0xb8;
	[tilespmem:$0x17000] =	vst v63  }
0xe4: {  	_ =	swait.ge [sflag:s10], $0x1000  }
0xe5: {  	[sflag:s10] =	ssyncset.done $0x0  }
0xe6: {  	s19 =	simm.s32 $0x2F80;
	[sflag:s10] =	ssyncadd.s32 $0xFFFFF000  }
0xe7: {  	[tilespmem:s3], [sflag:$0x6] =	stream.indirect.gather [hbm4b:s18+s15], $0x20, s19, s15, $0xb8;
	[tilespmem:$0x17000] =	vst v63  }
0xe8: {  	_ =	swait.ge [sflag:s17], $0x1000  }
0xe9: {  	[sflag:s17] =	ssyncset.done $0x0  }
0xea: {  	s25 =	simm.s32 $0x500;
	[sflag:s17] =	ssyncadd.s32 $0xFFFFF000  }
0xeb: {  	[spmem:s16] =	stream.indirect.scatter.add.bf16 [tilespmem:s5], [sflag:$0xB], $0x20, s25, s15, $0xb8;
	[tilespmem:$0x17000] =	vst v63  }
0xec: {  	_ =	swait.ge [sflag:s11], $0x1000  }
0xed: {  	[sflag:s11] =	ssyncset.done $0x0  }
0xee: {  	s3 =	simm.s32 $0x3000;
	[sflag:s11] =	ssyncadd.s32 $0xFFFFF000  }
0xef: {  	[tilespmem:s4], [sflag:$0x7] =	stream.indirect.gather [hbm4b:s18+s15], $0x20, s3, s15, $0xb8;
	[tilespmem:$0x17000] =	vst v63  }
0xf0: {  	_ =	swait.ge [sflag:s1], $0x1000  }
0xf1: {  	[sflag:s1] =	ssyncset.done $0x0  }
0xf2: {  	s5 =	simm.s32 $0x580;
	[sflag:s1] =	ssyncadd.s32 $0xFFFFF000  }
0xf3: {  	[spmem:s16] =	stream.indirect.scatter.add.bf16 [tilespmem:s14], [sflag:$0xC], $0x20, s5, s15, $0xb8;
	[tilespmem:$0x17000] =	vst v63  }
0xf4: {  	_ =	swait.ge [sflag:s13], $0x1000  }
0xf5: {  	[sflag:s13] =	ssyncset.done $0x0  }
0xf6: {  	s17 =	simm.s32 $0x3080;
	[sflag:s13] =	ssyncadd.s32 $0xFFFFF000  }
0xf7: {  	[tilespmem:s30], [sflag:$0x8] =	stream.indirect.gather [hbm4b:s18+s15], $0x20, s17, s15, $0xb8;
	[tilespmem:$0x17000] =	vst v63  }
0xf8: {  	_ =	swait.ge [sflag:s7], $0x1000  }
0xf9: {  	[sflag:s7] =	ssyncset.done $0x0  }
0xfa: {  	s19 =	simm.s32 $0x600;
	[sflag:s7] =	ssyncadd.s32 $0xFFFFF000  }
0xfb: {  	[spmem:s16] =	stream.indirect.scatter.add.bf16 [tilespmem:s28], [sflag:$0xD], $0x20, s19, s15, $0xb8;
	[tilespmem:$0x17000] =	vst v63  }
0xfc: {  	_ =	swait.ge [sflag:s8], $0x1000  }
0xfd: {  	[sflag:s8] =	ssyncset.done $0x0  }
0xfe: {  	s25 =	simm.s32 $0x3100;
	[sflag:s8] =	ssyncadd.s32 $0xFFFFF000  }
0xff: {  	[tilespmem:s0], [sflag:$0x9] =	stream.indirect.gather [hbm4b:s18+s15], $0x20, s25, s15, $0xb8;
	[tilespmem:$0x17000] =	vst v63  }
0x100: {  	_ =	swait.ge [sflag:s6], $0x1000  }
0x101: {  	[sflag:s6] =	ssyncset.done $0x0  }
0x102: {  	s28 =	simm.s32 $0x680;
	[sflag:s6] =	ssyncadd.s32 $0xFFFFF000  }
0x103: {  	[spmem:s16] =	stream.indirect.scatter.add.bf16 [tilespmem:s31], [sflag:$0xE], $0x20, s28, s15, $0xb8;
	[tilespmem:$0x17000] =	vst v63  }
0x104: {  	_ =	swait.ge [sflag:s21], $0x1000  }
0x105: {  	s23 =	simm.s32 $0x1400;
	[sflag:s21] =	ssyncset.done $0x0  }
0x106: {  	s5 =	simm.s32 $0x5;
	s30 =	simm.s32 $0x3180;
	[sflag:s21] =	ssyncadd.s32 $0xFFFFF000  }
0x107: {  	[tilespmem:s24], [sflag:$0xA] =	stream.indirect.gather [hbm4b:s18+s15], $0x20, s30, s15, $0xb8;
	[tilespmem:$0x17000] =	vst v63  }
0x108: {  	s7 =	simm.s32 $0x9;
	s19 =	simm.s32 $0xA;
	_ =	swait.ge [sflag:s29], $0x1000  }
0x109: {  	s8 =	simm.s32 $0x13;
	s25 =	simm.s32 $0x700;
	[sflag:s29] =	ssyncset.done $0x0  }
0x10a: {  	s31 =	simm.s32 $0x14;
	s21 =	simm.s32 $0x8;
	[sflag:s29] =	ssyncadd.s32 $0xFFFFF000  }
.LBB2_8:
0x10b: {  	s30 =	simm.s32 $0x9000  }
0x10c: {  	[spmem:s16] =	stream.indirect.scatter.add.bf16 [tilespmem:s30], [sflag:$0xF], $0x20, s25, s15, $0xb8;
	[tilespmem:$0x17000] =	vst v63  }
0x10d: {  	s25 =	smov.u32 s23  }
0x10e: {  	p1 =	sne.s32 s23, $0x7800;
	s23 =	sadd.s32 $0x1400, s23;
	_ =	swait.ge [sflag:s20], $0x1000  }
0x10f: {  	s25 =	sshra.s32 s25, $0x2;
	[sflag:s20] =	ssyncset.done $0x0  }
0x110: {  	s28 =	sadd.s32 $0x2D00, s25;
	[sflag:s20] =	ssyncadd.s32 $0xFFFFF000;
	s20 =	simm.s32 $0x5000  }
0x111: {  	[tilespmem:s20], [sflag:$0x1] =	stream.indirect.gather [hbm4b:s18+s15], $0x20, s28, s15, $0xb8;
	[tilespmem:$0x17000] =	vst v63  }
0x112: {  	_ =	swait.ge [sflag:s22], $0x1000  }
0x113: {  	s3 =	simm.s32 $0xA000;
	[sflag:s22] =	ssyncset.done $0x0  }
0x114: {  	s0 =	simm.s32 $0xC;
	s28 =	sadd.s32 $0x280, s25;
	[sflag:s22] =	ssyncadd.s32 $0xFFFFF000  }
0x115: {  	[spmem:s16] =	stream.indirect.scatter.add.bf16 [tilespmem:s3], [sflag:$0x10], $0x20, s28, s15, $0xb8;
	[tilespmem:$0x17000] =	vst v63  }
0x116: {  	_ =	swait.ge [sflag:s0], $0x1000  }
0x117: {  	[sflag:s0] =	ssyncset.done $0x0  }
0x118: {  	s14 =	simm.s32 $0x6000;
	s28 =	sadd.s32 $0x2D80, s25;
	[sflag:s0] =	ssyncadd.s32 $0xFFFFF000  }
0x119: {  	[tilespmem:s14], [sflag:$0x2] =	stream.indirect.gather [hbm4b:s18+s15], $0x20, s28, s15, $0xb8;
	[tilespmem:$0x17000] =	vst v63  }
0x11a: {  	_ =	swait.ge [sflag:s2], $0x1000  }
0x11b: {  	[sflag:s2] =	ssyncset.done $0x0  }
0x11c: {  	s22 =	simm.s32 $0xB000;
	s28 =	sadd.s32 $0x300, s25;
	[sflag:s2] =	ssyncadd.s32 $0xFFFFF000  }
0x11d: {  	[spmem:s16] =	stream.indirect.scatter.add.bf16 [tilespmem:s22], [sflag:$0x11], $0x20, s28, s15, $0xb8;
	[tilespmem:$0x17000] =	vst v63  }
0x11e: {  	_ =	swait.ge [sflag:s26], $0x1000  }
0x11f: {  	[sflag:s26] =	ssyncset.done $0x0  }
0x120: {  	s4 =	simm.s32 $0x7000;
	s28 =	sadd.s32 $0x2E00, s25;
	[sflag:s26] =	ssyncadd.s32 $0xFFFFF000  }
0x121: {  	[tilespmem:s4], [sflag:$0x3] =	stream.indirect.gather [hbm4b:s18+s15], $0x20, s28, s15, $0xb8;
	[tilespmem:$0x17000] =	vst v63  }
0x122: {  	_ =	swait.ge [sflag:s21], $0x1000  }
0x123: {  	[sflag:s21] =	ssyncset.done $0x0  }
0x124: {  	s1 =	simm.s32 $0xC000;
	s28 =	sadd.s32 $0x380, s25;
	[sflag:s21] =	ssyncadd.s32 $0xFFFFF000  }
0x125: {  	[spmem:s16] =	stream.indirect.scatter.add.bf16 [tilespmem:s1], [sflag:$0x12], $0x20, s28, s15, $0xb8;
	[tilespmem:$0x17000] =	vst v63  }
0x126: {  	_ =	swait.ge [sflag:s9], $0x1000  }
0x127: {  	[sflag:s9] =	ssyncset.done $0x0  }
0x128: {  	s0 =	simm.s32 $0x8000;
	s28 =	sadd.s32 $0x2E80, s25;
	[sflag:s9] =	ssyncadd.s32 $0xFFFFF000  }
0x129: {  	[tilespmem:s0], [sflag:$0x4] =	stream.indirect.gather [hbm4b:s18+s15], $0x20, s28, s15, $0xb8;
	[tilespmem:$0x17000] =	vst v63  }
0x12a: {  	_ =	swait.ge [sflag:s7], $0x1000  }
0x12b: {  	[sflag:s7] =	ssyncset.done $0x0  }
0x12c: {  	s24 =	simm.s32 $0xD000;
	s28 =	sadd.s32 $0x400, s25;
	[sflag:s7] =	ssyncadd.s32 $0xFFFFF000  }
0x12d: {  	[spmem:s16] =	stream.indirect.scatter.add.bf16 [tilespmem:s24], [sflag:$0x13], $0x20, s28, s15, $0xb8;
	[tilespmem:$0x17000] =	vst v63  }
0x12e: {  	_ =	swait.ge [sflag:s12], $0x1000  }
0x12f: {  	[sflag:s12] =	ssyncset.done $0x0  }
0x130: {  	s29 =	simm.s32 $0x9000;
	s28 =	sadd.s32 $0x2F00, s25;
	[sflag:s12] =	ssyncadd.s32 $0xFFFFF000  }
0x131: {  	[tilespmem:s30], [sflag:$0x5] =	stream.indirect.gather [hbm4b:s18+s15], $0x20, s28, s15, $0xb8;
	[tilespmem:$0x17000] =	vst v63  }
0x132: {  	_ =	swait.ge [sflag:s19], $0x1000  }
0x133: {  	[sflag:s19] =	ssyncset.done $0x0  }
0x134: {  	s17 =	simm.s32 $0xE000;
	s28 =	sadd.s32 $0x480, s25;
	[sflag:s19] =	ssyncadd.s32 $0xFFFFF000  }
0x135: {  	[spmem:s16] =	stream.indirect.scatter.add.bf16 [tilespmem:s17], [sflag:$0x14], $0x20, s28, s15, $0xb8;
	[tilespmem:$0x17000] =	vst v63  }
0x136: {  	_ =	swait.ge [sflag:s10], $0x1000  }
0x137: {  	[sflag:s10] =	ssyncset.done $0x0  }
0x138: {  	s28 =	sadd.s32 $0x2F80, s25;
	[sflag:s10] =	ssyncadd.s32 $0xFFFFF000  }
0x139: {  	[tilespmem:s3], [sflag:$0x6] =	stream.indirect.gather [hbm4b:s18+s15], $0x20, s28, s15, $0xb8;
	[tilespmem:$0x17000] =	vst v63  }
0x13a: {  	s30 =	simm.s32 $0xA000;
	s3 =	simm.s32 $0x1  }
0x13b: {  	_ =	swait.ge [sflag:s3], $0x1000  }
0x13c: {  	[sflag:s3] =	ssyncset.done $0x0  }
0x13d: {  	s28 =	sadd.s32 $0x500, s25;
	[sflag:s3] =	ssyncadd.s32 $0xFFFFF000  }
0x13e: {  	[spmem:s16] =	stream.indirect.scatter.add.bf16 [tilespmem:s20], [sflag:$0xB], $0x20, s28, s15, $0xb8;
	[tilespmem:$0x17000] =	vst v63  }
0x13f: {  	s20 =	simm.s32 $0xB  }
0x140: {  	_ =	swait.ge [sflag:s11], $0x1000  }
0x141: {  	[sflag:s11] =	ssyncset.done $0x0  }
0x142: {  	s28 =	sadd.s32 $0x3000, s25;
	[sflag:s11] =	ssyncadd.s32 $0xFFFFF000  }
0x143: {  	[tilespmem:s22], [sflag:$0x7] =	stream.indirect.gather [hbm4b:s18+s15], $0x20, s28, s15, $0xb8;
	[tilespmem:$0x17000] =	vst v63  }
0x144: {  	s3 =	simm.s32 $0xB000;
	s22 =	simm.s32 $0x6;
	s28 =	simm.s32 $0x2  }
0x145: {  	_ =	swait.ge [sflag:s28], $0x1000  }
0x146: {  	[sflag:s28] =	ssyncset.done $0x0  }
0x147: {  	[sflag:s28] =	ssyncadd.s32 $0xFFFFF000;
	s28 =	sadd.s32 $0x580, s25  }
0x148: {  	[spmem:s16] =	stream.indirect.scatter.add.bf16 [tilespmem:s14], [sflag:$0xC], $0x20, s28, s15, $0xb8;
	[tilespmem:$0x17000] =	vst v63  }
0x149: {  	_ =	swait.ge [sflag:s13], $0x1000  }
0x14a: {  	[sflag:s13] =	ssyncset.done $0x0  }
0x14b: {  	s28 =	sadd.s32 $0x3080, s25;
	[sflag:s13] =	ssyncadd.s32 $0xFFFFF000  }
0x14c: {  	[tilespmem:s1], [sflag:$0x8] =	stream.indirect.gather [hbm4b:s18+s15], $0x20, s28, s15, $0xb8;
	[tilespmem:$0x17000] =	vst v63  }
0x14d: {  	s14 =	simm.s32 $0xC000;
	s1 =	simm.s32 $0x3  }
0x14e: {  	_ =	swait.ge [sflag:s1], $0x1000  }
0x14f: {  	[sflag:s1] =	ssyncset.done $0x0  }
0x150: {  	s28 =	sadd.s32 $0x600, s25;
	[sflag:s1] =	ssyncadd.s32 $0xFFFFF000  }
0x151: {  	[spmem:s16] =	stream.indirect.scatter.add.bf16 [tilespmem:s4], [sflag:$0xD], $0x20, s28, s15, $0xb8;
	[tilespmem:$0x17000] =	vst v63  }
0x152: {  	_ =	swait.ge [sflag:s8], $0x1000  }
0x153: {  	[sflag:s8] =	ssyncset.done $0x0  }
0x154: {  	s1 =	simm.s32 $0xD000;
	s28 =	sadd.s32 $0x3100, s25;
	[sflag:s8] =	ssyncadd.s32 $0xFFFFF000  }
0x155: {  	[tilespmem:s24], [sflag:$0x9] =	stream.indirect.gather [hbm4b:s18+s15], $0x20, s28, s15, $0xb8;
	[tilespmem:$0x17000] =	vst v63  }
0x156: {  	_ =	swait.ge [sflag:s6], $0x1000  }
0x157: {  	[sflag:s6] =	ssyncset.done $0x0  }
0x158: {  	s28 =	sadd.s32 $0x680, s25;
	[sflag:s6] =	ssyncadd.s32 $0xFFFFF000  }
0x159: {  	[spmem:s16] =	stream.indirect.scatter.add.bf16 [tilespmem:s0], [sflag:$0xE], $0x20, s28, s15, $0xb8;
	[tilespmem:$0x17000] =	vst v63  }
0x15a: {  	_ =	swait.ge [sflag:s31], $0x1000  }
0x15b: {  	s4 =	simm.s32 $0xE000;
	[sflag:s31] =	ssyncset.done $0x0  }
.Ltmp4:
0x15c: {  	s28 =	sadd.s32 $0x3180, s25;
	[sflag:s31] =	ssyncadd.s32 $0xFFFFF000;
	(pc) =	sbr.rel @p1 .LBB2_8-.Ltmp4, $4  }
0x15d: {  	[tilespmem:s17], [sflag:$0xA] =	stream.indirect.gather [hbm4b:s18+s15], $0x20, s28, s15, $0xb8;
	[tilespmem:$0x17000] =	vst v63  }
0x15e: {  	_ =	swait.ge [sflag:s5], $0x1000  }
0x15f: {  	[sflag:s5] =	ssyncset.done $0x0  }
0x160: {  	s25 =	sadd.s32 $0x700, s25;
	[sflag:s5] =	ssyncadd.s32 $0xFFFFF000  }
0x161: {  	[spmem:s16] =	stream.indirect.scatter.add.bf16 [tilespmem:s29], [sflag:$0xF], $0x20, s25, s15, $0xb8;
	[tilespmem:$0x17000] =	vst v63  }
0x162: {  	_ =	swait.ge [sflag:s22], $0x1000  }
0x163: {  	[sflag:s22] =	ssyncset.done $0x0  }
0x164: {  	s0 =	simm.s32 $0x2580;
	[sflag:s22] =	ssyncadd.s32 $0xFFFFF000  }
0x165: {  	[spmem:s16] =	stream.indirect.scatter.add.bf16 [tilespmem:s30], [sflag:$0x10], $0x20, s0, s15, $0xb8;
	[tilespmem:$0x17000] =	vst v63  }
0x166: {  	_ =	swait.ge [sflag:s2], $0x1000  }
0x167: {  	[sflag:s2] =	ssyncset.done $0x0  }
0x168: {  	s5 =	simm.s32 $0x2600;
	[sflag:s2] =	ssyncadd.s32 $0xFFFFF000  }
0x169: {  	[spmem:s16] =	stream.indirect.scatter.add.bf16 [tilespmem:s3], [sflag:$0x11], $0x20, s5, s15, $0xb8;
	[tilespmem:$0x17000] =	vst v63  }
0x16a: {  	_ =	swait.ge [sflag:s21], $0x1000  }
0x16b: {  	[sflag:s21] =	ssyncset.done $0x0  }
0x16c: {  	s6 =	simm.s32 $0x2680;
	[sflag:s21] =	ssyncadd.s32 $0xFFFFF000  }
0x16d: {  	[spmem:s16] =	stream.indirect.scatter.add.bf16 [tilespmem:s14], [sflag:$0x12], $0x20, s6, s15, $0xb8;
	[tilespmem:$0x17000] =	vst v63  }
0x16e: {  	_ =	swait.ge [sflag:s7], $0x1000  }
0x16f: {  	[sflag:s7] =	ssyncset.done $0x0  }
0x170: {  	s17 =	simm.s32 $0x2700;
	[sflag:s7] =	ssyncadd.s32 $0xFFFFF000  }
0x171: {  	[spmem:s16] =	stream.indirect.scatter.add.bf16 [tilespmem:s1], [sflag:$0x13], $0x20, s17, s15, $0xb8;
	[tilespmem:$0x17000] =	vst v63  }
0x172: {  	_ =	swait.ge [sflag:s19], $0x1000  }
0x173: {  	[sflag:s19] =	ssyncset.done $0x0  }
0x174: {  	s21 =	simm.s32 $0x2780;
	[sflag:s19] =	ssyncadd.s32 $0xFFFFF000  }
0x175: {  	[spmem:s16] =	stream.indirect.scatter.add.bf16 [tilespmem:s4], [sflag:$0x14], $0x20, s21, s15, $0xb8;
	[tilespmem:$0x17000] =	vst v63  }
0x176: {  	_ =	swait.ge [sflag:s20], $0x1000  }
0x177: {  	[sflag:s20] =	ssyncset.done $0x0  }
0x178: {  	s23 =	simm.s32 $0xC;
	[sflag:s20] =	ssyncadd.s32 $0xFFFFF000  }
0x179: {  	_ =	swait.ge [sflag:s23], $0x1000  }
0x17a: {  	[sflag:s23] =	ssyncset.done $0x0  }
0x17b: {  	[sflag:s23] =	ssyncadd.s32 $0xFFFFF000  }
0x17c: {  	_ =	swait.ge [sflag:s26], $0x1000  }
0x17d: {  	[sflag:s26] =	ssyncset.done $0x0  }
0x17e: {  	[sflag:s26] =	ssyncadd.s32 $0xFFFFF000  }
0x17f: {  	_ =	swait.ge [sflag:s9], $0x1000  }
0x180: {  	[sflag:s9] =	ssyncset.done $0x0  }
0x181: {  	[sflag:s9] =	ssyncadd.s32 $0xFFFFF000  }
0x182: {  	_ =	swait.ge [sflag:s12], $0x1000  }
0x183: {  	[sflag:s12] =	ssyncset.done $0x0  }
0x184: {  	[sflag:s12] =	ssyncadd.s32 $0xFFFFF000  }
0x185: {  	_ =	swait.ge [sflag:s10], $0x1000  }
0x186: {  	[sflag:s10] =	ssyncset.done $0x0  }
0x187: {  	[sflag:s10] =	ssyncadd.s32 $0xFFFFF000  }
0x188: {  	_ =	swait.ge [sflag:s11], $0x1000  }
0x189: {  	[sflag:s11] =	ssyncset.done $0x0  }
0x18a: {  	[sflag:s11] =	ssyncadd.s32 $0xFFFFF000  }
0x18b: {  	_ =	swait.ge [sflag:s13], $0x1000  }
0x18c: {  	[sflag:s13] =	ssyncset.done $0x0  }
0x18d: {  	[sflag:s13] =	ssyncadd.s32 $0xFFFFF000  }
0x18e: {  	_ =	swait.ge [sflag:s8], $0x1000  }
0x18f: {  	[sflag:s8] =	ssyncset.done $0x0  }
0x190: {  	[sflag:s8] =	ssyncadd.s32 $0xFFFFF000  }
0x191: {  	_ =	swait.ge [sflag:s31], $0x1000  }
0x192: {  	s29 =	simm.s32 $0x15;
	[sflag:s31] =	ssyncset.done $0x0  }
0x193: {  	s23 =	simm.s32 $0x0;
	s24 =	rddreg [dreg:$0x6];
	[sflag:s31] =	ssyncadd.s32 $0xFFFFF000  }
0x194: {  	[tilespmem:s23], [sflag:$0x15] =	stream.linear.gather [hbm4b:s24+s23], $0x2800, $0x38;
	[tilespmem:$0x17000] =	vst v63  }
0x195: {  	_ =	swait.ge [sflag:s29], $0x2800  }
0x196: {  	s28 =	simm.s32 $0x2800;
	[sflag:s29] =	ssyncset.done $0x0  }
.Ltmp5:
0x197: {  	s31 =	rddreg [dreg:$0x7];
	[sflag:s29] =	ssyncadd.s32 $0xFFFFD800;
	(pc) =	sbr.rel @p0 .LBB2_11-.Ltmp5, $4  }
0x198: {  	[tilespmem:s28], [sflag:$0x15] =	stream.linear.gather [hbm4b:s31+s23], $0x2800, $0x38;
	[tilespmem:$0x17000] =	vst v63  }
0x199: {  	s30 =	simm.s32 $0xB000;
	s0 =	simm.s32 $0x13;
	_ =	swait.ge [sflag:s29], $0x2800  }
0x19a: {  	s7 =	simm.s32 $0x14;
	s1 =	simm.s32 $0xA;
	[sflag:s29] =	ssyncset.done $0x0  }
0x19b: {  	s4 =	simm.s32 $0xC;
	s28 =	simm.s32 $0xF000;
	[sflag:s29] =	ssyncadd.s32 $0xFFFFD800  }
.LBB2_10:
0x19c: {  	s25 =	sshra.s32 s23, $0x2  }
0x19d: {  	v3 =	vld [tilespmem:s25+$0x0];
	_ =	sdelay $0x7  }
0x19e: {  	[tilespmem:v3+s28+$0x0] =	vst.idx.add.f32.msk $0xffff, v2  }
0x19f: {  	v3 =	vld [tilespmem:s25+$0x10];
	_ =	sdelay $0x7  }
0x1a0: {  	[tilespmem:v3+s28+$0x0] =	vst.idx.add.f32.msk $0xffff, v2  }
0x1a1: {  	v3 =	vld [tilespmem:s25+$0x20];
	_ =	sdelay $0x7  }
0x1a2: {  	[tilespmem:v3+s28+$0x0] =	vst.idx.add.f32.msk $0xffff, v2  }
0x1a3: {  	v3 =	vld [tilespmem:s25+$0x30];
	_ =	sdelay $0x7  }
0x1a4: {  	[tilespmem:v3+s28+$0x0] =	vst.idx.add.f32.msk $0xffff, v2  }
0x1a5: {  	v3 =	vld [tilespmem:s25+$0x40];
	_ =	sdelay $0x7  }
0x1a6: {  	[tilespmem:v3+s28+$0x0] =	vst.idx.add.f32.msk $0xffff, v2  }
0x1a7: {  	v3 =	vld [tilespmem:s25+$0x50];
	_ =	sdelay $0x7  }
0x1a8: {  	[tilespmem:v3+s28+$0x0] =	vst.idx.add.f32.msk $0xffff, v2  }
0x1a9: {  	v3 =	vld [tilespmem:s25+$0x60];
	_ =	sdelay $0x7  }
0x1aa: {  	[tilespmem:v3+s28+$0x0] =	vst.idx.add.f32.msk $0xffff, v2  }
0x1ab: {  	v3 =	vld [tilespmem:s25+$0x70];
	_ =	sdelay $0x2  }
0x1ac: {  	p1 =	sne.s32 s23, $0x9E00  }
.Ltmp6:
0x1ad: {  	_ = 	snop;
	(pc) =	sbr.rel @p1 .LBB2_10-.Ltmp6, $2  }
0x1ae: {  	_ =	sdelay $0x2  }
0x1af: {  	s23 =	sadd.s32 $0x200, s23;
	[tilespmem:v3+s28+$0x0] =	vst.idx.add.f32.msk $0xffff, v2  }
.LBB2_11:
0x1b0: {  	s23 =	simm.s32 $0x2800;
	s5 =	simm.s32 $0x5000  }
0x1b1: {  	[tilespmem:s5], [sflag:$0x1] =	stream.indirect.gather [hbm4b:s18+s15], $0x20, s23, s15, $0xb8;
	[tilespmem:$0x17000] =	vst v63  }
0x1b2: {  	s17 =	simm.s32 $0x2880;
	s6 =	simm.s32 $0x6000  }
0x1b3: {  	[tilespmem:s6], [sflag:$0x2] =	stream.indirect.gather [hbm4b:s18+s15], $0x20, s17, s15, $0xb8;
	[tilespmem:$0x17000] =	vst v63  }
0x1b4: {  	s19 =	simm.s32 $0x2900;
	s8 =	simm.s32 $0x7000  }
0x1b5: {  	[tilespmem:s8], [sflag:$0x3] =	stream.indirect.gather [hbm4b:s18+s15], $0x20, s19, s15, $0xb8;
	[tilespmem:$0x17000] =	vst v63  }
0x1b6: {  	s21 =	simm.s32 $0x2980;
	s14 =	simm.s32 $0x8000  }
0x1b7: {  	[tilespmem:s14], [sflag:$0x4] =	stream.indirect.gather [hbm4b:s18+s15], $0x20, s21, s15, $0xb8;
	[tilespmem:$0x17000] =	vst v63  }
0x1b8: {  	s24 =	simm.s32 $0x2A00;
	s28 =	simm.s32 $0x9000  }
0x1b9: {  	[tilespmem:s28], [sflag:$0x5] =	stream.indirect.gather [hbm4b:s18+s15], $0x20, s24, s15, $0xb8;
	[tilespmem:$0x17000] =	vst v63  }
0x1ba: {  	s25 =	simm.s32 $0x2A80;
	s3 =	simm.s32 $0xA000;
	s21 =	simm.s32 $0x1  }
0x1bb: {  	[tilespmem:s3], [sflag:$0x6] =	stream.indirect.gather [hbm4b:s18+s15], $0x20, s25, s15, $0xb8;
	[tilespmem:$0x17000] =	vst v63  }
0x1bc: {  	_ =	swait.ge [sflag:s21], $0x1000  }
0x1bd: {  	[sflag:s21] =	ssyncset.done $0x0  }
0x1be: {  	s31 =	simm.s32 $0x0;
	[sflag:s21] =	ssyncadd.s32 $0xFFFFF000  }
0x1bf: {  	[spmem:s16] =	stream.indirect.scatter.add.bf16 [tilespmem:s5], [sflag:$0xB], $0x20, s31, s15, $0xb8;
	[tilespmem:$0x17000] =	vst v63  }
0x1c0: {  	s2 =	simm.s32 $0x2B00;
	s24 =	simm.s32 $0x2  }
0x1c1: {  	[tilespmem:s30], [sflag:$0x7] =	stream.indirect.gather [hbm4b:s18+s15], $0x20, s2, s15, $0xb8;
	[tilespmem:$0x17000] =	vst v63  }
0x1c2: {  	_ =	swait.ge [sflag:s24], $0x1000  }
0x1c3: {  	[sflag:s24] =	ssyncset.done $0x0  }
0x1c4: {  	[sflag:s24] =	ssyncadd.s32 $0xFFFFF000  }
0x1c5: {  	[spmem:s16] =	stream.indirect.scatter.add.bf16 [tilespmem:s6], [sflag:$0xC], $0x20, s15, s15, $0xb8;
	[tilespmem:$0x17000] =	vst v63  }
0x1c6: {  	s29 =	simm.s32 $0x3;
	s17 =	simm.s32 $0x2B80;
	s19 =	simm.s32 $0xC000  }
0x1c7: {  	[tilespmem:s19], [sflag:$0x8] =	stream.indirect.gather [hbm4b:s18+s15], $0x20, s17, s15, $0xb8;
	[tilespmem:$0x17000] =	vst v63  }
0x1c8: {  	_ =	swait.ge [sflag:s29], $0x1000  }
0x1c9: {  	[sflag:s29] =	ssyncset.done $0x0  }
0x1ca: {  	s30 =	simm.s32 $0x100;
	[sflag:s29] =	ssyncadd.s32 $0xFFFFF000  }
0x1cb: {  	[spmem:s16] =	stream.indirect.scatter.add.bf16 [tilespmem:s8], [sflag:$0xD], $0x20, s30, s15, $0xb8;
	[tilespmem:$0x17000] =	vst v63  }
0x1cc: {  	s31 =	simm.s32 $0x2C00;
	s2 =	simm.s32 $0xD000;
	s30 =	simm.s32 $0x4  }
0x1cd: {  	[tilespmem:s2], [sflag:$0x9] =	stream.indirect.gather [hbm4b:s18+s15], $0x20, s31, s15, $0xb8;
	[tilespmem:$0x17000] =	vst v63  }
0x1ce: {  	_ =	swait.ge [sflag:s30], $0x1000  }
0x1cf: {  	[sflag:s30] =	ssyncset.done $0x0  }
0x1d0: {  	s17 =	simm.s32 $0x180;
	[sflag:s30] =	ssyncadd.s32 $0xFFFFF000  }
0x1d1: {  	[spmem:s16] =	stream.indirect.scatter.add.bf16 [tilespmem:s14], [sflag:$0xE], $0x20, s17, s15, $0xb8;
	[tilespmem:$0x17000] =	vst v63  }
0x1d2: {  	s31 =	simm.s32 $0x2C80;
	s17 =	simm.s32 $0xE000  }
0x1d3: {  	[tilespmem:s17], [sflag:$0xA] =	stream.indirect.gather [hbm4b:s18+s15], $0x20, s31, s15, $0xb8;
	[tilespmem:$0x17000] =	vst v63  }
0x1d4: {  	s31 =	simm.s32 $0x5  }
0x1d5: {  	_ =	swait.ge [sflag:s31], $0x1000  }
0x1d6: {  	[sflag:s31] =	ssyncset.done $0x0  }
0x1d7: {  	s23 =	simm.s32 $0x200;
	[sflag:s31] =	ssyncadd.s32 $0xFFFFF000  }
0x1d8: {  	[spmem:s16] =	stream.indirect.scatter.add.bf16 [tilespmem:s28], [sflag:$0xF], $0x20, s23, s15, $0xb8;
	[tilespmem:$0x17000] =	vst v63  }
0x1d9: {  	_ =	swait.ge [sflag:s20], $0x1000  }
0x1da: {  	[sflag:s20] =	ssyncset.done $0x0  }
0x1db: {  	s23 =	simm.s32 $0x2D00;
	[sflag:s20] =	ssyncadd.s32 $0xFFFFF000  }
0x1dc: {  	[tilespmem:s5], [sflag:$0x1] =	stream.indirect.gather [hbm4b:s18+s15], $0x20, s23, s15, $0xb8;
	[tilespmem:$0x17000] =	vst v63  }
0x1dd: {  	_ =	swait.ge [sflag:s22], $0x1000  }
0x1de: {  	[sflag:s22] =	ssyncset.done $0x0  }
0x1df: {  	s23 =	simm.s32 $0x280;
	[sflag:s22] =	ssyncadd.s32 $0xFFFFF000  }
0x1e0: {  	[spmem:s16] =	stream.indirect.scatter.add.bf16 [tilespmem:s3], [sflag:$0x10], $0x20, s23, s15, $0xb8;
	[tilespmem:$0x17000] =	vst v63  }
0x1e1: {  	_ =	swait.ge [sflag:s4], $0x1000  }
0x1e2: {  	[sflag:s4] =	ssyncset.done $0x0  }
0x1e3: {  	s23 =	simm.s32 $0x7;
	[sflag:s4] =	ssyncadd.s32 $0xFFFFF000;
	s4 =	simm.s32 $0x2D80  }
0x1e4: {  	[tilespmem:s6], [sflag:$0x2] =	stream.indirect.gather [hbm4b:s18+s15], $0x20, s4, s15, $0xb8;
	[tilespmem:$0x17000] =	vst v63  }
0x1e5: {  	_ =	swait.ge [sflag:s23], $0x1000  }
0x1e6: {  	[sflag:s23] =	ssyncset.done $0x0  }
0x1e7: {  	s25 =	simm.s32 $0xB000;
	s4 =	simm.s32 $0x300;
	[sflag:s23] =	ssyncadd.s32 $0xFFFFF000  }
0x1e8: {  	[spmem:s16] =	stream.indirect.scatter.add.bf16 [tilespmem:s25], [sflag:$0x11], $0x20, s4, s15, $0xb8;
	[tilespmem:$0x17000] =	vst v63  }
0x1e9: {  	_ =	swait.ge [sflag:s26], $0x1000  }
0x1ea: {  	[sflag:s26] =	ssyncset.done $0x0  }
0x1eb: {  	s4 =	simm.s32 $0x2E00;
	[sflag:s26] =	ssyncadd.s32 $0xFFFFF000;
	s26 =	simm.s32 $0x8  }
0x1ec: {  	[tilespmem:s8], [sflag:$0x3] =	stream.indirect.gather [hbm4b:s18+s15], $0x20, s4, s15, $0xb8;
	[tilespmem:$0x17000] =	vst v63  }
0x1ed: {  	_ =	swait.ge [sflag:s26], $0x1000  }
0x1ee: {  	[sflag:s26] =	ssyncset.done $0x0  }
0x1ef: {  	s4 =	simm.s32 $0x380;
	[sflag:s26] =	ssyncadd.s32 $0xFFFFF000  }
0x1f0: {  	[spmem:s16] =	stream.indirect.scatter.add.bf16 [tilespmem:s19], [sflag:$0x12], $0x20, s4, s15, $0xb8;
	[tilespmem:$0x17000] =	vst v63  }
0x1f1: {  	_ =	swait.ge [sflag:s9], $0x1000  }
0x1f2: {  	[sflag:s9] =	ssyncset.done $0x0  }
0x1f3: {  	s26 =	simm.s32 $0x9;
	[sflag:s9] =	ssyncadd.s32 $0xFFFFF000;
	s9 =	simm.s32 $0x2E80  }
0x1f4: {  	[tilespmem:s14], [sflag:$0x4] =	stream.indirect.gather [hbm4b:s18+s15], $0x20, s9, s15, $0xb8;
	[tilespmem:$0x17000] =	vst v63  }
0x1f5: {  	_ =	swait.ge [sflag:s26], $0x1000  }
0x1f6: {  	[sflag:s26] =	ssyncset.done $0x0  }
0x1f7: {  	s9 =	simm.s32 $0x400;
	[sflag:s26] =	ssyncadd.s32 $0xFFFFF000  }
0x1f8: {  	[spmem:s16] =	stream.indirect.scatter.add.bf16 [tilespmem:s2], [sflag:$0x13], $0x20, s9, s15, $0xb8;
	[tilespmem:$0x17000] =	vst v63  }
0x1f9: {  	_ =	swait.ge [sflag:s12], $0x1000  }
0x1fa: {  	[sflag:s12] =	ssyncset.done $0x0  }
0x1fb: {  	s26 =	simm.s32 $0x2F00;
	[sflag:s12] =	ssyncadd.s32 $0xFFFFF000  }
0x1fc: {  	[tilespmem:s28], [sflag:$0x5] =	stream.indirect.gather [hbm4b:s18+s15], $0x20, s26, s15, $0xb8;
	[tilespmem:$0x17000] =	vst v63  }
0x1fd: {  	_ =	swait.ge [sflag:s1], $0x1000  }
0x1fe: {  	[sflag:s1] =	ssyncset.done $0x0  }
0x1ff: {  	s4 =	simm.s32 $0x480;
	[sflag:s1] =	ssyncadd.s32 $0xFFFFF000  }
0x200: {  	[spmem:s16] =	stream.indirect.scatter.add.bf16 [tilespmem:s17], [sflag:$0x14], $0x20, s4, s15, $0xb8;
	[tilespmem:$0x17000] =	vst v63  }
0x201: {  	_ =	swait.ge [sflag:s10], $0x1000  }
0x202: {  	[sflag:s10] =	ssyncset.done $0x0  }
0x203: {  	s9 =	simm.s32 $0x2F80;
	[sflag:s10] =	ssyncadd.s32 $0xFFFFF000  }
0x204: {  	[tilespmem:s3], [sflag:$0x6] =	stream.indirect.gather [hbm4b:s18+s15], $0x20, s9, s15, $0xb8;
	[tilespmem:$0x17000] =	vst v63  }
0x205: {  	_ =	swait.ge [sflag:s21], $0x1000  }
0x206: {  	[sflag:s21] =	ssyncset.done $0x0  }
0x207: {  	s10 =	simm.s32 $0x500;
	[sflag:s21] =	ssyncadd.s32 $0xFFFFF000  }
0x208: {  	[spmem:s16] =	stream.indirect.scatter.add.bf16 [tilespmem:s5], [sflag:$0xB], $0x20, s10, s15, $0xb8;
	[tilespmem:$0x17000] =	vst v63  }
0x209: {  	_ =	swait.ge [sflag:s11], $0x1000  }
0x20a: {  	[sflag:s11] =	ssyncset.done $0x0  }
0x20b: {  	s12 =	simm.s32 $0x3000;
	[sflag:s11] =	ssyncadd.s32 $0xFFFFF000  }
0x20c: {  	[tilespmem:s25], [sflag:$0x7] =	stream.indirect.gather [hbm4b:s18+s15], $0x20, s12, s15, $0xb8;
	[tilespmem:$0x17000] =	vst v63  }
0x20d: {  	_ =	swait.ge [sflag:s24], $0x1000  }
0x20e: {  	[sflag:s24] =	ssyncset.done $0x0  }
0x20f: {  	s21 =	simm.s32 $0x580;
	[sflag:s24] =	ssyncadd.s32 $0xFFFFF000  }
0x210: {  	[spmem:s16] =	stream.indirect.scatter.add.bf16 [tilespmem:s6], [sflag:$0xC], $0x20, s21, s15, $0xb8;
	[tilespmem:$0x17000] =	vst v63  }
0x211: {  	_ =	swait.ge [sflag:s13], $0x1000  }
0x212: {  	[sflag:s13] =	ssyncset.done $0x0  }
0x213: {  	s24 =	simm.s32 $0x3080;
	[sflag:s13] =	ssyncadd.s32 $0xFFFFF000  }
0x214: {  	[tilespmem:s19], [sflag:$0x8] =	stream.indirect.gather [hbm4b:s18+s15], $0x20, s24, s15, $0xb8;
	[tilespmem:$0x17000] =	vst v63  }
0x215: {  	_ =	swait.ge [sflag:s29], $0x1000  }
0x216: {  	[sflag:s29] =	ssyncset.done $0x0  }
0x217: {  	s25 =	simm.s32 $0x600;
	[sflag:s29] =	ssyncadd.s32 $0xFFFFF000  }
0x218: {  	[spmem:s16] =	stream.indirect.scatter.add.bf16 [tilespmem:s8], [sflag:$0xD], $0x20, s25, s15, $0xb8;
	[tilespmem:$0x17000] =	vst v63  }
0x219: {  	_ =	swait.ge [sflag:s0], $0x1000  }
0x21a: {  	[sflag:s0] =	ssyncset.done $0x0  }
0x21b: {  	s26 =	simm.s32 $0x3100;
	[sflag:s0] =	ssyncadd.s32 $0xFFFFF000  }
0x21c: {  	[tilespmem:s2], [sflag:$0x9] =	stream.indirect.gather [hbm4b:s18+s15], $0x20, s26, s15, $0xb8;
	[tilespmem:$0x17000] =	vst v63  }
0x21d: {  	_ =	swait.ge [sflag:s30], $0x1000  }
0x21e: {  	s23 =	simm.s32 $0x1400;
	s28 =	simm.s32 $0x680;
	[sflag:s30] =	ssyncset.done $0x0  }
0x21f: {  	s1 =	simm.s32 $0xF;
	s4 =	simm.s32 $0x14;
	[sflag:s30] =	ssyncadd.s32 $0xFFFFF000  }
0x220: {  	[spmem:s16] =	stream.indirect.scatter.add.bf16 [tilespmem:s14], [sflag:$0xE], $0x20, s28, s15, $0xb8;
	[tilespmem:$0x17000] =	vst v63  }
0x221: {  	s9 =	simm.s32 $0x8;
	s10 =	simm.s32 $0xA;
	_ =	swait.ge [sflag:s7], $0x1000  }
0x222: {  	s11 =	simm.s32 $0x10;
	s12 =	simm.s32 $0x9;
	[sflag:s7] =	ssyncset.done $0x0  }
0x223: {  	s21 =	simm.s32 $0x13;
	s30 =	simm.s32 $0x3180;
	[sflag:s7] =	ssyncadd.s32 $0xFFFFF000  }
0x224: {  	[tilespmem:s17], [sflag:$0xA] =	stream.indirect.gather [hbm4b:s18+s15], $0x20, s30, s15, $0xb8;
	[tilespmem:$0x17000] =	vst v63  }
0x225: {  	s13 =	simm.s32 $0x11;
	s19 =	simm.s32 $0xE;
	_ =	swait.ge [sflag:s31], $0x1000  }
0x226: {  	s29 =	simm.s32 $0xC;
	s25 =	simm.s32 $0x700;
	[sflag:s31] =	ssyncset.done $0x0  }
0x227: {  	s7 =	simm.s32 $0xD;
	s17 =	simm.s32 $0x12;
	[sflag:s31] =	ssyncadd.s32 $0xFFFFF000  }
.LBB2_12:
0x228: {  	s3 =	simm.s32 $0x9000  }
0x229: {  	[spmem:s16] =	stream.indirect.scatter.add.bf16 [tilespmem:s3], [sflag:$0xF], $0x20, s25, s15, $0xb8;
	[tilespmem:$0x17000] =	vst v63  }
0x22a: {  	s25 =	smov.u32 s23  }
0x22b: {  	p1 =	sne.s32 s23, $0x7800;
	s23 =	sadd.s32 $0x1400, s23;
	_ =	swait.ge [sflag:s20], $0x1000  }
0x22c: {  	s25 =	sshra.s32 s25, $0x2;
	[sflag:s20] =	ssyncset.done $0x0  }
0x22d: {  	s5 =	simm.s32 $0x5000;
	s28 =	sadd.s32 $0x2D00, s25;
	[sflag:s20] =	ssyncadd.s32 $0xFFFFF000  }
0x22e: {  	[tilespmem:s5], [sflag:$0x1] =	stream.indirect.gather [hbm4b:s18+s15], $0x20, s28, s15, $0xb8;
	[tilespmem:$0x17000] =	vst v63  }
0x22f: {  	_ =	swait.ge [sflag:s22], $0x1000  }
0x230: {  	[sflag:s22] =	ssyncset.done $0x0  }
0x231: {  	s8 =	simm.s32 $0xA000;
	s28 =	sadd.s32 $0x280, s25;
	[sflag:s22] =	ssyncadd.s32 $0xFFFFF000  }
0x232: {  	[spmem:s16] =	stream.indirect.scatter.add.bf16 [tilespmem:s8], [sflag:$0x10], $0x20, s28, s15, $0xb8;
	[tilespmem:$0x17000] =	vst v63  }
0x233: {  	_ =	swait.ge [sflag:s29], $0x1000  }
0x234: {  	s6 =	simm.s32 $0x6000;
	[sflag:s29] =	ssyncset.done $0x0  }
0x235: {  	s0 =	simm.s32 $0x7;
	s28 =	sadd.s32 $0x2D80, s25;
	[sflag:s29] =	ssyncadd.s32 $0xFFFFF000  }
0x236: {  	[tilespmem:s6], [sflag:$0x2] =	stream.indirect.gather [hbm4b:s18+s15], $0x20, s28, s15, $0xb8;
	[tilespmem:$0x17000] =	vst v63  }
0x237: {  	_ =	swait.ge [sflag:s0], $0x1000  }
0x238: {  	[sflag:s0] =	ssyncset.done $0x0  }
0x239: {  	s26 =	simm.s32 $0xB000;
	s28 =	sadd.s32 $0x300, s25;
	[sflag:s0] =	ssyncadd.s32 $0xFFFFF000  }
0x23a: {  	[spmem:s16] =	stream.indirect.scatter.add.bf16 [tilespmem:s26], [sflag:$0x11], $0x20, s28, s15, $0xb8;
	[tilespmem:$0x17000] =	vst v63  }
0x23b: {  	_ =	swait.ge [sflag:s7], $0x1000  }
0x23c: {  	[sflag:s7] =	ssyncset.done $0x0  }
0x23d: {  	s30 =	simm.s32 $0x7000;
	s28 =	sadd.s32 $0x2E00, s25;
	[sflag:s7] =	ssyncadd.s32 $0xFFFFF000  }
0x23e: {  	[tilespmem:s30], [sflag:$0x3] =	stream.indirect.gather [hbm4b:s18+s15], $0x20, s28, s15, $0xb8;
	[tilespmem:$0x17000] =	vst v63  }
0x23f: {  	_ =	swait.ge [sflag:s9], $0x1000  }
0x240: {  	[sflag:s9] =	ssyncset.done $0x0  }
0x241: {  	s14 =	simm.s32 $0xC000;
	s28 =	sadd.s32 $0x380, s25;
	[sflag:s9] =	ssyncadd.s32 $0xFFFFF000  }
0x242: {  	[spmem:s16] =	stream.indirect.scatter.add.bf16 [tilespmem:s14], [sflag:$0x12], $0x20, s28, s15, $0xb8;
	[tilespmem:$0x17000] =	vst v63  }
0x243: {  	_ =	swait.ge [sflag:s19], $0x1000  }
0x244: {  	[sflag:s19] =	ssyncset.done $0x0  }
0x245: {  	s2 =	simm.s32 $0x8000;
	s28 =	sadd.s32 $0x2E80, s25;
	[sflag:s19] =	ssyncadd.s32 $0xFFFFF000  }
0x246: {  	[tilespmem:s2], [sflag:$0x4] =	stream.indirect.gather [hbm4b:s18+s15], $0x20, s28, s15, $0xb8;
	[tilespmem:$0x17000] =	vst v63  }
0x247: {  	_ =	swait.ge [sflag:s12], $0x1000  }
0x248: {  	[sflag:s12] =	ssyncset.done $0x0  }
0x249: {  	s0 =	simm.s32 $0xD000;
	s28 =	sadd.s32 $0x400, s25;
	[sflag:s12] =	ssyncadd.s32 $0xFFFFF000  }
0x24a: {  	[spmem:s16] =	stream.indirect.scatter.add.bf16 [tilespmem:s0], [sflag:$0x13], $0x20, s28, s15, $0xb8;
	[tilespmem:$0x17000] =	vst v63  }
0x24b: {  	_ =	swait.ge [sflag:s1], $0x1000  }
0x24c: {  	[sflag:s1] =	ssyncset.done $0x0  }
0x24d: {  	s31 =	simm.s32 $0x9000;
	s28 =	sadd.s32 $0x2F00, s25;
	[sflag:s1] =	ssyncadd.s32 $0xFFFFF000  }
0x24e: {  	[tilespmem:s3], [sflag:$0x5] =	stream.indirect.gather [hbm4b:s18+s15], $0x20, s28, s15, $0xb8;
	[tilespmem:$0x17000] =	vst v63  }
0x24f: {  	_ =	swait.ge [sflag:s10], $0x1000  }
0x250: {  	[sflag:s10] =	ssyncset.done $0x0  }
0x251: {  	s24 =	simm.s32 $0xE000;
	s28 =	sadd.s32 $0x480, s25;
	[sflag:s10] =	ssyncadd.s32 $0xFFFFF000  }
0x252: {  	[spmem:s16] =	stream.indirect.scatter.add.bf16 [tilespmem:s24], [sflag:$0x14], $0x20, s28, s15, $0xb8;
	[tilespmem:$0x17000] =	vst v63  }
0x253: {  	_ =	swait.ge [sflag:s11], $0x1000  }
0x254: {  	[sflag:s11] =	ssyncset.done $0x0  }
0x255: {  	s28 =	sadd.s32 $0x2F80, s25;
	[sflag:s11] =	ssyncadd.s32 $0xFFFFF000  }
0x256: {  	[tilespmem:s8], [sflag:$0x6] =	stream.indirect.gather [hbm4b:s18+s15], $0x20, s28, s15, $0xb8;
	[tilespmem:$0x17000] =	vst v63  }
0x257: {  	s3 =	simm.s32 $0xA000;
	s8 =	simm.s32 $0x1  }
0x258: {  	_ =	swait.ge [sflag:s8], $0x1000  }
0x259: {  	[sflag:s8] =	ssyncset.done $0x0  }
0x25a: {  	s28 =	sadd.s32 $0x500, s25;
	[sflag:s8] =	ssyncadd.s32 $0xFFFFF000  }
0x25b: {  	[spmem:s16] =	stream.indirect.scatter.add.bf16 [tilespmem:s5], [sflag:$0xB], $0x20, s28, s15, $0xb8;
	[tilespmem:$0x17000] =	vst v63  }
0x25c: {  	_ =	swait.ge [sflag:s13], $0x1000  }
0x25d: {  	s8 =	simm.s32 $0x2;
	[sflag:s13] =	ssyncset.done $0x0  }
0x25e: {  	s28 =	sadd.s32 $0x3000, s25;
	s5 =	simm.s32 $0xB000;
	[sflag:s13] =	ssyncadd.s32 $0xFFFFF000  }
0x25f: {  	[tilespmem:s26], [sflag:$0x7] =	stream.indirect.gather [hbm4b:s18+s15], $0x20, s28, s15, $0xb8;
	[tilespmem:$0x17000] =	vst v63  }
0x260: {  	_ =	swait.ge [sflag:s8], $0x1000  }
0x261: {  	[sflag:s8] =	ssyncset.done $0x0  }
0x262: {  	s28 =	sadd.s32 $0x580, s25;
	[sflag:s8] =	ssyncadd.s32 $0xFFFFF000  }
0x263: {  	[spmem:s16] =	stream.indirect.scatter.add.bf16 [tilespmem:s6], [sflag:$0xC], $0x20, s28, s15, $0xb8;
	[tilespmem:$0x17000] =	vst v63  }
0x264: {  	_ =	swait.ge [sflag:s17], $0x1000  }
0x265: {  	s8 =	simm.s32 $0x3;
	[sflag:s17] =	ssyncset.done $0x0  }
0x266: {  	s28 =	sadd.s32 $0x3080, s25;
	s6 =	simm.s32 $0xC000;
	[sflag:s17] =	ssyncadd.s32 $0xFFFFF000  }
0x267: {  	[tilespmem:s14], [sflag:$0x8] =	stream.indirect.gather [hbm4b:s18+s15], $0x20, s28, s15, $0xb8;
	[tilespmem:$0x17000] =	vst v63  }
0x268: {  	_ =	swait.ge [sflag:s8], $0x1000  }
0x269: {  	[sflag:s8] =	ssyncset.done $0x0  }
0x26a: {  	s28 =	sadd.s32 $0x600, s25;
	[sflag:s8] =	ssyncadd.s32 $0xFFFFF000  }
0x26b: {  	[spmem:s16] =	stream.indirect.scatter.add.bf16 [tilespmem:s30], [sflag:$0xD], $0x20, s28, s15, $0xb8;
	[tilespmem:$0x17000] =	vst v63  }
0x26c: {  	_ =	swait.ge [sflag:s21], $0x1000  }
0x26d: {  	[sflag:s21] =	ssyncset.done $0x0  }
0x26e: {  	s28 =	sadd.s32 $0x3100, s25;
	[sflag:s21] =	ssyncadd.s32 $0xFFFFF000  }
0x26f: {  	[tilespmem:s0], [sflag:$0x9] =	stream.indirect.gather [hbm4b:s18+s15], $0x20, s28, s15, $0xb8;
	[tilespmem:$0x17000] =	vst v63  }
0x270: {  	s8 =	simm.s32 $0xD000;
	s0 =	simm.s32 $0x4  }
0x271: {  	_ =	swait.ge [sflag:s0], $0x1000  }
0x272: {  	[sflag:s0] =	ssyncset.done $0x0  }
0x273: {  	s28 =	sadd.s32 $0x680, s25;
	[sflag:s0] =	ssyncadd.s32 $0xFFFFF000  }
0x274: {  	[spmem:s16] =	stream.indirect.scatter.add.bf16 [tilespmem:s2], [sflag:$0xE], $0x20, s28, s15, $0xb8;
	[tilespmem:$0x17000] =	vst v63  }
0x275: {  	_ =	swait.ge [sflag:s4], $0x1000  }
0x276: {  	s0 =	simm.s32 $0x5;
	s28 =	sadd.s32 $0x3180, s25;
	[sflag:s4] =	ssyncset.done $0x0  }
.Ltmp7:
0x277: {  	s2 =	simm.s32 $0xE000;
	[sflag:s4] =	ssyncadd.s32 $0xFFFFF000;
	(pc) =	sbr.rel @p1 .LBB2_12-.Ltmp7, $4  }
0x278: {  	[tilespmem:s24], [sflag:$0xA] =	stream.indirect.gather [hbm4b:s18+s15], $0x20, s28, s15, $0xb8;
	[tilespmem:$0x17000] =	vst v63  }
0x279: {  	_ =	swait.ge [sflag:s0], $0x1000  }
0x27a: {  	[sflag:s0] =	ssyncset.done $0x0  }
0x27b: {  	s25 =	sadd.s32 $0x700, s25;
	[sflag:s0] =	ssyncadd.s32 $0xFFFFF000  }
0x27c: {  	[spmem:s16] =	stream.indirect.scatter.add.bf16 [tilespmem:s31], [sflag:$0xF], $0x20, s25, s15, $0xb8;
	[tilespmem:$0x17000] =	vst v63  }
0x27d: {  	_ =	swait.ge [sflag:s22], $0x1000  }
0x27e: {  	[sflag:s22] =	ssyncset.done $0x0  }
0x27f: {  	s0 =	simm.s32 $0x2580;
	s23 =	simm.s32 $0x7;
	[sflag:s22] =	ssyncadd.s32 $0xFFFFF000  }
0x280: {  	[spmem:s16] =	stream.indirect.scatter.add.bf16 [tilespmem:s3], [sflag:$0x10], $0x20, s0, s15, $0xb8;
	[tilespmem:$0x17000] =	vst v63  }
0x281: {  	_ =	swait.ge [sflag:s23], $0x1000  }
0x282: {  	[sflag:s23] =	ssyncset.done $0x0  }
0x283: {  	s24 =	simm.s32 $0x2600;
	[sflag:s23] =	ssyncadd.s32 $0xFFFFF000  }
0x284: {  	[spmem:s16] =	stream.indirect.scatter.add.bf16 [tilespmem:s5], [sflag:$0x11], $0x20, s24, s15, $0xb8;
	[tilespmem:$0x17000] =	vst v63  }
0x285: {  	_ =	swait.ge [sflag:s9], $0x1000  }
0x286: {  	[sflag:s9] =	ssyncset.done $0x0  }
0x287: {  	s25 =	simm.s32 $0x2680;
	[sflag:s9] =	ssyncadd.s32 $0xFFFFF000  }
0x288: {  	[spmem:s16] =	stream.indirect.scatter.add.bf16 [tilespmem:s6], [sflag:$0x12], $0x20, s25, s15, $0xb8;
	[tilespmem:$0x17000] =	vst v63  }
0x289: {  	_ =	swait.ge [sflag:s12], $0x1000  }
0x28a: {  	[sflag:s12] =	ssyncset.done $0x0  }
0x28b: {  	s26 =	simm.s32 $0x2700;
	[sflag:s12] =	ssyncadd.s32 $0xFFFFF000  }
0x28c: {  	[spmem:s16] =	stream.indirect.scatter.add.bf16 [tilespmem:s8], [sflag:$0x13], $0x20, s26, s15, $0xb8;
	[tilespmem:$0x17000] =	vst v63  }
0x28d: {  	_ =	swait.ge [sflag:s10], $0x1000  }
0x28e: {  	[sflag:s10] =	ssyncset.done $0x0  }
0x28f: {  	s28 =	simm.s32 $0x2780;
	[sflag:s10] =	ssyncadd.s32 $0xFFFFF000  }
0x290: {  	[spmem:s16] =	stream.indirect.scatter.add.bf16 [tilespmem:s2], [sflag:$0x14], $0x20, s28, s15, $0xb8;
	[tilespmem:$0x17000] =	vst v63  }
0x291: {  	_ =	swait.ge [sflag:s20], $0x1000  }
0x292: {  	[sflag:s20] =	ssyncset.done $0x0  }
0x293: {  	[sflag:s20] =	ssyncadd.s32 $0xFFFFF000  }
0x294: {  	_ =	swait.ge [sflag:s29], $0x1000  }
0x295: {  	[sflag:s29] =	ssyncset.done $0x0  }
0x296: {  	[sflag:s29] =	ssyncadd.s32 $0xFFFFF000  }
0x297: {  	_ =	swait.ge [sflag:s7], $0x1000  }
0x298: {  	[sflag:s7] =	ssyncset.done $0x0  }
0x299: {  	[sflag:s7] =	ssyncadd.s32 $0xFFFFF000  }
0x29a: {  	_ =	swait.ge [sflag:s19], $0x1000  }
0x29b: {  	[sflag:s19] =	ssyncset.done $0x0  }
0x29c: {  	[sflag:s19] =	ssyncadd.s32 $0xFFFFF000  }
0x29d: {  	_ =	swait.ge [sflag:s1], $0x1000  }
0x29e: {  	[sflag:s1] =	ssyncset.done $0x0  }
0x29f: {  	[sflag:s1] =	ssyncadd.s32 $0xFFFFF000  }
0x2a0: {  	_ =	swait.ge [sflag:s11], $0x1000  }
0x2a1: {  	[sflag:s11] =	ssyncset.done $0x0  }
0x2a2: {  	[sflag:s11] =	ssyncadd.s32 $0xFFFFF000  }
0x2a3: {  	_ =	swait.ge [sflag:s13], $0x1000  }
0x2a4: {  	[sflag:s13] =	ssyncset.done $0x0  }
0x2a5: {  	[sflag:s13] =	ssyncadd.s32 $0xFFFFF000  }
0x2a6: {  	_ =	swait.ge [sflag:s17], $0x1000  }
0x2a7: {  	[sflag:s17] =	ssyncset.done $0x0  }
0x2a8: {  	[sflag:s17] =	ssyncadd.s32 $0xFFFFF000  }
0x2a9: {  	_ =	swait.ge [sflag:s21], $0x1000  }
0x2aa: {  	[sflag:s21] =	ssyncset.done $0x0  }
0x2ab: {  	[sflag:s21] =	ssyncadd.s32 $0xFFFFF000  }
0x2ac: {  	_ =	swait.ge [sflag:s4], $0x1000  }
0x2ad: {  	[sflag:s4] =	ssyncset.done $0x0  }
0x2ae: {  	[sflag:s4] =	ssyncadd.s32 $0xFFFFF000  }
0x2af: {  	[bflag:$0x0] =	sbarrier.arrive $0xFFFF  }
0x2b0: {  	s28 =	simm.s32 $0x11800;
	s23 =	rddreg [dreg:$0x15]  }
0x2b1: {  	[tilespmem:s28], [sflag:$0x15] =	stream.linear.gather [spmem:s23], $0x800, $0x38;
	[tilespmem:$0x17000] =	vst v63  }
0x2b2: {  	s23 =	simm.s32 $0x15  }
0x2b3: {  	_ =	swait.ge [sflag:s23], $0x800  }
0x2b4: {  	[sflag:s23] =	ssyncset.done $0x0  }
0x2b5: {  	s31 =	simm.s32 $0x0;
	s1 =	rddreg [dreg:$0x8];
	[sflag:s23] =	ssyncadd.s32 $0xFFFFF800  }
0x2b6: {  	[hbm4b:s1+s31] =	stream.linear.scatter [tilespmem:s28], [sflag:$0x15], $0x800, $0x38;
	[tilespmem:$0x17000] =	vst v63  }
0x2b7: {  	_ =	swait.ge [sflag:s23], $0x800  }
0x2b8: {  	[sflag:s23] =	ssyncset.done $0x0  }
0x2b9: {  	s2 =	rddreg [dreg:$0x16];
	[sflag:s23] =	ssyncadd.s32 $0xFFFFF800  }
0x2ba: {  	[tilespmem:s28], [sflag:$0x15] =	stream.linear.gather [spmem:s2], $0x800, $0x38;
	[tilespmem:$0x17000] =	vst v63  }
0x2bb: {  	_ =	swait.ge [sflag:s23], $0x800  }
0x2bc: {  	[sflag:s23] =	ssyncset.done $0x0  }
0x2bd: {  	s3 =	rddreg [dreg:$0x9];
	[sflag:s23] =	ssyncadd.s32 $0xFFFFF800  }
0x2be: {  	[hbm4b:s3+s31] =	stream.linear.scatter [tilespmem:s28], [sflag:$0x15], $0x800, $0x38;
	[tilespmem:$0x17000] =	vst v63  }
0x2bf: {  	_ =	swait.ge [sflag:s23], $0x800  }
0x2c0: {  	[sflag:s23] =	ssyncset.done $0x0  }
0x2c1: {  	s4 =	rddreg [dreg:$0x17];
	[sflag:s23] =	ssyncadd.s32 $0xFFFFF800  }
0x2c2: {  	[tilespmem:s28], [sflag:$0x15] =	stream.linear.gather [spmem:s4], $0x800, $0x38;
	[tilespmem:$0x17000] =	vst v63  }
0x2c3: {  	_ =	swait.ge [sflag:s23], $0x800  }
0x2c4: {  	[sflag:s23] =	ssyncset.done $0x0  }
0x2c5: {  	s5 =	rddreg [dreg:$0xa];
	[sflag:s23] =	ssyncadd.s32 $0xFFFFF800  }
0x2c6: {  	[hbm4b:s5+s31] =	stream.linear.scatter [tilespmem:s28], [sflag:$0x15], $0x800, $0x38;
	[tilespmem:$0x17000] =	vst v63  }
0x2c7: {  	_ =	swait.ge [sflag:s23], $0x800  }
0x2c8: {  	[sflag:s23] =	ssyncset.done $0x0  }
0x2c9: {  	s6 =	rddreg [dreg:$0x18];
	[sflag:s23] =	ssyncadd.s32 $0xFFFFF800  }
0x2ca: {  	[tilespmem:s28], [sflag:$0x15] =	stream.linear.gather [spmem:s6], $0x800, $0x38;
	[tilespmem:$0x17000] =	vst v63  }
0x2cb: {  	_ =	swait.ge [sflag:s23], $0x800  }
0x2cc: {  	[sflag:s23] =	ssyncset.done $0x0  }
0x2cd: {  	s7 =	rddreg [dreg:$0xb];
	[sflag:s23] =	ssyncadd.s32 $0xFFFFF800  }
0x2ce: {  	[hbm4b:s7+s31] =	stream.linear.scatter [tilespmem:s28], [sflag:$0x15], $0x800, $0x38;
	[tilespmem:$0x17000] =	vst v63  }
0x2cf: {  	_ =	swait.ge [sflag:s23], $0x800  }
0x2d0: {  	[sflag:s23] =	ssyncset.done $0x0  }
0x2d1: {  	s8 =	rddreg [dreg:$0x19];
	[sflag:s23] =	ssyncadd.s32 $0xFFFFF800  }
0x2d2: {  	[tilespmem:s28], [sflag:$0x15] =	stream.linear.gather [spmem:s8], $0x800, $0x38;
	[tilespmem:$0x17000] =	vst v63  }
0x2d3: {  	_ =	swait.ge [sflag:s23], $0x800  }
0x2d4: {  	[sflag:s23] =	ssyncset.done $0x0  }
0x2d5: {  	s9 =	rddreg [dreg:$0xc];
	[sflag:s23] =	ssyncadd.s32 $0xFFFFF800  }
0x2d6: {  	[hbm4b:s9+s31] =	stream.linear.scatter [tilespmem:s28], [sflag:$0x15], $0x800, $0x38;
	[tilespmem:$0x17000] =	vst v63  }
0x2d7: {  	_ =	swait.ge [sflag:s23], $0x800  }
0x2d8: {  	[sflag:s23] =	ssyncset.done $0x0  }
0x2d9: {  	s10 =	rddreg [dreg:$0x1a];
	[sflag:s23] =	ssyncadd.s32 $0xFFFFF800  }
0x2da: {  	[tilespmem:s28], [sflag:$0x15] =	stream.linear.gather [spmem:s10], $0x800, $0x38;
	[tilespmem:$0x17000] =	vst v63  }
0x2db: {  	_ =	swait.ge [sflag:s23], $0x800  }
0x2dc: {  	[sflag:s23] =	ssyncset.done $0x0  }
0x2dd: {  	s11 =	rddreg [dreg:$0xd];
	[sflag:s23] =	ssyncadd.s32 $0xFFFFF800  }
0x2de: {  	[hbm4b:s11+s31] =	stream.linear.scatter [tilespmem:s28], [sflag:$0x15], $0x800, $0x38;
	[tilespmem:$0x17000] =	vst v63  }
0x2df: {  	_ =	swait.ge [sflag:s23], $0x800  }
0x2e0: {  	[sflag:s23] =	ssyncset.done $0x0  }
0x2e1: {  	s12 =	rddreg [dreg:$0x1b];
	[sflag:s23] =	ssyncadd.s32 $0xFFFFF800  }
0x2e2: {  	[tilespmem:s28], [sflag:$0x15] =	stream.linear.gather [spmem:s12], $0x800, $0x38;
	[tilespmem:$0x17000] =	vst v63  }
0x2e3: {  	_ =	swait.ge [sflag:s23], $0x800  }
0x2e4: {  	[sflag:s23] =	ssyncset.done $0x0  }
0x2e5: {  	s13 =	rddreg [dreg:$0xe];
	[sflag:s23] =	ssyncadd.s32 $0xFFFFF800  }
0x2e6: {  	[hbm4b:s13+s31] =	stream.linear.scatter [tilespmem:s28], [sflag:$0x15], $0x800, $0x38;
	[tilespmem:$0x17000] =	vst v63  }
0x2e7: {  	_ =	swait.ge [sflag:s23], $0x800  }
0x2e8: {  	[sflag:s23] =	ssyncset.done $0x0  }
0x2e9: {  	s14 =	rddreg [dreg:$0x1c];
	[sflag:s23] =	ssyncadd.s32 $0xFFFFF800  }
0x2ea: {  	[tilespmem:s28], [sflag:$0x15] =	stream.linear.gather [spmem:s14], $0x800, $0x38;
	[tilespmem:$0x17000] =	vst v63  }
0x2eb: {  	_ =	swait.ge [sflag:s23], $0x800  }
0x2ec: {  	[sflag:s23] =	ssyncset.done $0x0  }
0x2ed: {  	s17 =	rddreg [dreg:$0xf];
	[sflag:s23] =	ssyncadd.s32 $0xFFFFF800  }
0x2ee: {  	[hbm4b:s17+s31] =	stream.linear.scatter [tilespmem:s28], [sflag:$0x15], $0x800, $0x38;
	[tilespmem:$0x17000] =	vst v63  }
0x2ef: {  	_ =	swait.ge [sflag:s23], $0x800  }
0x2f0: {  	[sflag:s23] =	ssyncset.done $0x0  }
0x2f1: {  	s19 =	rddreg [dreg:$0x1d];
	[sflag:s23] =	ssyncadd.s32 $0xFFFFF800  }
0x2f2: {  	[tilespmem:s28], [sflag:$0x15] =	stream.linear.gather [spmem:s19], $0x800, $0x38;
	[tilespmem:$0x17000] =	vst v63  }
0x2f3: {  	_ =	swait.ge [sflag:s23], $0x800  }
0x2f4: {  	[sflag:s23] =	ssyncset.done $0x0  }
0x2f5: {  	s21 =	rddreg [dreg:$0x10];
	[sflag:s23] =	ssyncadd.s32 $0xFFFFF800  }
0x2f6: {  	[hbm4b:s21+s31] =	stream.linear.scatter [tilespmem:s28], [sflag:$0x15], $0x800, $0x38;
	[tilespmem:$0x17000] =	vst v63  }
0x2f7: {  	_ =	swait.ge [sflag:s23], $0x800  }
0x2f8: {  	[sflag:s23] =	ssyncset.done $0x0  }
0x2f9: {  	s24 =	rddreg [dreg:$0x1e];
	[sflag:s23] =	ssyncadd.s32 $0xFFFFF800  }
0x2fa: {  	[tilespmem:s28], [sflag:$0x15] =	stream.linear.gather [spmem:s24], $0x800, $0x38;
	[tilespmem:$0x17000] =	vst v63  }
0x2fb: {  	_ =	swait.ge [sflag:s23], $0x800  }
0x2fc: {  	[sflag:s23] =	ssyncset.done $0x0  }
0x2fd: {  	s26 =	rddreg [dreg:$0x11];
	[sflag:s23] =	ssyncadd.s32 $0xFFFFF800  }
0x2fe: {  	[hbm4b:s26+s31] =	stream.linear.scatter [tilespmem:s28], [sflag:$0x15], $0x800, $0x38;
	[tilespmem:$0x17000] =	vst v63  }
0x2ff: {  	_ =	swait.ge [sflag:s23], $0x800  }
0x300: {  	s25 =	simm.s32 @!p0 $0xF000;
	[sflag:s23] =	ssyncset.done $0x0  }
0x301: {  	s28 =	rddreg [dreg:$0x13];
	[sflag:s23] =	ssyncadd.s32 $0xFFFFF800;
	s23 =	simm.s32 @!p0 $0x0  }
0x302: {  	[hbm4b:s28+s23] =	stream.linear.scatter @!p0 [tilespmem:s25], [sflag:$0x15], $0x2800, $0x38;
	[tilespmem:$0x17000] =	vst v63  }
0x303: {  	s23 =	simm.s32 @!p0 $0x15  }
0x304: {  	_ =	swait.ge @!p0 [sflag:s23], $0x2800  }
0x305: {  	s28 =	sld [smem:$0x7F5];
	_ =	sdelay $0x2  }
0x306: {  	s31 =	rddreg [dreg:$0x14];
	s0 =	sadd.s32 $0x1, s28  }
0x307: {  	p1 =	sne.s32 s0, s31  }
.Ltmp8:
0x308: {  	s30 =	simm.s32 $0xB000;
	(pc) =	sbr.rel @p1 .LBB2_1-.Ltmp8, $4  }
0x309: {  	s29 =	simm.s32 $0x5;
	s6 =	simm.s32 $0x4;
	s8 =	simm.s32 $0x13  }
0x30a: {  	s9 =	simm.s32 $0xE;
	s10 =	simm.s32 $0x10;
	s11 =	simm.s32 $0x11  }
0x30b: {  	s12 =	simm.s32 $0xF;
	s13 =	simm.s32 $0x12;
	[sflag:s23] =	ssyncset.done @!p0 $0x0  }
0x30c: {  	s21 =	simm.s32 $0x14;
	s26 =	simm.s32 $0xD;
	[sflag:s23] =	ssyncadd.s32 @!p0 $0xFFFFD800  }
0x30d: {  	_ =	sfence.sel $0x180000  }
0x30e: {  	[bflag:$0x0] =	sbarrier.arrive $0xFFFF  }
0x30f: {  	_ =	strace $0x90000047  }
0x310: {  	s0 =	stileid.u32;
	[bflag:$0x2] =	sbarrier.arrive $0xFFFF  }
0x311: {  	p0 =	sne.s32 s0, $0x0;
	s0 =	rddreg [dreg:$0x3]  }
0x312: {  	s0 =	sadd.s32 @!p0 $0x100000, s0  }
0x313: {  	[sflag:s0] =	ssyncadd.tile.s32 @!p0 $0x1;
	_ =	shalt  }
.Lfunc_end2:
_tile_overlayer_lowered:
.L_overlay_start_2:
0x314: {  	(tag) =	ssettag $0x2  }
0x315: {  	s0 =	rddreg [dreg:$0x0];
	s2 =	stileid.u32  }
0x316: {  	s1 =	rddreg [dreg:$0x1];
	p0 =	sne.s32 s2, $0x0  }
0x317: {  	s3 =	rddreg [dreg:$0x2];
	[bflag:$0x3] =	sbarrier.arrive $0xFFFF;
	s2 =	simm.s32 @!p0 $0x1C15  }
0x318: {  	[timem:s3], [sflag:s2] =	dma.local @!p0 [hbm:s0], s1  }
0x319: {  	s0 =	simm.s32 @!p0 $0x15  }
0x31a: {  	_ =	swait.ge @!p0 [sflag:s0], s1  }
0x31b: {  	s1 =	ssub.s32 @!p0 $0x0, s1;
	[sflag:s0] =	ssyncset.done @!p0 $0x0  }
0x31c: {  	[sflag:s0] =	ssyncadd.s32 @!p0 s1  }
0x31d: {  	[bflag:$0x3] =	sbarrier.arrive $0xFFFF  }
0x31e: {  	_ =	shalt  }

</sc_bundles>
